<compile_context>
chip_gen: v7x
topology: tpu7x:2x2x1
jax: 0.10.2.dev20260603
libtpu: 0.0.44.dev20260713+nightly
codegen_flags: <defaults>
</compile_context>

<pallas_src>
import functools

import jax
import jax.numpy as jnp
from jax import lax
from jax.experimental import pallas as pl
from jax.experimental.pallas import tpu as pltpu
from jax.experimental.pallas import tpu_sc as plsc

_N = 10000
_E = 320000
_D = 128
_NC = 2
_NS = 16
_NW = _NC * _NS
_EPW = _E // _NW
_CHUNK = 64
_NFULL = _EPW // _CHUNK
_TAIL = _EPW - _NFULL * _CHUNK
_RING = 4
_LOOK = _RING - 1
_RPT = 624
_RPT_LAST = _N - 15 * _RPT
_PTR_PAD = 10008
_LANES = 16


def _sc_aggregate_fn():
  mesh = plsc.VectorSubcoreMesh(core_axis_name="c", subcore_axis_name="s")

  @functools.partial(
      pl.kernel,
      out_type=jax.ShapeDtypeStruct((_NC, _N, _D), jnp.float32),
      mesh=mesh,
      compiler_params=pltpu.CompilerParams(needs_layout_passes=False),
      scratch_types=[
          pltpu.VMEM((_PTR_PAD,), jnp.int32),
          [pltpu.VMEM((_CHUNK, _D), jnp.float32) for _ in range(_RING)],
          [pltpu.VMEM((_CHUNK,), jnp.int32) for _ in range(_RING)],
          pltpu.VMEM((_CHUNK,), jnp.int32),
          pltpu.VMEM((_TAIL, _D), jnp.float32),
          pltpu.VMEM((_TAIL,), jnp.int32),
          pltpu.VMEM((_TAIL,), jnp.int32),
          [pltpu.SemaphoreType.DMA for _ in range(_RING)],
          [pltpu.SemaphoreType.DMA for _ in range(_RING)],
          pltpu.SemaphoreType.DMA,
          pltpu.VMEM_SHARED((_N, _D), jnp.float32),
      ],
  )
  def agg_kernel(embed_hbm, edges_hbm, ptr_hbm, zeros_hbm, out_hbm,
                 ptr_v, rows_ring, idx_ring, dst_v, rows_t, idx_t, dst_t,
                 isems, gsems, tsem, accum_sh):
    cid = lax.axis_index("c")
    sid = lax.axis_index("s")
    wid = cid * _NS + sid
    ebase = wid * _EPW

    @pl.when(sid < _NS - 1)
    def _():
      pltpu.async_copy(zeros_hbm.at[pl.ds(0, _RPT)],
                       accum_sh.at[pl.ds(sid * _RPT, _RPT)], tsem)

    @pl.when(sid == _NS - 1)
    def _():
      pltpu.async_copy(zeros_hbm,
                       accum_sh.at[pl.ds((_NS - 1) * _RPT, _RPT_LAST)],
                       tsem)

    pltpu.sync_copy(ptr_hbm, ptr_v)

    iota = lax.iota(jnp.int32, _LANES)
    zero16 = jnp.zeros((_LANES,), jnp.int32)

    def start_idx(g, islot):
      pltpu.async_copy(edges_hbm.at[pl.ds(ebase + g * _CHUNK, _CHUNK)],
                       idx_ring[islot], isems[islot])

    def compute_dst(cbase, csize, dst_ref, a):
      cend = cbase + csize
      a_g = a
      for v in range(csize // _LANES):
        dst_ref[pl.ds(v * _LANES, _LANES)] = zero16

      def wcond(a_c):
        a_vec = zero16 + jnp.minimum(a_c, _N)
        val = jnp.max(plsc.load_gather(ptr_v, [a_vec]))
        return (a_c <= _N) & (val < cend)

      def wbody(a_c):
        k = a_c + iota
        x = plsc.load_gather(ptr_v, [jnp.minimum(k, _PTR_PAD - 1)])
        xn = plsc.load_gather(ptr_v, [jnp.minimum(k + 1, _PTR_PAD - 1)])
        in_mask = (k <= _N) & (x < cend)
        plsc.store_scatter(dst_ref, [x - cbase], k + 1,
                           mask=in_mask & (x != xn))
        cnt = plsc.all_reduce_population_count(in_mask)
        return a_c + jnp.max(cnt)

      a = lax.while_loop(wcond, wbody, a)

      cms = [plsc.cummax(dst_ref[pl.ds(v * _LANES, _LANES)])
             for v in range(csize // _LANES)]
      carry = a_g
      for v in range(csize // _LANES):
        cm = jnp.maximum(cms[v], carry)
        dst_ref[pl.ds(v * _LANES, _LANES)] = jnp.clip(cm - 1, 0, _N - 1)
        carry = jnp.max(cm)
      return a

    j0 = jnp.full((_LANES,), ebase - 1, jnp.int32)
    pos = zero16
    step = 8192
    while step >= 1:
      probe = pos + (step - 1)
      val = plsc.load_gather(ptr_v, [jnp.minimum(probe, _N)])
      pos = jnp.where((probe <= _N) & (val <= j0), pos + step, pos)
      step //= 2
    a0 = jnp.max(pos)

    for s in range(_RING):
      start_idx(s, s)
    for s in range(_LOOK):
      pltpu.make_async_copy(edges_hbm.at[pl.ds(ebase + s * _CHUNK, _CHUNK)],
                            idx_ring[s], isems[s]).wait()
      pltpu.async_copy(embed_hbm.at[idx_ring[s]], rows_ring[s], gsems[s])

    def process(g, s, a):
      a = compute_dst(ebase + g * _CHUNK, _CHUNK, dst_v, a)
      pltpu.make_async_copy(embed_hbm.at[idx_ring[s]], rows_ring[s],
                            gsems[s]).wait()
      pltpu.sync_copy(rows_ring[s], accum_sh.at[dst_v], add=True)
      return a

    def issue_next(g, s):
      t = (s + _LOOK) % _RING
      gnext = g + _LOOK
      pltpu.make_async_copy(
          edges_hbm.at[pl.ds(ebase + gnext * _CHUNK, _CHUNK)],
          idx_ring[t], isems[t]).wait()
      pltpu.async_copy(embed_hbm.at[idx_ring[t]], rows_ring[t], gsems[t])

    def outer(gg, a):
      for s in range(_RING):
        g = gg * _RING + s
        a = process(g, s, a)

        @pl.when(g + _RING < _NFULL)
        def _():
          start_idx(g + _RING, s)

        issue_next(g, s)
      return a

    @pl.when(sid < _NS - 1)
    def _():
      pltpu.make_async_copy(zeros_hbm.at[pl.ds(0, _RPT)],
                            accum_sh.at[pl.ds(sid * _RPT, _RPT)],
                            tsem).wait()

    @pl.when(sid == _NS - 1)
    def _():
      pltpu.make_async_copy(
          zeros_hbm, accum_sh.at[pl.ds((_NS - 1) * _RPT, _RPT_LAST)],
          tsem).wait()

    plsc.subcore_barrier()

    a_fin = lax.fori_loop(0, (_NFULL - _RING) // _RING, outer, a0)
    a_fin = process(_NFULL - 4, 0, a_fin)
    issue_next(_NFULL - 4, 0)
    a_fin = process(_NFULL - 3, 1, a_fin)
    a_fin = process(_NFULL - 2, 2, a_fin)
    a_fin = process(_NFULL - 1, 3, a_fin)
    tbase = ebase + _NFULL * _CHUNK
    pltpu.async_copy(edges_hbm.at[pl.ds(tbase, _TAIL)], idx_t, tsem).wait()
    pltpu.async_copy(embed_hbm.at[idx_t], rows_t, tsem).wait()
    compute_dst(tbase, _TAIL, dst_t, a_fin)
    pltpu.sync_copy(rows_t, accum_sh.at[dst_t], add=True)
    plsc.subcore_barrier()

    @pl.when(sid < _NS - 1)
    def _():
      row0 = sid * _RPT
      pltpu.sync_copy(accum_sh.at[pl.ds(row0, _RPT)],
                      out_hbm.at[cid, pl.ds(row0, _RPT)])

    @pl.when(sid == _NS - 1)
    def _():
      row0 = (_NS - 1) * _RPT
      pltpu.sync_copy(accum_sh.at[pl.ds(row0, _RPT_LAST)],
                      out_hbm.at[cid, pl.ds(row0, _RPT_LAST)])

  return agg_kernel


_ROWS_BLK = 1000


def _tc_tail_kernel(a_ref, deg_ref, wh_ref, bh_ref, wt_ref, bt_ref, o_ref):
  agg = a_ref[0] + a_ref[1]
  h = lax.dot_general(agg, wh_ref[...], (((1,), (1,)), ((), ())),
                      preferred_element_type=jnp.float32)
  h = jnp.maximum(h + deg_ref[...] * bh_ref[...], 0.0)
  z = lax.dot_general(h, wt_ref[...], (((1,), (1,)), ((), ())),
                      preferred_element_type=jnp.float32)
  z = jnp.maximum(z + bt_ref[...], 0.0)
  shifted = z - jnp.max(z, axis=-1, keepdims=True)
  o_ref[...] = shifted - jnp.log(
      jnp.sum(jnp.exp(shifted), axis=-1, keepdims=True))


def _tc_tail(partials, deg, W_head, b_head, W_tail, b_tail):
  grid = (_N // _ROWS_BLK,)
  return pl.pallas_call(
      _tc_tail_kernel,
      grid=grid,
      in_specs=[
          pl.BlockSpec((_NC, _ROWS_BLK, _D), lambda i: (0, i, 0)),
          pl.BlockSpec((_ROWS_BLK, 1), lambda i: (i, 0)),
          pl.BlockSpec((_D, _D), lambda i: (0, 0)),
          pl.BlockSpec((1, _D), lambda i: (0, 0)),
          pl.BlockSpec((64, _D), lambda i: (0, 0)),
          pl.BlockSpec((1, 64), lambda i: (0, 0)),
      ],
      out_specs=pl.BlockSpec((_ROWS_BLK, 64), lambda i: (i, 0)),
      out_shape=jax.ShapeDtypeStruct((_N, 64), jnp.float32),
  )(partials, deg, W_head, b_head, W_tail, b_tail)


def kernel(numGroups, nodePointer, ebd_dim, numNodes, groupNodePointer,
           edgeList, embed, W_head, b_head, W_hidden, b_hidden, W_tail,
           b_tail):
  ptr = nodePointer.astype(jnp.int32)
  ptr_pad = jnp.pad(ptr, (0, _PTR_PAD - (_N + 1)),
                    constant_values=jnp.iinfo(jnp.int32).max)
  deg = (ptr[1:] - ptr[:-1]).astype(jnp.float32)
  deg = deg.at[0].set(ptr[1].astype(jnp.float32))
  deg = deg.at[-1].set(jnp.float32(_E) - ptr[_N - 1].astype(jnp.float32))
  deg = deg.reshape(_N, 1)

  zeros_init = jnp.zeros((_RPT_LAST, _D), jnp.float32)

  partials = _sc_aggregate_fn()(
      embed, edgeList.astype(jnp.int32), ptr_pad, zeros_init)

  return _tc_tail(partials, deg, W_head, b_head.reshape(1, _D),
                  W_tail, b_tail.reshape(1, 64))

# --- scband reference (transcript-rebuilt; emitter-appended) ---
"""Pipeline reference for scband-gcn-2628519985408 (READ-ONLY COPY).

The authoritative reference and input builder live on the scoring server;
editing this copy changes nothing except your own understanding.
"""

import jax, jax.numpy as jnp
import numpy as np

N_NODES = 10000
N_EDGES = 320000
D_FEAT = 128
N_HIDDEN = 128
N_CLASS = 64
N_GROUPS = 20000


def setup_inputs(seed: int = 0) -> dict:
    key = jax.random.key(seed)
    ks = jax.random.split(key, 12)
    embed = jax.random.normal(ks[0], (N_NODES, D_FEAT), dtype=jnp.float32)
    edgeList = jax.random.randint(ks[1], (N_EDGES,), 0, N_NODES)
    nodePointer = jnp.sort(jax.random.randint(ks[2], (N_NODES + 1,), 0, N_EDGES))
    groupNodePointer = jnp.sort(jax.random.randint(ks[3], (N_GROUPS,), 0, N_NODES))
    # learned params (nn.Linear: y = x @ W.T + b, W shape [out, in])
    W_head = jax.random.normal(ks[4], (N_HIDDEN, D_FEAT), dtype=jnp.float32) * (1.0 / np.sqrt(D_FEAT))
    b_head = jnp.zeros((N_HIDDEN,), dtype=jnp.float32)
    W_hidden = jax.random.normal(ks[5], (N_HIDDEN, N_HIDDEN), dtype=jnp.float32) * (1.0 / np.sqrt(N_HIDDEN))
    b_hidden = jnp.zeros((N_HIDDEN,), dtype=jnp.float32)
    W_tail = jax.random.normal(ks[6], (N_CLASS, N_HIDDEN), dtype=jnp.float32) * (1.0 / np.sqrt(N_HIDDEN))
    b_tail = jnp.zeros((N_CLASS,), dtype=jnp.float32)
    return {
        "numGroups": N_GROUPS,
        "nodePointer": nodePointer,
        "ebd_dim": D_FEAT,
        "numNodes": N_NODES,
        "groupNodePointer": groupNodePointer,
        "edgeList": edgeList,
        "embed": embed,
        "W_head": W_head,
        "b_head": b_head,
        "W_hidden": W_hidden,
        "b_hidden": b_hidden,
        "W_tail": W_tail,
        "b_tail": b_tail,
    }


def _aggregate(x, nodePointer, edgeList, numNodes):
    # GCN_SAG: CSR neighbor-sum aggregation. nodePointer is a CSR row pointer
    # over edgeList; destination node of edge j is the row containing j.
    E = edgeList.shape[0]
    num_segments = nodePointer.shape[0] - 1
    dst = jnp.clip(jnp.searchsorted(nodePointer, jnp.arange(E), side="right") - 1, 0, numNodes - 1)
    gathered = jnp.take(x, edgeList, axis=0)
    return jax.ops.segment_sum(gathered, dst, num_segments=num_segments)


def reference(numGroups, nodePointer, ebd_dim, numNodes, groupNodePointer, edgeList, embed,
              W_head, b_head, W_hidden, b_hidden, W_tail, b_tail):
    # head_update
    x = embed @ W_head.T + b_head
    # aggre (groupNodePointer/numGroups are kernel-scheduling metadata; math is CSR sum)
    x = _aggregate(x, nodePointer, edgeList, numNodes)
    x = jax.nn.relu(x)
    # n_hidden_layers = 1 -> hidden loop executes 0 times
    # tail_update
    x = x @ W_tail.T + b_tail
    x = jax.nn.relu(x)
    return jax.nn.log_softmax(x, axis=-1)

if __name__ == "__main__":
    import jax
    _d = setup_inputs()
    print(jax.jit(kernel)(*tuple(_d.values())))

</pallas_src>

<mosaic_0001>
#map = affine_map<(d0, d1) -> (0, 0)>
#map1 = affine_map<(d0, d1) -> (0)>
#map2 = affine_map<(d0, d1) -> (0, 0, 0)>
module attributes {stable_mosaic.version = 14 : i64} {
  func.func @agg_kernel(%arg0: i32, %arg1: i32, %arg2: memref<10000x128xf32, #tpu.memory_space<hbm>>, %arg3: memref<320000xi32, #tpu.memory_space<hbm>>, %arg4: memref<10008xi32, #tpu.memory_space<hbm>>, %arg5: memref<640x128xf32, #tpu.memory_space<hbm>>, %arg6: memref<2x10000x128xf32, #tpu.memory_space<hbm>>, %arg7: memref<10008xi32, #tpu.memory_space<vmem>>, %arg8: memref<64x128xf32, #tpu.memory_space<vmem>>, %arg9: memref<64x128xf32, #tpu.memory_space<vmem>>, %arg10: memref<64x128xf32, #tpu.memory_space<vmem>>, %arg11: memref<64x128xf32, #tpu.memory_space<vmem>>, %arg12: memref<64xi32, #tpu.memory_space<vmem>>, %arg13: memref<64xi32, #tpu.memory_space<vmem>>, %arg14: memref<64xi32, #tpu.memory_space<vmem>>, %arg15: memref<64xi32, #tpu.memory_space<vmem>>, %arg16: memref<64xi32, #tpu.memory_space<vmem>>, %arg17: memref<16x128xf32, #tpu.memory_space<vmem>>, %arg18: memref<16xi32, #tpu.memory_space<vmem>>, %arg19: memref<16xi32, #tpu.memory_space<vmem>>, %arg20: memref<!tpu.dma_semaphore, #tpu.memory_space<semaphore_mem>>, %arg21: memref<!tpu.dma_semaphore, #tpu.memory_space<semaphore_mem>>, %arg22: memref<!tpu.dma_semaphore, #tpu.memory_space<semaphore_mem>>, %arg23: memref<!tpu.dma_semaphore, #tpu.memory_space<semaphore_mem>>, %arg24: memref<!tpu.dma_semaphore, #tpu.memory_space<semaphore_mem>>, %arg25: memref<!tpu.dma_semaphore, #tpu.memory_space<semaphore_mem>>, %arg26: memref<!tpu.dma_semaphore, #tpu.memory_space<semaphore_mem>>, %arg27: memref<!tpu.dma_semaphore, #tpu.memory_space<semaphore_mem>>, %arg28: memref<!tpu.dma_semaphore, #tpu.memory_space<semaphore_mem>>, %arg29: memref<10000x128xf32, #tpu.memory_space<vmem_shared>>) attributes {dimension_semantics = [#tpu.dimension_semantics<core_parallel>, #tpu.dimension_semantics<subcore_parallel>], iteration_bounds = array<i64: 2, 16>, scalar_prefetch = 0 : i64, scratch_operands = 23 : i64, tpu.core_type = #tpu.core_type<sc_vector_subcore>, window_params = [{transform_indices = #map}, {transform_indices = #map1}, {transform_indices = #map1}, {transform_indices = #map}, {transform_indices = #map2}]} {
    %mul3A = arith.constant 16 : i32
    %mul3A_0 = arith.muli %arg0, %mul3A : i32
    %add3A = arith.addi %mul3A_0, %arg1 : i32
    %mul3A_1 = arith.constant 10000 : i32
    %mul3A_2 = arith.muli %add3A, %mul3A_1 : i32
    %lt3A = arith.constant 15 : i32
    %lt3A_3 = arith.cmpi slt, %arg1, %lt3A : i32
    %convert_element_type3A = arith.extui %lt3A_3 : i1 to i32
    %cond3A = arith.constant 0 : i32
    %cond3A_4 = arith.cmpi ne, %convert_element_type3A, %cond3A : i32
    scf.if %cond3A_4 {
      %mul3A_891 = arith.constant 624 : i32
      %mul3A_892 = arith.muli %arg1, %mul3A_891 : i32
      %dma_start3A_893 = arith.constant 0 : i32
      %dma_start3A_894 = tpu.memref_slice %arg29[%mul3A_892, %dma_start3A_893] : memref<10000x128xf32, #tpu.memory_space<vmem_shared>> -> memref<624x128xf32, #tpu.memory_space<vmem_shared>>
      %dma_start3A_895 = arith.constant 0 : i32
      %dma_start3A_896 = arith.constant 0 : i32
      %dma_start3A_897 = tpu.memref_slice %arg5[%dma_start3A_895, %dma_start3A_896] : memref<640x128xf32, #tpu.memory_space<hbm>> -> memref<624x128xf32, #tpu.memory_space<hbm>>
      tpu.enqueue_dma source(%dma_start3A_897 : memref<624x128xf32, #tpu.memory_space<hbm>>) target(%dma_start3A_894 : memref<624x128xf32, #tpu.memory_space<vmem_shared>>) target_semaphore(%arg28 : memref<!tpu.dma_semaphore, #tpu.memory_space<semaphore_mem>>)
    } else {
    }
    %eq3A = arith.constant 15 : i32
    %eq3A_5 = arith.cmpi eq, %arg1, %eq3A : i32
    %convert_element_type3A_6 = arith.extui %eq3A_5 : i1 to i32
    %cond3A_7 = arith.constant 0 : i32
    %cond3A_8 = arith.cmpi ne, %convert_element_type3A_6, %cond3A_7 : i32
    scf.if %cond3A_8 {
      %dma_start3A_891 = arith.constant 9360 : i32
      %dma_start3A_892 = arith.constant 0 : i32
      %dma_start3A_893 = tpu.memref_slice %arg29[%dma_start3A_891, %dma_start3A_892] : memref<10000x128xf32, #tpu.memory_space<vmem_shared>> -> memref<640x128xf32, #tpu.memory_space<vmem_shared>>
      tpu.enqueue_dma source(%arg5 : memref<640x128xf32, #tpu.memory_space<hbm>>) target(%dma_start3A_893 : memref<640x128xf32, #tpu.memory_space<vmem_shared>>) target_semaphore(%arg28 : memref<!tpu.dma_semaphore, #tpu.memory_space<semaphore_mem>>)
    } else {
    }
    "tpu.region"() ({
      %run_scoped3A = tpu.sem_alloc : memref<!tpu.dma_semaphore, #tpu.memory_space<semaphore_mem>>
      tpu.enqueue_dma source(%arg4 : memref<10008xi32, #tpu.memory_space<hbm>>) target(%arg7 : memref<10008xi32, #tpu.memory_space<vmem>>) target_semaphore(%run_scoped3A : memref<!tpu.dma_semaphore, #tpu.memory_space<semaphore_mem>>)
      tpu.wait_dma2 semaphore(%run_scoped3A : memref<!tpu.dma_semaphore, #tpu.memory_space<semaphore_mem>>) src(%arg4 : memref<10008xi32, #tpu.memory_space<hbm>>) dst(%arg7 : memref<10008xi32, #tpu.memory_space<vmem>>)
      tpu.yield
    }) : () -> ()
    %iota3A = tpu.iota {dimensions = array<i32: 0>} : vector<16xi32>
    %broadcast_in_dim3A = arith.constant 0 : i32
    %broadcast_in_dim3A_9 = vector.broadcast %broadcast_in_dim3A : i32 to vector<16xi32>
    %sub3A = arith.constant 1 : i32
    %sub3A_10 = arith.subi %mul3A_2, %sub3A : i32
    %broadcast_in_dim3A_11 = vector.broadcast %sub3A_10 : i32 to vector<16xi32>
    %add3A_12 = arith.constant 8191 : i32
    %add3A_13 = vector.broadcast %add3A_12 : i32 to vector<16xi32>
    %add3A_14 = arith.addi %broadcast_in_dim3A_9, %add3A_13 : vector<16xi32>
    %min3A = arith.constant 10000 : i32
    %min3A_15 = vector.broadcast %min3A : i32 to vector<16xi32>
    %min3A_16 = arith.minsi %add3A_14, %min3A_15 : vector<16xi32>
    %gather3A = tpu.vector_load_idx %arg7[%min3A_16] : memref<10008xi32, #tpu.memory_space<vmem>>[vector<16xi32>], vector<16xi32>,
    %le3A = arith.constant 10000 : i32
    %le3A_17 = vector.broadcast %le3A : i32 to vector<16xi32>
    %le3A_18 = arith.cmpi sle, %add3A_14, %le3A_17 : vector<16xi32>
    %le3A_19 = arith.cmpi sle, %gather3A, %broadcast_in_dim3A_11 : vector<16xi32>
    %and3A = arith.andi %le3A_18, %le3A_19 : vector<16xi1>
    %add3A_20 = arith.constant 8192 : i32
    %add3A_21 = vector.broadcast %add3A_20 : i32 to vector<16xi32>
    %add3A_22 = arith.addi %broadcast_in_dim3A_9, %add3A_21 : vector<16xi32>
    %select_n3A = arith.select %and3A, %add3A_22, %broadcast_in_dim3A_9 : vector<16xi1>, vector<16xi32>
    %add3A_23 = arith.constant 4095 : i32
    %add3A_24 = vector.broadcast %add3A_23 : i32 to vector<16xi32>
    %add3A_25 = arith.addi %select_n3A, %add3A_24 : vector<16xi32>
    %min3A_26 = arith.constant 10000 : i32
    %min3A_27 = vector.broadcast %min3A_26 : i32 to vector<16xi32>
    %min3A_28 = arith.minsi %add3A_25, %min3A_27 : vector<16xi32>
    %gather3A_29 = tpu.vector_load_idx %arg7[%min3A_28] : memref<10008xi32, #tpu.memory_space<vmem>>[vector<16xi32>], vector<16xi32>,
    %le3A_30 = arith.constant 10000 : i32
    %le3A_31 = vector.broadcast %le3A_30 : i32 to vector<16xi32>
    %le3A_32 = arith.cmpi sle, %add3A_25, %le3A_31 : vector<16xi32>
    %le3A_33 = arith.cmpi sle, %gather3A_29, %broadcast_in_dim3A_11 : vector<16xi32>
    %and3A_34 = arith.andi %le3A_32, %le3A_33 : vector<16xi1>
    %add3A_35 = arith.constant 4096 : i32
    %add3A_36 = vector.broadcast %add3A_35 : i32 to vector<16xi32>
    %add3A_37 = arith.addi %select_n3A, %add3A_36 : vector<16xi32>
    %select_n3A_38 = arith.select %and3A_34, %add3A_37, %select_n3A : vector<16xi1>, vector<16xi32>
    %add3A_39 = arith.constant 2047 : i32
    %add3A_40 = vector.broadcast %add3A_39 : i32 to vector<16xi32>
    %add3A_41 = arith.addi %select_n3A_38, %add3A_40 : vector<16xi32>
    %min3A_42 = arith.constant 10000 : i32
    %min3A_43 = vector.broadcast %min3A_42 : i32 to vector<16xi32>
    %min3A_44 = arith.minsi %add3A_41, %min3A_43 : vector<16xi32>
    %gather3A_45 = tpu.vector_load_idx %arg7[%min3A_44] : memref<10008xi32, #tpu.memory_space<vmem>>[vector<16xi32>], vector<16xi32>,
    %le3A_46 = arith.constant 10000 : i32
    %le3A_47 = vector.broadcast %le3A_46 : i32 to vector<16xi32>
    %le3A_48 = arith.cmpi sle, %add3A_41, %le3A_47 : vector<16xi32>
    %le3A_49 = arith.cmpi sle, %gather3A_45, %broadcast_in_dim3A_11 : vector<16xi32>
    %and3A_50 = arith.andi %le3A_48, %le3A_49 : vector<16xi1>
    %add3A_51 = arith.constant 2048 : i32
    %add3A_52 = vector.broadcast %add3A_51 : i32 to vector<16xi32>
    %add3A_53 = arith.addi %select_n3A_38, %add3A_52 : vector<16xi32>
    %select_n3A_54 = arith.select %and3A_50, %add3A_53, %select_n3A_38 : vector<16xi1>, vector<16xi32>
    %add3A_55 = arith.constant 1023 : i32
    %add3A_56 = vector.broadcast %add3A_55 : i32 to vector<16xi32>
    %add3A_57 = arith.addi %select_n3A_54, %add3A_56 : vector<16xi32>
    %min3A_58 = arith.constant 10000 : i32
    %min3A_59 = vector.broadcast %min3A_58 : i32 to vector<16xi32>
    %min3A_60 = arith.minsi %add3A_57, %min3A_59 : vector<16xi32>
    %gather3A_61 = tpu.vector_load_idx %arg7[%min3A_60] : memref<10008xi32, #tpu.memory_space<vmem>>[vector<16xi32>], vector<16xi32>,
    %le3A_62 = arith.constant 10000 : i32
    %le3A_63 = vector.broadcast %le3A_62 : i32 to vector<16xi32>
    %le3A_64 = arith.cmpi sle, %add3A_57, %le3A_63 : vector<16xi32>
    %le3A_65 = arith.cmpi sle, %gather3A_61, %broadcast_in_dim3A_11 : vector<16xi32>
    %and3A_66 = arith.andi %le3A_64, %le3A_65 : vector<16xi1>
    %add3A_67 = arith.constant 1024 : i32
    %add3A_68 = vector.broadcast %add3A_67 : i32 to vector<16xi32>
    %add3A_69 = arith.addi %select_n3A_54, %add3A_68 : vector<16xi32>
    %select_n3A_70 = arith.select %and3A_66, %add3A_69, %select_n3A_54 : vector<16xi1>, vector<16xi32>
    %add3A_71 = arith.constant 511 : i32
    %add3A_72 = vector.broadcast %add3A_71 : i32 to vector<16xi32>
    %add3A_73 = arith.addi %select_n3A_70, %add3A_72 : vector<16xi32>
    %min3A_74 = arith.constant 10000 : i32
    %min3A_75 = vector.broadcast %min3A_74 : i32 to vector<16xi32>
    %min3A_76 = arith.minsi %add3A_73, %min3A_75 : vector<16xi32>
    %gather3A_77 = tpu.vector_load_idx %arg7[%min3A_76] : memref<10008xi32, #tpu.memory_space<vmem>>[vector<16xi32>], vector<16xi32>,
    %le3A_78 = arith.constant 10000 : i32
    %le3A_79 = vector.broadcast %le3A_78 : i32 to vector<16xi32>
    %le3A_80 = arith.cmpi sle, %add3A_73, %le3A_79 : vector<16xi32>
    %le3A_81 = arith.cmpi sle, %gather3A_77, %broadcast_in_dim3A_11 : vector<16xi32>
    %and3A_82 = arith.andi %le3A_80, %le3A_81 : vector<16xi1>
    %add3A_83 = arith.constant 512 : i32
    %add3A_84 = vector.broadcast %add3A_83 : i32 to vector<16xi32>
    %add3A_85 = arith.addi %select_n3A_70, %add3A_84 : vector<16xi32>
    %select_n3A_86 = arith.select %and3A_82, %add3A_85, %select_n3A_70 : vector<16xi1>, vector<16xi32>
    %add3A_87 = arith.constant 255 : i32
    %add3A_88 = vector.broadcast %add3A_87 : i32 to vector<16xi32>
    %add3A_89 = arith.addi %select_n3A_86, %add3A_88 : vector<16xi32>
    %min3A_90 = arith.constant 10000 : i32
    %min3A_91 = vector.broadcast %min3A_90 : i32 to vector<16xi32>
    %min3A_92 = arith.minsi %add3A_89, %min3A_91 : vector<16xi32>
    %gather3A_93 = tpu.vector_load_idx %arg7[%min3A_92] : memref<10008xi32, #tpu.memory_space<vmem>>[vector<16xi32>], vector<16xi32>,
    %le3A_94 = arith.constant 10000 : i32
    %le3A_95 = vector.broadcast %le3A_94 : i32 to vector<16xi32>
    %le3A_96 = arith.cmpi sle, %add3A_89, %le3A_95 : vector<16xi32>
    %le3A_97 = arith.cmpi sle, %gather3A_93, %broadcast_in_dim3A_11 : vector<16xi32>
    %and3A_98 = arith.andi %le3A_96, %le3A_97 : vector<16xi1>
    %add3A_99 = arith.constant 256 : i32
    %add3A_100 = vector.broadcast %add3A_99 : i32 to vector<16xi32>
    %add3A_101 = arith.addi %select_n3A_86, %add3A_100 : vector<16xi32>
    %select_n3A_102 = arith.select %and3A_98, %add3A_101, %select_n3A_86 : vector<16xi1>, vector<16xi32>
    %add3A_103 = arith.constant 127 : i32
    %add3A_104 = vector.broadcast %add3A_103 : i32 to vector<16xi32>
    %add3A_105 = arith.addi %select_n3A_102, %add3A_104 : vector<16xi32>
    %min3A_106 = arith.constant 10000 : i32
    %min3A_107 = vector.broadcast %min3A_106 : i32 to vector<16xi32>
    %min3A_108 = arith.minsi %add3A_105, %min3A_107 : vector<16xi32>
    %gather3A_109 = tpu.vector_load_idx %arg7[%min3A_108] : memref<10008xi32, #tpu.memory_space<vmem>>[vector<16xi32>], vector<16xi32>,
    %le3A_110 = arith.constant 10000 : i32
    %le3A_111 = vector.broadcast %le3A_110 : i32 to vector<16xi32>
    %le3A_112 = arith.cmpi sle, %add3A_105, %le3A_111 : vector<16xi32>
    %le3A_113 = arith.cmpi sle, %gather3A_109, %broadcast_in_dim3A_11 : vector<16xi32>
    %and3A_114 = arith.andi %le3A_112, %le3A_113 : vector<16xi1>
    %add3A_115 = arith.constant 128 : i32
    %add3A_116 = vector.broadcast %add3A_115 : i32 to vector<16xi32>
    %add3A_117 = arith.addi %select_n3A_102, %add3A_116 : vector<16xi32>
    %select_n3A_118 = arith.select %and3A_114, %add3A_117, %select_n3A_102 : vector<16xi1>, vector<16xi32>
    %add3A_119 = arith.constant 63 : i32
    %add3A_120 = vector.broadcast %add3A_119 : i32 to vector<16xi32>
    %add3A_121 = arith.addi %select_n3A_118, %add3A_120 : vector<16xi32>
    %min3A_122 = arith.constant 10000 : i32
    %min3A_123 = vector.broadcast %min3A_122 : i32 to vector<16xi32>
    %min3A_124 = arith.minsi %add3A_121, %min3A_123 : vector<16xi32>
    %gather3A_125 = tpu.vector_load_idx %arg7[%min3A_124] : memref<10008xi32, #tpu.memory_space<vmem>>[vector<16xi32>], vector<16xi32>,
    %le3A_126 = arith.constant 10000 : i32
    %le3A_127 = vector.broadcast %le3A_126 : i32 to vector<16xi32>
    %le3A_128 = arith.cmpi sle, %add3A_121, %le3A_127 : vector<16xi32>
    %le3A_129 = arith.cmpi sle, %gather3A_125, %broadcast_in_dim3A_11 : vector<16xi32>
    %and3A_130 = arith.andi %le3A_128, %le3A_129 : vector<16xi1>
    %add3A_131 = arith.constant 64 : i32
    %add3A_132 = vector.broadcast %add3A_131 : i32 to vector<16xi32>
    %add3A_133 = arith.addi %select_n3A_118, %add3A_132 : vector<16xi32>
    %select_n3A_134 = arith.select %and3A_130, %add3A_133, %select_n3A_118 : vector<16xi1>, vector<16xi32>
    %add3A_135 = arith.constant 31 : i32
    %add3A_136 = vector.broadcast %add3A_135 : i32 to vector<16xi32>
    %add3A_137 = arith.addi %select_n3A_134, %add3A_136 : vector<16xi32>
    %min3A_138 = arith.constant 10000 : i32
    %min3A_139 = vector.broadcast %min3A_138 : i32 to vector<16xi32>
    %min3A_140 = arith.minsi %add3A_137, %min3A_139 : vector<16xi32>
    %gather3A_141 = tpu.vector_load_idx %arg7[%min3A_140] : memref<10008xi32, #tpu.memory_space<vmem>>[vector<16xi32>], vector<16xi32>,
    %le3A_142 = arith.constant 10000 : i32
    %le3A_143 = vector.broadcast %le3A_142 : i32 to vector<16xi32>
    %le3A_144 = arith.cmpi sle, %add3A_137, %le3A_143 : vector<16xi32>
    %le3A_145 = arith.cmpi sle, %gather3A_141, %broadcast_in_dim3A_11 : vector<16xi32>
    %and3A_146 = arith.andi %le3A_144, %le3A_145 : vector<16xi1>
    %add3A_147 = arith.constant 32 : i32
    %add3A_148 = vector.broadcast %add3A_147 : i32 to vector<16xi32>
    %add3A_149 = arith.addi %select_n3A_134, %add3A_148 : vector<16xi32>
    %select_n3A_150 = arith.select %and3A_146, %add3A_149, %select_n3A_134 : vector<16xi1>, vector<16xi32>
    %add3A_151 = arith.constant 15 : i32
    %add3A_152 = vector.broadcast %add3A_151 : i32 to vector<16xi32>
    %add3A_153 = arith.addi %select_n3A_150, %add3A_152 : vector<16xi32>
    %min3A_154 = arith.constant 10000 : i32
    %min3A_155 = vector.broadcast %min3A_154 : i32 to vector<16xi32>
    %min3A_156 = arith.minsi %add3A_153, %min3A_155 : vector<16xi32>
    %gather3A_157 = tpu.vector_load_idx %arg7[%min3A_156] : memref<10008xi32, #tpu.memory_space<vmem>>[vector<16xi32>], vector<16xi32>,
    %le3A_158 = arith.constant 10000 : i32
    %le3A_159 = vector.broadcast %le3A_158 : i32 to vector<16xi32>
    %le3A_160 = arith.cmpi sle, %add3A_153, %le3A_159 : vector<16xi32>
    %le3A_161 = arith.cmpi sle, %gather3A_157, %broadcast_in_dim3A_11 : vector<16xi32>
    %and3A_162 = arith.andi %le3A_160, %le3A_161 : vector<16xi1>
    %add3A_163 = arith.constant 16 : i32
    %add3A_164 = vector.broadcast %add3A_163 : i32 to vector<16xi32>
    %add3A_165 = arith.addi %select_n3A_150, %add3A_164 : vector<16xi32>
    %select_n3A_166 = arith.select %and3A_162, %add3A_165, %select_n3A_150 : vector<16xi1>, vector<16xi32>
    %add3A_167 = arith.constant 7 : i32
    %add3A_168 = vector.broadcast %add3A_167 : i32 to vector<16xi32>
    %add3A_169 = arith.addi %select_n3A_166, %add3A_168 : vector<16xi32>
    %min3A_170 = arith.constant 10000 : i32
    %min3A_171 = vector.broadcast %min3A_170 : i32 to vector<16xi32>
    %min3A_172 = arith.minsi %add3A_169, %min3A_171 : vector<16xi32>
    %gather3A_173 = tpu.vector_load_idx %arg7[%min3A_172] : memref<10008xi32, #tpu.memory_space<vmem>>[vector<16xi32>], vector<16xi32>,
    %le3A_174 = arith.constant 10000 : i32
    %le3A_175 = vector.broadcast %le3A_174 : i32 to vector<16xi32>
    %le3A_176 = arith.cmpi sle, %add3A_169, %le3A_175 : vector<16xi32>
    %le3A_177 = arith.cmpi sle, %gather3A_173, %broadcast_in_dim3A_11 : vector<16xi32>
    %and3A_178 = arith.andi %le3A_176, %le3A_177 : vector<16xi1>
    %add3A_179 = arith.constant 8 : i32
    %add3A_180 = vector.broadcast %add3A_179 : i32 to vector<16xi32>
    %add3A_181 = arith.addi %select_n3A_166, %add3A_180 : vector<16xi32>
    %select_n3A_182 = arith.select %and3A_178, %add3A_181, %select_n3A_166 : vector<16xi1>, vector<16xi32>
    %add3A_183 = arith.constant 3 : i32
    %add3A_184 = vector.broadcast %add3A_183 : i32 to vector<16xi32>
    %add3A_185 = arith.addi %select_n3A_182, %add3A_184 : vector<16xi32>
    %min3A_186 = arith.constant 10000 : i32
    %min3A_187 = vector.broadcast %min3A_186 : i32 to vector<16xi32>
    %min3A_188 = arith.minsi %add3A_185, %min3A_187 : vector<16xi32>
    %gather3A_189 = tpu.vector_load_idx %arg7[%min3A_188] : memref<10008xi32, #tpu.memory_space<vmem>>[vector<16xi32>], vector<16xi32>,
    %le3A_190 = arith.constant 10000 : i32
    %le3A_191 = vector.broadcast %le3A_190 : i32 to vector<16xi32>
    %le3A_192 = arith.cmpi sle, %add3A_185, %le3A_191 : vector<16xi32>
    %le3A_193 = arith.cmpi sle, %gather3A_189, %broadcast_in_dim3A_11 : vector<16xi32>
    %and3A_194 = arith.andi %le3A_192, %le3A_193 : vector<16xi1>
    %add3A_195 = arith.constant 4 : i32
    %add3A_196 = vector.broadcast %add3A_195 : i32 to vector<16xi32>
    %add3A_197 = arith.addi %select_n3A_182, %add3A_196 : vector<16xi32>
    %select_n3A_198 = arith.select %and3A_194, %add3A_197, %select_n3A_182 : vector<16xi1>, vector<16xi32>
    %add3A_199 = arith.constant 1 : i32
    %add3A_200 = vector.broadcast %add3A_199 : i32 to vector<16xi32>
    %add3A_201 = arith.addi %select_n3A_198, %add3A_200 : vector<16xi32>
    %min3A_202 = arith.constant 10000 : i32
    %min3A_203 = vector.broadcast %min3A_202 : i32 to vector<16xi32>
    %min3A_204 = arith.minsi %add3A_201, %min3A_203 : vector<16xi32>
    %gather3A_205 = tpu.vector_load_idx %arg7[%min3A_204] : memref<10008xi32, #tpu.memory_space<vmem>>[vector<16xi32>], vector<16xi32>,
    %le3A_206 = arith.constant 10000 : i32
    %le3A_207 = vector.broadcast %le3A_206 : i32 to vector<16xi32>
    %le3A_208 = arith.cmpi sle, %add3A_201, %le3A_207 : vector<16xi32>
    %le3A_209 = arith.cmpi sle, %gather3A_205, %broadcast_in_dim3A_11 : vector<16xi32>
    %and3A_210 = arith.andi %le3A_208, %le3A_209 : vector<16xi1>
    %add3A_211 = arith.constant 2 : i32
    %add3A_212 = vector.broadcast %add3A_211 : i32 to vector<16xi32>
    %add3A_213 = arith.addi %select_n3A_198, %add3A_212 : vector<16xi32>
    %select_n3A_214 = arith.select %and3A_210, %add3A_213, %select_n3A_198 : vector<16xi1>, vector<16xi32>
    %add3A_215 = arith.constant 0 : i32
    %add3A_216 = vector.broadcast %add3A_215 : i32 to vector<16xi32>
    %add3A_217 = arith.addi %select_n3A_214, %add3A_216 : vector<16xi32>
    %min3A_218 = arith.constant 10000 : i32
    %min3A_219 = vector.broadcast %min3A_218 : i32 to vector<16xi32>
    %min3A_220 = arith.minsi %add3A_217, %min3A_219 : vector<16xi32>
    %gather3A_221 = tpu.vector_load_idx %arg7[%min3A_220] : memref<10008xi32, #tpu.memory_space<vmem>>[vector<16xi32>], vector<16xi32>,
    %le3A_222 = arith.constant 10000 : i32
    %le3A_223 = vector.broadcast %le3A_222 : i32 to vector<16xi32>
    %le3A_224 = arith.cmpi sle, %add3A_217, %le3A_223 : vector<16xi32>
    %le3A_225 = arith.cmpi sle, %gather3A_221, %broadcast_in_dim3A_11 : vector<16xi32>
    %and3A_226 = arith.andi %le3A_224, %le3A_225 : vector<16xi1>
    %add3A_227 = arith.constant 1 : i32
    %add3A_228 = vector.broadcast %add3A_227 : i32 to vector<16xi32>
    %add3A_229 = arith.addi %select_n3A_214, %add3A_228 : vector<16xi32>
    %select_n3A_230 = arith.select %and3A_226, %add3A_229, %select_n3A_214 : vector<16xi1>, vector<16xi32>
    %reduce_max3A = arith.constant true
    %reduce_max3A_231 = vector.broadcast %reduce_max3A : i1 to vector<16xi1>
    %reduce_max3A_232 = arith.constant -2147483648 : i32
    %reduce_max3A_233 = vector.broadcast %reduce_max3A_232 : i32 to vector<16xi32>
    %reduce_max3A_234 = arith.xori %select_n3A_230, %reduce_max3A_233 : vector<16xi32>
    %reduce_max3A_235 = tpu.scan <max>, %reduce_max3A_234 masked %reduce_max3A_231 : vector<16xi32>, vector<16xi1> -> vector<16xi32>
    %reduce_max3A_236 = arith.xori %reduce_max3A_235, %reduce_max3A_233 : vector<16xi32>
    %reduce_max3A_237 = vector.extract %reduce_max3A_236[15] : i32 from vector<16xi32>
    %add3A_238 = arith.constant 0 : i32
    %add3A_239 = arith.addi %mul3A_2, %add3A_238 : i32
    %dma_start3A = tpu.memref_slice %arg3[%add3A_239] : memref<320000xi32, #tpu.memory_space<hbm>> -> memref<64xi32, #tpu.memory_space<hbm>>
    %dma_start3A_240 = tpu.memref_slice %arg3[%add3A_239] : memref<320000xi32, #tpu.memory_space<hbm>> -> memref<64xi32, #tpu.memory_space<hbm>>
    tpu.enqueue_dma source(%dma_start3A_240 : memref<64xi32, #tpu.memory_space<hbm>>) target(%arg12 : memref<64xi32, #tpu.memory_space<vmem>>) target_semaphore(%arg20 : memref<!tpu.dma_semaphore, #tpu.memory_space<semaphore_mem>>)
    %add3A_241 = arith.constant 64 : i32
    %add3A_242 = arith.addi %mul3A_2, %add3A_241 : i32
    %dma_start3A_243 = tpu.memref_slice %arg3[%add3A_242] : memref<320000xi32, #tpu.memory_space<hbm>> -> memref<64xi32, #tpu.memory_space<hbm>>
    %dma_start3A_244 = tpu.memref_slice %arg3[%add3A_242] : memref<320000xi32, #tpu.memory_space<hbm>> -> memref<64xi32, #tpu.memory_space<hbm>>
    tpu.enqueue_dma source(%dma_start3A_244 : memref<64xi32, #tpu.memory_space<hbm>>) target(%arg13 : memref<64xi32, #tpu.memory_space<vmem>>) target_semaphore(%arg21 : memref<!tpu.dma_semaphore, #tpu.memory_space<semaphore_mem>>)
    %add3A_245 = arith.constant 128 : i32
    %add3A_246 = arith.addi %mul3A_2, %add3A_245 : i32
    %dma_start3A_247 = tpu.memref_slice %arg3[%add3A_246] : memref<320000xi32, #tpu.memory_space<hbm>> -> memref<64xi32, #tpu.memory_space<hbm>>
    %dma_start3A_248 = tpu.memref_slice %arg3[%add3A_246] : memref<320000xi32, #tpu.memory_space<hbm>> -> memref<64xi32, #tpu.memory_space<hbm>>
    tpu.enqueue_dma source(%dma_start3A_248 : memref<64xi32, #tpu.memory_space<hbm>>) target(%arg14 : memref<64xi32, #tpu.memory_space<vmem>>) target_semaphore(%arg22 : memref<!tpu.dma_semaphore, #tpu.memory_space<semaphore_mem>>)
    %add3A_249 = arith.constant 192 : i32
    %add3A_250 = arith.addi %mul3A_2, %add3A_249 : i32
    %dma_start3A_251 = tpu.memref_slice %arg3[%add3A_250] : memref<320000xi32, #tpu.memory_space<hbm>> -> memref<64xi32, #tpu.memory_space<hbm>>
    %dma_start3A_252 = tpu.memref_slice %arg3[%add3A_250] : memref<320000xi32, #tpu.memory_space<hbm>> -> memref<64xi32, #tpu.memory_space<hbm>>
    tpu.enqueue_dma source(%dma_start3A_252 : memref<64xi32, #tpu.memory_space<hbm>>) target(%arg15 : memref<64xi32, #tpu.memory_space<vmem>>) target_semaphore(%arg23 : memref<!tpu.dma_semaphore, #tpu.memory_space<semaphore_mem>>)
    %add3A_253 = arith.constant 0 : i32
    %add3A_254 = arith.addi %mul3A_2, %add3A_253 : i32
    %dma_wait3A = tpu.memref_slice %arg3[%add3A_254] : memref<320000xi32, #tpu.memory_space<hbm>> -> memref<64xi32, #tpu.memory_space<hbm>>
    %dma_wait3A_255 = tpu.memref_slice %arg3[%add3A_254] : memref<320000xi32, #tpu.memory_space<hbm>> -> memref<64xi32, #tpu.memory_space<hbm>>
    tpu.wait_dma2 semaphore(%arg20 : memref<!tpu.dma_semaphore, #tpu.memory_space<semaphore_mem>>) src(%dma_wait3A_255 : memref<64xi32, #tpu.memory_space<hbm>>) dst(%arg12 : memref<64xi32, #tpu.memory_space<vmem>>)
    %dma_start3A_256 = arith.constant 0 : i32
    %dma_start3A_257 = arith.constant 0 : i32
    %dma_start3A_258 = tpu.memref_slice %arg2[%dma_start3A_256, %dma_start3A_257] : memref<10000x128xf32, #tpu.memory_space<hbm>> -> memref<10000x128xf32, #tpu.memory_space<hbm>>
    tpu.enqueue_indirect_dma source(%dma_start3A_258 : memref<10000x128xf32, #tpu.memory_space<hbm>>) target(%arg8 : memref<64x128xf32, #tpu.memory_space<vmem>>) offsets(%arg12 : memref<64xi32, #tpu.memory_space<vmem>>) semaphore(%arg24 : memref<!tpu.dma_semaphore, #tpu.memory_space<semaphore_mem>>)
    %add3A_259 = arith.constant 64 : i32
    %add3A_260 = arith.addi %mul3A_2, %add3A_259 : i32
    %dma_wait3A_261 = tpu.memref_slice %arg3[%add3A_260] : memref<320000xi32, #tpu.memory_space<hbm>> -> memref<64xi32, #tpu.memory_space<hbm>>
    %dma_wait3A_262 = tpu.memref_slice %arg3[%add3A_260] : memref<320000xi32, #tpu.memory_space<hbm>> -> memref<64xi32, #tpu.memory_space<hbm>>
    tpu.wait_dma2 semaphore(%arg21 : memref<!tpu.dma_semaphore, #tpu.memory_space<semaphore_mem>>) src(%dma_wait3A_262 : memref<64xi32, #tpu.memory_space<hbm>>) dst(%arg13 : memref<64xi32, #tpu.memory_space<vmem>>)
    %dma_start3A_263 = arith.constant 0 : i32
    %dma_start3A_264 = arith.constant 0 : i32
    %dma_start3A_265 = tpu.memref_slice %arg2[%dma_start3A_263, %dma_start3A_264] : memref<10000x128xf32, #tpu.memory_space<hbm>> -> memref<10000x128xf32, #tpu.memory_space<hbm>>
    tpu.enqueue_indirect_dma source(%dma_start3A_265 : memref<10000x128xf32, #tpu.memory_space<hbm>>) target(%arg9 : memref<64x128xf32, #tpu.memory_space<vmem>>) offsets(%arg13 : memref<64xi32, #tpu.memory_space<vmem>>) semaphore(%arg25 : memref<!tpu.dma_semaphore, #tpu.memory_space<semaphore_mem>>)
    %add3A_266 = arith.constant 128 : i32
    %add3A_267 = arith.addi %mul3A_2, %add3A_266 : i32
    %dma_wait3A_268 = tpu.memref_slice %arg3[%add3A_267] : memref<320000xi32, #tpu.memory_space<hbm>> -> memref<64xi32, #tpu.memory_space<hbm>>
    %dma_wait3A_269 = tpu.memref_slice %arg3[%add3A_267] : memref<320000xi32, #tpu.memory_space<hbm>> -> memref<64xi32, #tpu.memory_space<hbm>>
    tpu.wait_dma2 semaphore(%arg22 : memref<!tpu.dma_semaphore, #tpu.memory_space<semaphore_mem>>) src(%dma_wait3A_269 : memref<64xi32, #tpu.memory_space<hbm>>) dst(%arg14 : memref<64xi32, #tpu.memory_space<vmem>>)
    %dma_start3A_270 = arith.constant 0 : i32
    %dma_start3A_271 = arith.constant 0 : i32
    %dma_start3A_272 = tpu.memref_slice %arg2[%dma_start3A_270, %dma_start3A_271] : memref<10000x128xf32, #tpu.memory_space<hbm>> -> memref<10000x128xf32, #tpu.memory_space<hbm>>
    tpu.enqueue_indirect_dma source(%dma_start3A_272 : memref<10000x128xf32, #tpu.memory_space<hbm>>) target(%arg10 : memref<64x128xf32, #tpu.memory_space<vmem>>) offsets(%arg14 : memref<64xi32, #tpu.memory_space<vmem>>) semaphore(%arg26 : memref<!tpu.dma_semaphore, #tpu.memory_space<semaphore_mem>>)
    %lt3A_273 = arith.constant 15 : i32
    %lt3A_274 = arith.cmpi slt, %arg1, %lt3A_273 : i32
    %convert_element_type3A_275 = arith.extui %lt3A_274 : i1 to i32
    %cond3A_276 = arith.constant 0 : i32
    %cond3A_277 = arith.cmpi ne, %convert_element_type3A_275, %cond3A_276 : i32
    scf.if %cond3A_277 {
      %mul3A_891 = arith.constant 624 : i32
      %mul3A_892 = arith.muli %arg1, %mul3A_891 : i32
      %dma_wait3A_893 = arith.constant 0 : i32
      %dma_wait3A_894 = tpu.memref_slice %arg29[%mul3A_892, %dma_wait3A_893] : memref<10000x128xf32, #tpu.memory_space<vmem_shared>> -> memref<624x128xf32, #tpu.memory_space<vmem_shared>>
      %dma_wait3A_895 = arith.constant 0 : i32
      %dma_wait3A_896 = arith.constant 0 : i32
      %dma_wait3A_897 = tpu.memref_slice %arg5[%dma_wait3A_895, %dma_wait3A_896] : memref<640x128xf32, #tpu.memory_space<hbm>> -> memref<624x128xf32, #tpu.memory_space<hbm>>
      tpu.wait_dma2 semaphore(%arg28 : memref<!tpu.dma_semaphore, #tpu.memory_space<semaphore_mem>>) src(%dma_wait3A_897 : memref<624x128xf32, #tpu.memory_space<hbm>>) dst(%dma_wait3A_894 : memref<624x128xf32, #tpu.memory_space<vmem_shared>>)
    } else {
    }
    %eq3A_278 = arith.constant 15 : i32
    %eq3A_279 = arith.cmpi eq, %arg1, %eq3A_278 : i32
    %convert_element_type3A_280 = arith.extui %eq3A_279 : i1 to i32
    %cond3A_281 = arith.constant 0 : i32
    %cond3A_282 = arith.cmpi ne, %convert_element_type3A_280, %cond3A_281 : i32
    scf.if %cond3A_282 {
      %dma_wait3A_891 = arith.constant 9360 : i32
      %dma_wait3A_892 = arith.constant 0 : i32
      %dma_wait3A_893 = tpu.memref_slice %arg29[%dma_wait3A_891, %dma_wait3A_892] : memref<10000x128xf32, #tpu.memory_space<vmem_shared>> -> memref<640x128xf32, #tpu.memory_space<vmem_shared>>
      tpu.wait_dma2 semaphore(%arg28 : memref<!tpu.dma_semaphore, #tpu.memory_space<semaphore_mem>>) src(%arg5 : memref<640x128xf32, #tpu.memory_space<hbm>>) dst(%dma_wait3A_893 : memref<640x128xf32, #tpu.memory_space<vmem_shared>>)
    } else {
    }
    %barrier3A = arith.constant 0 : index
    tpu.barrier barrier_id(%barrier3A)
    %scan3A = arith.constant 0 : i32
    %scan3A_283 = arith.constant 38 : i32
    %scan3A_284 = arith.addi %scan3A, %scan3A_283 : i32
    %scan3A_285 = arith.constant 1 : i32
    %scan3A_286 = scf.for %scan3A_891 = %scan3A to %scan3A_284 step %scan3A_285 iter_args(%scan3A_892 = %reduce_max3A_237) -> (i32)  : i32 {
      %mul3A_893 = arith.constant 4 : i32
      %mul3A_894 = arith.muli %scan3A_891, %mul3A_893 : i32
      %add3A_895 = arith.constant 0 : i32
      %add3A_896 = arith.addi %mul3A_894, %add3A_895 : i32
      %mul3A_897 = arith.constant 64 : i32
      %mul3A_898 = arith.muli %add3A_896, %mul3A_897 : i32
      %add3A_899 = arith.addi %mul3A_2, %mul3A_898 : i32
      %add3A_900 = arith.constant 64 : i32
      %add3A_901 = arith.addi %add3A_899, %add3A_900 : i32
      %swap3A_902 = arith.constant 0 : index
      %swap3A_903 = tpu.vector_load %arg16[%swap3A_902] {strides = array<i32>} : memref<64xi32, #tpu.memory_space<vmem>>, vector<16xi32>,
      tpu.vector_store %arg16[%swap3A_902], %broadcast_in_dim3A_9 {strides = array<i32>} : memref<64xi32, #tpu.memory_space<vmem>>, vector<16xi32>,
      %swap3A_904 = arith.constant 16 : index
      %swap3A_905 = tpu.vector_load %arg16[%swap3A_904] {strides = array<i32>} : memref<64xi32, #tpu.memory_space<vmem>>, vector<16xi32>,
      tpu.vector_store %arg16[%swap3A_904], %broadcast_in_dim3A_9 {strides = array<i32>} : memref<64xi32, #tpu.memory_space<vmem>>, vector<16xi32>,
      %swap3A_906 = arith.constant 32 : index
      %swap3A_907 = tpu.vector_load %arg16[%swap3A_906] {strides = array<i32>} : memref<64xi32, #tpu.memory_space<vmem>>, vector<16xi32>,
      tpu.vector_store %arg16[%swap3A_906], %broadcast_in_dim3A_9 {strides = array<i32>} : memref<64xi32, #tpu.memory_space<vmem>>, vector<16xi32>,
      %swap3A_908 = arith.constant 48 : index
      %swap3A_909 = tpu.vector_load %arg16[%swap3A_908] {strides = array<i32>} : memref<64xi32, #tpu.memory_space<vmem>>, vector<16xi32>,
      tpu.vector_store %arg16[%swap3A_908], %broadcast_in_dim3A_9 {strides = array<i32>} : memref<64xi32, #tpu.memory_space<vmem>>, vector<16xi32>,
      %while3A_910 = scf.while (%while3A_1525 = %scan3A_892) : (i32) -> i32 {
        %min3A_1526 = arith.constant 10000 : i32
        %min3A_1527 = arith.minsi %while3A_1525, %min3A_1526 : i32
        %add3A_1528 = vector.broadcast %min3A_1527 : i32 to vector<16xi32>
        %add3A_1529 = arith.addi %broadcast_in_dim3A_9, %add3A_1528 : vector<16xi32>
        %gather3A_1530 = tpu.vector_load_idx %arg7[%add3A_1529] : memref<10008xi32, #tpu.memory_space<vmem>>[vector<16xi32>], vector<16xi32>,
        %reduce_max3A_1531 = arith.constant true
        %reduce_max3A_1532 = vector.broadcast %reduce_max3A_1531 : i1 to vector<16xi1>
        %reduce_max3A_1533 = arith.constant -2147483648 : i32
        %reduce_max3A_1534 = vector.broadcast %reduce_max3A_1533 : i32 to vector<16xi32>
        %reduce_max3A_1535 = arith.xori %gather3A_1530, %reduce_max3A_1534 : vector<16xi32>
        %reduce_max3A_1536 = tpu.scan <max>, %reduce_max3A_1535 masked %reduce_max3A_1532 : vector<16xi32>, vector<16xi1> -> vector<16xi32>
        %reduce_max3A_1537 = arith.xori %reduce_max3A_1536, %reduce_max3A_1534 : vector<16xi32>
        %reduce_max3A_1538 = vector.extract %reduce_max3A_1537[15] : i32 from vector<16xi32>
        %le3A_1539 = arith.constant 10000 : i32
        %le3A_1540 = arith.cmpi sle, %while3A_1525, %le3A_1539 : i32
        %lt3A_1541 = arith.cmpi slt, %reduce_max3A_1538, %add3A_901 : i32
        %and3A_1542 = arith.andi %le3A_1540, %lt3A_1541 : i1
        scf.condition(%and3A_1542) %while3A_1525 : i32
      } do {
      ^bb0(%while3A_1525: i32):
        %add3A_1526 = vector.broadcast %while3A_1525 : i32 to vector<16xi32>
        %add3A_1527 = arith.addi %add3A_1526, %iota3A : vector<16xi32>
        %min3A_1528 = arith.constant 10007 : i32
        %min3A_1529 = vector.broadcast %min3A_1528 : i32 to vector<16xi32>
        %min3A_1530 = arith.minsi %add3A_1527, %min3A_1529 : vector<16xi32>
        %gather3A_1531 = tpu.vector_load_idx %arg7[%min3A_1530] : memref<10008xi32, #tpu.memory_space<vmem>>[vector<16xi32>], vector<16xi32>,
        %add3A_1532 = arith.constant 1 : i32
        %add3A_1533 = vector.broadcast %add3A_1532 : i32 to vector<16xi32>
        %add3A_1534 = arith.addi %add3A_1527, %add3A_1533 : vector<16xi32>
        %min3A_1535 = arith.constant 10007 : i32
        %min3A_1536 = vector.broadcast %min3A_1535 : i32 to vector<16xi32>
        %min3A_1537 = arith.minsi %add3A_1534, %min3A_1536 : vector<16xi32>
        %gather3A_1538 = tpu.vector_load_idx %arg7[%min3A_1537] : memref<10008xi32, #tpu.memory_space<vmem>>[vector<16xi32>], vector<16xi32>,
        %le3A_1539 = arith.constant 10000 : i32
        %le3A_1540 = vector.broadcast %le3A_1539 : i32 to vector<16xi32>
        %le3A_1541 = arith.cmpi sle, %add3A_1527, %le3A_1540 : vector<16xi32>
        %lt3A_1542 = vector.broadcast %add3A_901 : i32 to vector<16xi32>
        %lt3A_1543 = arith.cmpi slt, %gather3A_1531, %lt3A_1542 : vector<16xi32>
        %and3A_1544 = arith.andi %le3A_1541, %lt3A_1543 : vector<16xi1>
        %sub3A_1545 = vector.broadcast %add3A_899 : i32 to vector<16xi32>
        %sub3A_1546 = arith.subi %gather3A_1531, %sub3A_1545 : vector<16xi32>
        %add3A_1547 = arith.constant 1 : i32
        %add3A_1548 = vector.broadcast %add3A_1547 : i32 to vector<16xi32>
        %add3A_1549 = arith.addi %add3A_1527, %add3A_1548 : vector<16xi32>
        %ne3A = arith.cmpi ne, %gather3A_1531, %gather3A_1538 : vector<16xi32>
        %and3A_1550 = arith.andi %and3A_1544, %ne3A : vector<16xi1>
        tpu.vector_store_idx %arg16[%sub3A_1546], %add3A_1549 masked %and3A_1550 : memref<64xi32, #tpu.memory_space<vmem>>[vector<16xi32>], vector<16xi32>, vector<16xi1>
        %all_reduce_population_count3A = tpu.all_reduce %and3A_1544 {dim = 0 : i64, kind = #tpu.reduction_kind<sum>} : vector<16xi1> -> vector<16xi32>
        %reduce_max3A_1551 = arith.constant true
        %reduce_max3A_1552 = vector.broadcast %reduce_max3A_1551 : i1 to vector<16xi1>
        %reduce_max3A_1553 = arith.constant -2147483648 : i32
        %reduce_max3A_1554 = vector.broadcast %reduce_max3A_1553 : i32 to vector<16xi32>
        %reduce_max3A_1555 = arith.xori %all_reduce_population_count3A, %reduce_max3A_1554 : vector<16xi32>
        %reduce_max3A_1556 = tpu.scan <max>, %reduce_max3A_1555 masked %reduce_max3A_1552 : vector<16xi32>, vector<16xi1> -> vector<16xi32>
        %reduce_max3A_1557 = arith.xori %reduce_max3A_1556, %reduce_max3A_1554 : vector<16xi32>
        %reduce_max3A_1558 = vector.extract %reduce_max3A_1557[15] : i32 from vector<16xi32>
        %add3A_1559 = arith.addi %while3A_1525, %reduce_max3A_1558 : i32
        scf.yield %add3A_1559 : i32
      }
      %get3A_911 = arith.constant 0 : index
      %get3A_912 = tpu.vector_load %arg16[%get3A_911] {strides = array<i32>} : memref<64xi32, #tpu.memory_space<vmem>>, vector<16xi32>,
      %broadcast_in_dim3A_913 = arith.constant true
      %broadcast_in_dim3A_914 = vector.broadcast %broadcast_in_dim3A_913 : i1 to vector<16xi1>
      %masked_cummax3A_915 = arith.constant -2147483648 : i32
      %masked_cummax3A_916 = vector.broadcast %masked_cummax3A_915 : i32 to vector<16xi32>
      %masked_cummax3A_917 = arith.xori %get3A_912, %masked_cummax3A_916 : vector<16xi32>
      %masked_cummax3A_918 = tpu.scan <max>, %masked_cummax3A_917 masked %broadcast_in_dim3A_914 : vector<16xi32>, vector<16xi1> -> vector<16xi32>
      %masked_cummax3A_919 = arith.xori %masked_cummax3A_918, %masked_cummax3A_916 : vector<16xi32>
      %get3A_920 = arith.constant 16 : index
      %get3A_921 = tpu.vector_load %arg16[%get3A_920] {strides = array<i32>} : memref<64xi32, #tpu.memory_space<vmem>>, vector<16xi32>,
      %broadcast_in_dim3A_922 = arith.constant true
      %broadcast_in_dim3A_923 = vector.broadcast %broadcast_in_dim3A_922 : i1 to vector<16xi1>
      %masked_cummax3A_924 = arith.constant -2147483648 : i32
      %masked_cummax3A_925 = vector.broadcast %masked_cummax3A_924 : i32 to vector<16xi32>
      %masked_cummax3A_926 = arith.xori %get3A_921, %masked_cummax3A_925 : vector<16xi32>
      %masked_cummax3A_927 = tpu.scan <max>, %masked_cummax3A_926 masked %broadcast_in_dim3A_923 : vector<16xi32>, vector<16xi1> -> vector<16xi32>
      %masked_cummax3A_928 = arith.xori %masked_cummax3A_927, %masked_cummax3A_925 : vector<16xi32>
      %get3A_929 = arith.constant 32 : index
      %get3A_930 = tpu.vector_load %arg16[%get3A_929] {strides = array<i32>} : memref<64xi32, #tpu.memory_space<vmem>>, vector<16xi32>,
      %broadcast_in_dim3A_931 = arith.constant true
      %broadcast_in_dim3A_932 = vector.broadcast %broadcast_in_dim3A_931 : i1 to vector<16xi1>
      %masked_cummax3A_933 = arith.constant -2147483648 : i32
      %masked_cummax3A_934 = vector.broadcast %masked_cummax3A_933 : i32 to vector<16xi32>
      %masked_cummax3A_935 = arith.xori %get3A_930, %masked_cummax3A_934 : vector<16xi32>
      %masked_cummax3A_936 = tpu.scan <max>, %masked_cummax3A_935 masked %broadcast_in_dim3A_932 : vector<16xi32>, vector<16xi1> -> vector<16xi32>
      %masked_cummax3A_937 = arith.xori %masked_cummax3A_936, %masked_cummax3A_934 : vector<16xi32>
      %get3A_938 = arith.constant 48 : index
      %get3A_939 = tpu.vector_load %arg16[%get3A_938] {strides = array<i32>} : memref<64xi32, #tpu.memory_space<vmem>>, vector<16xi32>,
      %broadcast_in_dim3A_940 = arith.constant true
      %broadcast_in_dim3A_941 = vector.broadcast %broadcast_in_dim3A_940 : i1 to vector<16xi1>
      %masked_cummax3A_942 = arith.constant -2147483648 : i32
      %masked_cummax3A_943 = vector.broadcast %masked_cummax3A_942 : i32 to vector<16xi32>
      %masked_cummax3A_944 = arith.xori %get3A_939, %masked_cummax3A_943 : vector<16xi32>
      %masked_cummax3A_945 = tpu.scan <max>, %masked_cummax3A_944 masked %broadcast_in_dim3A_941 : vector<16xi32>, vector<16xi1> -> vector<16xi32>
      %masked_cummax3A_946 = arith.xori %masked_cummax3A_945, %masked_cummax3A_943 : vector<16xi32>
      %max3A_947 = vector.broadcast %scan3A_892 : i32 to vector<16xi32>
      %max3A_948 = arith.maxsi %masked_cummax3A_919, %max3A_947 : vector<16xi32>
      %sub3A_949 = arith.constant 1 : i32
      %sub3A_950 = vector.broadcast %sub3A_949 : i32 to vector<16xi32>
      %sub3A_951 = arith.subi %max3A_948, %sub3A_950 : vector<16xi32>
      %jit3A_952 = arith.constant 0 : i32
      %jit3A_953 = arith.constant 9999 : i32
      %max3A_954 = vector.broadcast %jit3A_952 : i32 to vector<16xi32>
      %max3A_955 = arith.maxsi %max3A_954, %sub3A_951 : vector<16xi32>
      %min3A_956 = vector.broadcast %jit3A_953 : i32 to vector<16xi32>
      %min3A_957 = arith.minsi %min3A_956, %max3A_955 : vector<16xi32>
      %swap3A_958 = arith.constant 0 : index
      %swap3A_959 = tpu.vector_load %arg16[%swap3A_958] {strides = array<i32>} : memref<64xi32, #tpu.memory_space<vmem>>, vector<16xi32>,
      tpu.vector_store %arg16[%swap3A_958], %min3A_957 {strides = array<i32>} : memref<64xi32, #tpu.memory_space<vmem>>, vector<16xi32>,
      %reduce_max3A_960 = arith.constant true
      %reduce_max3A_961 = vector.broadcast %reduce_max3A_960 : i1 to vector<16xi1>
      %reduce_max3A_962 = arith.constant -2147483648 : i32
      %reduce_max3A_963 = vector.broadcast %reduce_max3A_962 : i32 to vector<16xi32>
      %reduce_max3A_964 = arith.xori %max3A_948, %reduce_max3A_963 : vector<16xi32>
      %reduce_max3A_965 = tpu.scan <max>, %reduce_max3A_964 masked %reduce_max3A_961 : vector<16xi32>, vector<16xi1> -> vector<16xi32>
      %reduce_max3A_966 = arith.xori %reduce_max3A_965, %reduce_max3A_963 : vector<16xi32>
      %reduce_max3A_967 = vector.extract %reduce_max3A_966[15] : i32 from vector<16xi32>
      %max3A_968 = vector.broadcast %reduce_max3A_967 : i32 to vector<16xi32>
      %max3A_969 = arith.maxsi %masked_cummax3A_928, %max3A_968 : vector<16xi32>
      %sub3A_970 = arith.constant 1 : i32
      %sub3A_971 = vector.broadcast %sub3A_970 : i32 to vector<16xi32>
      %sub3A_972 = arith.subi %max3A_969, %sub3A_971 : vector<16xi32>
      %jit3A_973 = arith.constant 0 : i32
      %jit3A_974 = arith.constant 9999 : i32
      %max3A_975 = vector.broadcast %jit3A_973 : i32 to vector<16xi32>
      %max3A_976 = arith.maxsi %max3A_975, %sub3A_972 : vector<16xi32>
      %min3A_977 = vector.broadcast %jit3A_974 : i32 to vector<16xi32>
      %min3A_978 = arith.minsi %min3A_977, %max3A_976 : vector<16xi32>
      %swap3A_979 = arith.constant 16 : index
      %swap3A_980 = tpu.vector_load %arg16[%swap3A_979] {strides = array<i32>} : memref<64xi32, #tpu.memory_space<vmem>>, vector<16xi32>,
      tpu.vector_store %arg16[%swap3A_979], %min3A_978 {strides = array<i32>} : memref<64xi32, #tpu.memory_space<vmem>>, vector<16xi32>,
      %reduce_max3A_981 = arith.constant true
      %reduce_max3A_982 = vector.broadcast %reduce_max3A_981 : i1 to vector<16xi1>
      %reduce_max3A_983 = arith.constant -2147483648 : i32
      %reduce_max3A_984 = vector.broadcast %reduce_max3A_983 : i32 to vector<16xi32>
      %reduce_max3A_985 = arith.xori %max3A_969, %reduce_max3A_984 : vector<16xi32>
      %reduce_max3A_986 = tpu.scan <max>, %reduce_max3A_985 masked %reduce_max3A_982 : vector<16xi32>, vector<16xi1> -> vector<16xi32>
      %reduce_max3A_987 = arith.xori %reduce_max3A_986, %reduce_max3A_984 : vector<16xi32>
      %reduce_max3A_988 = vector.extract %reduce_max3A_987[15] : i32 from vector<16xi32>
      %max3A_989 = vector.broadcast %reduce_max3A_988 : i32 to vector<16xi32>
      %max3A_990 = arith.maxsi %masked_cummax3A_937, %max3A_989 : vector<16xi32>
      %sub3A_991 = arith.constant 1 : i32
      %sub3A_992 = vector.broadcast %sub3A_991 : i32 to vector<16xi32>
      %sub3A_993 = arith.subi %max3A_990, %sub3A_992 : vector<16xi32>
      %jit3A_994 = arith.constant 0 : i32
      %jit3A_995 = arith.constant 9999 : i32
      %max3A_996 = vector.broadcast %jit3A_994 : i32 to vector<16xi32>
      %max3A_997 = arith.maxsi %max3A_996, %sub3A_993 : vector<16xi32>
      %min3A_998 = vector.broadcast %jit3A_995 : i32 to vector<16xi32>
      %min3A_999 = arith.minsi %min3A_998, %max3A_997 : vector<16xi32>
      %swap3A_1000 = arith.constant 32 : index
      %swap3A_1001 = tpu.vector_load %arg16[%swap3A_1000] {strides = array<i32>} : memref<64xi32, #tpu.memory_space<vmem>>, vector<16xi32>,
      tpu.vector_store %arg16[%swap3A_1000], %min3A_999 {strides = array<i32>} : memref<64xi32, #tpu.memory_space<vmem>>, vector<16xi32>,
      %reduce_max3A_1002 = arith.constant true
      %reduce_max3A_1003 = vector.broadcast %reduce_max3A_1002 : i1 to vector<16xi1>
      %reduce_max3A_1004 = arith.constant -2147483648 : i32
      %reduce_max3A_1005 = vector.broadcast %reduce_max3A_1004 : i32 to vector<16xi32>
      %reduce_max3A_1006 = arith.xori %max3A_990, %reduce_max3A_1005 : vector<16xi32>
      %reduce_max3A_1007 = tpu.scan <max>, %reduce_max3A_1006 masked %reduce_max3A_1003 : vector<16xi32>, vector<16xi1> -> vector<16xi32>
      %reduce_max3A_1008 = arith.xori %reduce_max3A_1007, %reduce_max3A_1005 : vector<16xi32>
      %reduce_max3A_1009 = vector.extract %reduce_max3A_1008[15] : i32 from vector<16xi32>
      %max3A_1010 = vector.broadcast %reduce_max3A_1009 : i32 to vector<16xi32>
      %max3A_1011 = arith.maxsi %masked_cummax3A_946, %max3A_1010 : vector<16xi32>
      %sub3A_1012 = arith.constant 1 : i32
      %sub3A_1013 = vector.broadcast %sub3A_1012 : i32 to vector<16xi32>
      %sub3A_1014 = arith.subi %max3A_1011, %sub3A_1013 : vector<16xi32>
      %jit3A_1015 = arith.constant 0 : i32
      %jit3A_1016 = arith.constant 9999 : i32
      %max3A_1017 = vector.broadcast %jit3A_1015 : i32 to vector<16xi32>
      %max3A_1018 = arith.maxsi %max3A_1017, %sub3A_1014 : vector<16xi32>
      %min3A_1019 = vector.broadcast %jit3A_1016 : i32 to vector<16xi32>
      %min3A_1020 = arith.minsi %min3A_1019, %max3A_1018 : vector<16xi32>
      %swap3A_1021 = arith.constant 48 : index
      %swap3A_1022 = tpu.vector_load %arg16[%swap3A_1021] {strides = array<i32>} : memref<64xi32, #tpu.memory_space<vmem>>, vector<16xi32>,
      tpu.vector_store %arg16[%swap3A_1021], %min3A_1020 {strides = array<i32>} : memref<64xi32, #tpu.memory_space<vmem>>, vector<16xi32>,
      %reduce_max3A_1023 = arith.constant true
      %reduce_max3A_1024 = vector.broadcast %reduce_max3A_1023 : i1 to vector<16xi1>
      %reduce_max3A_1025 = arith.constant -2147483648 : i32
      %reduce_max3A_1026 = vector.broadcast %reduce_max3A_1025 : i32 to vector<16xi32>
      %reduce_max3A_1027 = arith.xori %max3A_1011, %reduce_max3A_1026 : vector<16xi32>
      %reduce_max3A_1028 = tpu.scan <max>, %reduce_max3A_1027 masked %reduce_max3A_1024 : vector<16xi32>, vector<16xi1> -> vector<16xi32>
      %reduce_max3A_1029 = arith.xori %reduce_max3A_1028, %reduce_max3A_1026 : vector<16xi32>
      %reduce_max3A_1030 = vector.extract %reduce_max3A_1029[15] : i32 from vector<16xi32>
      %dma_wait3A_1031 = arith.constant 0 : i32
      %dma_wait3A_1032 = arith.constant 0 : i32
      %dma_wait3A_1033 = tpu.memref_slice %arg2[%dma_wait3A_1031, %dma_wait3A_1032] : memref<10000x128xf32, #tpu.memory_space<hbm>> -> memref<10000x128xf32, #tpu.memory_space<hbm>>
      tpu.wait_indirect_dma semaphore(%arg24 : memref<!tpu.dma_semaphore, #tpu.memory_space<semaphore_mem>>) src(%dma_wait3A_1033 : memref<10000x128xf32, #tpu.memory_space<hbm>>) dst(%arg8 : memref<64x128xf32, #tpu.memory_space<vmem>>)
      "tpu.region"() ({
        %run_scoped3A = tpu.sem_alloc : memref<!tpu.dma_semaphore, #tpu.memory_space<semaphore_mem>>
        %dma_start3A_1525 = arith.constant 0 : i32
        %dma_start3A_1526 = arith.constant 0 : i32
        %dma_start3A_1527 = tpu.memref_slice %arg29[%dma_start3A_1525, %dma_start3A_1526] : memref<10000x128xf32, #tpu.memory_space<vmem_shared>> -> memref<10000x128xf32, #tpu.memory_space<vmem_shared>>
        tpu.enqueue_indirect_dma source(%arg8 : memref<64x128xf32, #tpu.memory_space<vmem>>) target(%dma_start3A_1527 : memref<10000x128xf32, #tpu.memory_space<vmem_shared>>) offsets(%arg16 : memref<64xi32, #tpu.memory_space<vmem>>) semaphore(%run_scoped3A : memref<!tpu.dma_semaphore, #tpu.memory_space<semaphore_mem>>) {add = true}
        %dma_wait3A_1528 = arith.constant 0 : i32
        %dma_wait3A_1529 = arith.constant 0 : i32
        %dma_wait3A_1530 = tpu.memref_slice %arg29[%dma_wait3A_1528, %dma_wait3A_1529] : memref<10000x128xf32, #tpu.memory_space<vmem_shared>> -> memref<10000x128xf32, #tpu.memory_space<vmem_shared>>
        tpu.wait_indirect_dma semaphore(%run_scoped3A : memref<!tpu.dma_semaphore, #tpu.memory_space<semaphore_mem>>) src(%arg8 : memref<64x128xf32, #tpu.memory_space<vmem>>) dst(%dma_wait3A_1530 : memref<10000x128xf32, #tpu.memory_space<vmem_shared>>)
        tpu.yield
      }) : () -> ()
      %add3A_1034 = arith.constant 4 : i32
      %add3A_1035 = arith.addi %add3A_896, %add3A_1034 : i32
      %lt3A_1036 = arith.constant 156 : i32
      %lt3A_1037 = arith.cmpi slt, %add3A_1035, %lt3A_1036 : i32
      %convert_element_type3A_1038 = arith.extui %lt3A_1037 : i1 to i32
      %cond3A_1039 = arith.constant 0 : i32
      %cond3A_1040 = arith.cmpi ne, %convert_element_type3A_1038, %cond3A_1039 : i32
      scf.if %cond3A_1040 {
        %add3A_1525 = arith.constant 4 : i32
        %add3A_1526 = arith.addi %add3A_896, %add3A_1525 : i32
        %mul3A_1527 = arith.constant 64 : i32
        %mul3A_1528 = arith.muli %add3A_1526, %mul3A_1527 : i32
        %add3A_1529 = arith.addi %mul3A_2, %mul3A_1528 : i32
        %dma_start3A_1530 = tpu.memref_slice %arg3[%add3A_1529] : memref<320000xi32, #tpu.memory_space<hbm>> -> memref<64xi32, #tpu.memory_space<hbm>>
        %dma_start3A_1531 = tpu.memref_slice %arg3[%add3A_1529] : memref<320000xi32, #tpu.memory_space<hbm>> -> memref<64xi32, #tpu.memory_space<hbm>>
        tpu.enqueue_dma source(%dma_start3A_1531 : memref<64xi32, #tpu.memory_space<hbm>>) target(%arg12 : memref<64xi32, #tpu.memory_space<vmem>>) target_semaphore(%arg20 : memref<!tpu.dma_semaphore, #tpu.memory_space<semaphore_mem>>)
      } else {
      }
      %add3A_1041 = arith.constant 3 : i32
      %add3A_1042 = arith.addi %add3A_896, %add3A_1041 : i32
      %mul3A_1043 = arith.constant 64 : i32
      %mul3A_1044 = arith.muli %add3A_1042, %mul3A_1043 : i32
      %add3A_1045 = arith.addi %mul3A_2, %mul3A_1044 : i32
      %dma_wait3A_1046 = tpu.memref_slice %arg3[%add3A_1045] : memref<320000xi32, #tpu.memory_space<hbm>> -> memref<64xi32, #tpu.memory_space<hbm>>
      %dma_wait3A_1047 = tpu.memref_slice %arg3[%add3A_1045] : memref<320000xi32, #tpu.memory_space<hbm>> -> memref<64xi32, #tpu.memory_space<hbm>>
      tpu.wait_dma2 semaphore(%arg23 : memref<!tpu.dma_semaphore, #tpu.memory_space<semaphore_mem>>) src(%dma_wait3A_1047 : memref<64xi32, #tpu.memory_space<hbm>>) dst(%arg15 : memref<64xi32, #tpu.memory_space<vmem>>)
      %dma_start3A_1048 = arith.constant 0 : i32
      %dma_start3A_1049 = arith.constant 0 : i32
      %dma_start3A_1050 = tpu.memref_slice %arg2[%dma_start3A_1048, %dma_start3A_1049] : memref<10000x128xf32, #tpu.memory_space<hbm>> -> memref<10000x128xf32, #tpu.memory_space<hbm>>
      tpu.enqueue_indirect_dma source(%dma_start3A_1050 : memref<10000x128xf32, #tpu.memory_space<hbm>>) target(%arg11 : memref<64x128xf32, #tpu.memory_space<vmem>>) offsets(%arg15 : memref<64xi32, #tpu.memory_space<vmem>>) semaphore(%arg27 : memref<!tpu.dma_semaphore, #tpu.memory_space<semaphore_mem>>)
      %mul3A_1051 = arith.constant 4 : i32
      %mul3A_1052 = arith.muli %scan3A_891, %mul3A_1051 : i32
      %add3A_1053 = arith.constant 1 : i32
      %add3A_1054 = arith.addi %mul3A_1052, %add3A_1053 : i32
      %mul3A_1055 = arith.constant 64 : i32
      %mul3A_1056 = arith.muli %add3A_1054, %mul3A_1055 : i32
      %add3A_1057 = arith.addi %mul3A_2, %mul3A_1056 : i32
      %add3A_1058 = arith.constant 64 : i32
      %add3A_1059 = arith.addi %add3A_1057, %add3A_1058 : i32
      %swap3A_1060 = arith.constant 0 : index
      %swap3A_1061 = tpu.vector_load %arg16[%swap3A_1060] {strides = array<i32>} : memref<64xi32, #tpu.memory_space<vmem>>, vector<16xi32>,
      tpu.vector_store %arg16[%swap3A_1060], %broadcast_in_dim3A_9 {strides = array<i32>} : memref<64xi32, #tpu.memory_space<vmem>>, vector<16xi32>,
      %swap3A_1062 = arith.constant 16 : index
      %swap3A_1063 = tpu.vector_load %arg16[%swap3A_1062] {strides = array<i32>} : memref<64xi32, #tpu.memory_space<vmem>>, vector<16xi32>,
      tpu.vector_store %arg16[%swap3A_1062], %broadcast_in_dim3A_9 {strides = array<i32>} : memref<64xi32, #tpu.memory_space<vmem>>, vector<16xi32>,
      %swap3A_1064 = arith.constant 32 : index
      %swap3A_1065 = tpu.vector_load %arg16[%swap3A_1064] {strides = array<i32>} : memref<64xi32, #tpu.memory_space<vmem>>, vector<16xi32>,
      tpu.vector_store %arg16[%swap3A_1064], %broadcast_in_dim3A_9 {strides = array<i32>} : memref<64xi32, #tpu.memory_space<vmem>>, vector<16xi32>,
      %swap3A_1066 = arith.constant 48 : index
      %swap3A_1067 = tpu.vector_load %arg16[%swap3A_1066] {strides = array<i32>} : memref<64xi32, #tpu.memory_space<vmem>>, vector<16xi32>,
      tpu.vector_store %arg16[%swap3A_1066], %broadcast_in_dim3A_9 {strides = array<i32>} : memref<64xi32, #tpu.memory_space<vmem>>, vector<16xi32>,
      %while3A_1068 = scf.while (%while3A_1525 = %while3A_910) : (i32) -> i32 {
        %min3A_1526 = arith.constant 10000 : i32
        %min3A_1527 = arith.minsi %while3A_1525, %min3A_1526 : i32
        %add3A_1528 = vector.broadcast %min3A_1527 : i32 to vector<16xi32>
        %add3A_1529 = arith.addi %broadcast_in_dim3A_9, %add3A_1528 : vector<16xi32>
        %gather3A_1530 = tpu.vector_load_idx %arg7[%add3A_1529] : memref<10008xi32, #tpu.memory_space<vmem>>[vector<16xi32>], vector<16xi32>,
        %reduce_max3A_1531 = arith.constant true
        %reduce_max3A_1532 = vector.broadcast %reduce_max3A_1531 : i1 to vector<16xi1>
        %reduce_max3A_1533 = arith.constant -2147483648 : i32
        %reduce_max3A_1534 = vector.broadcast %reduce_max3A_1533 : i32 to vector<16xi32>
        %reduce_max3A_1535 = arith.xori %gather3A_1530, %reduce_max3A_1534 : vector<16xi32>
        %reduce_max3A_1536 = tpu.scan <max>, %reduce_max3A_1535 masked %reduce_max3A_1532 : vector<16xi32>, vector<16xi1> -> vector<16xi32>
        %reduce_max3A_1537 = arith.xori %reduce_max3A_1536, %reduce_max3A_1534 : vector<16xi32>
        %reduce_max3A_1538 = vector.extract %reduce_max3A_1537[15] : i32 from vector<16xi32>
        %le3A_1539 = arith.constant 10000 : i32
        %le3A_1540 = arith.cmpi sle, %while3A_1525, %le3A_1539 : i32
        %lt3A_1541 = arith.cmpi slt, %reduce_max3A_1538, %add3A_1059 : i32
        %and3A_1542 = arith.andi %le3A_1540, %lt3A_1541 : i1
        scf.condition(%and3A_1542) %while3A_1525 : i32
      } do {
      ^bb0(%while3A_1525: i32):
        %add3A_1526 = vector.broadcast %while3A_1525 : i32 to vector<16xi32>
        %add3A_1527 = arith.addi %add3A_1526, %iota3A : vector<16xi32>
        %min3A_1528 = arith.constant 10007 : i32
        %min3A_1529 = vector.broadcast %min3A_1528 : i32 to vector<16xi32>
        %min3A_1530 = arith.minsi %add3A_1527, %min3A_1529 : vector<16xi32>
        %gather3A_1531 = tpu.vector_load_idx %arg7[%min3A_1530] : memref<10008xi32, #tpu.memory_space<vmem>>[vector<16xi32>], vector<16xi32>,
        %add3A_1532 = arith.constant 1 : i32
        %add3A_1533 = vector.broadcast %add3A_1532 : i32 to vector<16xi32>
        %add3A_1534 = arith.addi %add3A_1527, %add3A_1533 : vector<16xi32>
        %min3A_1535 = arith.constant 10007 : i32
        %min3A_1536 = vector.broadcast %min3A_1535 : i32 to vector<16xi32>
        %min3A_1537 = arith.minsi %add3A_1534, %min3A_1536 : vector<16xi32>
        %gather3A_1538 = tpu.vector_load_idx %arg7[%min3A_1537] : memref<10008xi32, #tpu.memory_space<vmem>>[vector<16xi32>], vector<16xi32>,
        %le3A_1539 = arith.constant 10000 : i32
        %le3A_1540 = vector.broadcast %le3A_1539 : i32 to vector<16xi32>
        %le3A_1541 = arith.cmpi sle, %add3A_1527, %le3A_1540 : vector<16xi32>
        %lt3A_1542 = vector.broadcast %add3A_1059 : i32 to vector<16xi32>
        %lt3A_1543 = arith.cmpi slt, %gather3A_1531, %lt3A_1542 : vector<16xi32>
        %and3A_1544 = arith.andi %le3A_1541, %lt3A_1543 : vector<16xi1>
        %sub3A_1545 = vector.broadcast %add3A_1057 : i32 to vector<16xi32>
        %sub3A_1546 = arith.subi %gather3A_1531, %sub3A_1545 : vector<16xi32>
        %add3A_1547 = arith.constant 1 : i32
        %add3A_1548 = vector.broadcast %add3A_1547 : i32 to vector<16xi32>
        %add3A_1549 = arith.addi %add3A_1527, %add3A_1548 : vector<16xi32>
        %ne3A = arith.cmpi ne, %gather3A_1531, %gather3A_1538 : vector<16xi32>
        %and3A_1550 = arith.andi %and3A_1544, %ne3A : vector<16xi1>
        tpu.vector_store_idx %arg16[%sub3A_1546], %add3A_1549 masked %and3A_1550 : memref<64xi32, #tpu.memory_space<vmem>>[vector<16xi32>], vector<16xi32>, vector<16xi1>
        %all_reduce_population_count3A = tpu.all_reduce %and3A_1544 {dim = 0 : i64, kind = #tpu.reduction_kind<sum>} : vector<16xi1> -> vector<16xi32>
        %reduce_max3A_1551 = arith.constant true
        %reduce_max3A_1552 = vector.broadcast %reduce_max3A_1551 : i1 to vector<16xi1>
        %reduce_max3A_1553 = arith.constant -2147483648 : i32
        %reduce_max3A_1554 = vector.broadcast %reduce_max3A_1553 : i32 to vector<16xi32>
        %reduce_max3A_1555 = arith.xori %all_reduce_population_count3A, %reduce_max3A_1554 : vector<16xi32>
        %reduce_max3A_1556 = tpu.scan <max>, %reduce_max3A_1555 masked %reduce_max3A_1552 : vector<16xi32>, vector<16xi1> -> vector<16xi32>
        %reduce_max3A_1557 = arith.xori %reduce_max3A_1556, %reduce_max3A_1554 : vector<16xi32>
        %reduce_max3A_1558 = vector.extract %reduce_max3A_1557[15] : i32 from vector<16xi32>
        %add3A_1559 = arith.addi %while3A_1525, %reduce_max3A_1558 : i32
        scf.yield %add3A_1559 : i32
      }
      %get3A_1069 = arith.constant 0 : index
      %get3A_1070 = tpu.vector_load %arg16[%get3A_1069] {strides = array<i32>} : memref<64xi32, #tpu.memory_space<vmem>>, vector<16xi32>,
      %broadcast_in_dim3A_1071 = arith.constant true
      %broadcast_in_dim3A_1072 = vector.broadcast %broadcast_in_dim3A_1071 : i1 to vector<16xi1>
      %masked_cummax3A_1073 = arith.constant -2147483648 : i32
      %masked_cummax3A_1074 = vector.broadcast %masked_cummax3A_1073 : i32 to vector<16xi32>
      %masked_cummax3A_1075 = arith.xori %get3A_1070, %masked_cummax3A_1074 : vector<16xi32>
      %masked_cummax3A_1076 = tpu.scan <max>, %masked_cummax3A_1075 masked %broadcast_in_dim3A_1072 : vector<16xi32>, vector<16xi1> -> vector<16xi32>
      %masked_cummax3A_1077 = arith.xori %masked_cummax3A_1076, %masked_cummax3A_1074 : vector<16xi32>
      %get3A_1078 = arith.constant 16 : index
      %get3A_1079 = tpu.vector_load %arg16[%get3A_1078] {strides = array<i32>} : memref<64xi32, #tpu.memory_space<vmem>>, vector<16xi32>,
      %broadcast_in_dim3A_1080 = arith.constant true
      %broadcast_in_dim3A_1081 = vector.broadcast %broadcast_in_dim3A_1080 : i1 to vector<16xi1>
      %masked_cummax3A_1082 = arith.constant -2147483648 : i32
      %masked_cummax3A_1083 = vector.broadcast %masked_cummax3A_1082 : i32 to vector<16xi32>
      %masked_cummax3A_1084 = arith.xori %get3A_1079, %masked_cummax3A_1083 : vector<16xi32>
      %masked_cummax3A_1085 = tpu.scan <max>, %masked_cummax3A_1084 masked %broadcast_in_dim3A_1081 : vector<16xi32>, vector<16xi1> -> vector<16xi32>
      %masked_cummax3A_1086 = arith.xori %masked_cummax3A_1085, %masked_cummax3A_1083 : vector<16xi32>
      %get3A_1087 = arith.constant 32 : index
      %get3A_1088 = tpu.vector_load %arg16[%get3A_1087] {strides = array<i32>} : memref<64xi32, #tpu.memory_space<vmem>>, vector<16xi32>,
      %broadcast_in_dim3A_1089 = arith.constant true
      %broadcast_in_dim3A_1090 = vector.broadcast %broadcast_in_dim3A_1089 : i1 to vector<16xi1>
      %masked_cummax3A_1091 = arith.constant -2147483648 : i32
      %masked_cummax3A_1092 = vector.broadcast %masked_cummax3A_1091 : i32 to vector<16xi32>
      %masked_cummax3A_1093 = arith.xori %get3A_1088, %masked_cummax3A_1092 : vector<16xi32>
      %masked_cummax3A_1094 = tpu.scan <max>, %masked_cummax3A_1093 masked %broadcast_in_dim3A_1090 : vector<16xi32>, vector<16xi1> -> vector<16xi32>
      %masked_cummax3A_1095 = arith.xori %masked_cummax3A_1094, %masked_cummax3A_1092 : vector<16xi32>
      %get3A_1096 = arith.constant 48 : index
      %get3A_1097 = tpu.vector_load %arg16[%get3A_1096] {strides = array<i32>} : memref<64xi32, #tpu.memory_space<vmem>>, vector<16xi32>,
      %broadcast_in_dim3A_1098 = arith.constant true
      %broadcast_in_dim3A_1099 = vector.broadcast %broadcast_in_dim3A_1098 : i1 to vector<16xi1>
      %masked_cummax3A_1100 = arith.constant -2147483648 : i32
      %masked_cummax3A_1101 = vector.broadcast %masked_cummax3A_1100 : i32 to vector<16xi32>
      %masked_cummax3A_1102 = arith.xori %get3A_1097, %masked_cummax3A_1101 : vector<16xi32>
      %masked_cummax3A_1103 = tpu.scan <max>, %masked_cummax3A_1102 masked %broadcast_in_dim3A_1099 : vector<16xi32>, vector<16xi1> -> vector<16xi32>
      %masked_cummax3A_1104 = arith.xori %masked_cummax3A_1103, %masked_cummax3A_1101 : vector<16xi32>
      %max3A_1105 = vector.broadcast %while3A_910 : i32 to vector<16xi32>
      %max3A_1106 = arith.maxsi %masked_cummax3A_1077, %max3A_1105 : vector<16xi32>
      %sub3A_1107 = arith.constant 1 : i32
      %sub3A_1108 = vector.broadcast %sub3A_1107 : i32 to vector<16xi32>
      %sub3A_1109 = arith.subi %max3A_1106, %sub3A_1108 : vector<16xi32>
      %jit3A_1110 = arith.constant 0 : i32
      %jit3A_1111 = arith.constant 9999 : i32
      %max3A_1112 = vector.broadcast %jit3A_1110 : i32 to vector<16xi32>
      %max3A_1113 = arith.maxsi %max3A_1112, %sub3A_1109 : vector<16xi32>
      %min3A_1114 = vector.broadcast %jit3A_1111 : i32 to vector<16xi32>
      %min3A_1115 = arith.minsi %min3A_1114, %max3A_1113 : vector<16xi32>
      %swap3A_1116 = arith.constant 0 : index
      %swap3A_1117 = tpu.vector_load %arg16[%swap3A_1116] {strides = array<i32>} : memref<64xi32, #tpu.memory_space<vmem>>, vector<16xi32>,
      tpu.vector_store %arg16[%swap3A_1116], %min3A_1115 {strides = array<i32>} : memref<64xi32, #tpu.memory_space<vmem>>, vector<16xi32>,
      %reduce_max3A_1118 = arith.constant true
      %reduce_max3A_1119 = vector.broadcast %reduce_max3A_1118 : i1 to vector<16xi1>
      %reduce_max3A_1120 = arith.constant -2147483648 : i32
      %reduce_max3A_1121 = vector.broadcast %reduce_max3A_1120 : i32 to vector<16xi32>
      %reduce_max3A_1122 = arith.xori %max3A_1106, %reduce_max3A_1121 : vector<16xi32>
      %reduce_max3A_1123 = tpu.scan <max>, %reduce_max3A_1122 masked %reduce_max3A_1119 : vector<16xi32>, vector<16xi1> -> vector<16xi32>
      %reduce_max3A_1124 = arith.xori %reduce_max3A_1123, %reduce_max3A_1121 : vector<16xi32>
      %reduce_max3A_1125 = vector.extract %reduce_max3A_1124[15] : i32 from vector<16xi32>
      %max3A_1126 = vector.broadcast %reduce_max3A_1125 : i32 to vector<16xi32>
      %max3A_1127 = arith.maxsi %masked_cummax3A_1086, %max3A_1126 : vector<16xi32>
      %sub3A_1128 = arith.constant 1 : i32
      %sub3A_1129 = vector.broadcast %sub3A_1128 : i32 to vector<16xi32>
      %sub3A_1130 = arith.subi %max3A_1127, %sub3A_1129 : vector<16xi32>
      %jit3A_1131 = arith.constant 0 : i32
      %jit3A_1132 = arith.constant 9999 : i32
      %max3A_1133 = vector.broadcast %jit3A_1131 : i32 to vector<16xi32>
      %max3A_1134 = arith.maxsi %max3A_1133, %sub3A_1130 : vector<16xi32>
      %min3A_1135 = vector.broadcast %jit3A_1132 : i32 to vector<16xi32>
      %min3A_1136 = arith.minsi %min3A_1135, %max3A_1134 : vector<16xi32>
      %swap3A_1137 = arith.constant 16 : index
      %swap3A_1138 = tpu.vector_load %arg16[%swap3A_1137] {strides = array<i32>} : memref<64xi32, #tpu.memory_space<vmem>>, vector<16xi32>,
      tpu.vector_store %arg16[%swap3A_1137], %min3A_1136 {strides = array<i32>} : memref<64xi32, #tpu.memory_space<vmem>>, vector<16xi32>,
      %reduce_max3A_1139 = arith.constant true
      %reduce_max3A_1140 = vector.broadcast %reduce_max3A_1139 : i1 to vector<16xi1>
      %reduce_max3A_1141 = arith.constant -2147483648 : i32
      %reduce_max3A_1142 = vector.broadcast %reduce_max3A_1141 : i32 to vector<16xi32>
      %reduce_max3A_1143 = arith.xori %max3A_1127, %reduce_max3A_1142 : vector<16xi32>
      %reduce_max3A_1144 = tpu.scan <max>, %reduce_max3A_1143 masked %reduce_max3A_1140 : vector<16xi32>, vector<16xi1> -> vector<16xi32>
      %reduce_max3A_1145 = arith.xori %reduce_max3A_1144, %reduce_max3A_1142 : vector<16xi32>
      %reduce_max3A_1146 = vector.extract %reduce_max3A_1145[15] : i32 from vector<16xi32>
      %max3A_1147 = vector.broadcast %reduce_max3A_1146 : i32 to vector<16xi32>
      %max3A_1148 = arith.maxsi %masked_cummax3A_1095, %max3A_1147 : vector<16xi32>
      %sub3A_1149 = arith.constant 1 : i32
      %sub3A_1150 = vector.broadcast %sub3A_1149 : i32 to vector<16xi32>
      %sub3A_1151 = arith.subi %max3A_1148, %sub3A_1150 : vector<16xi32>
      %jit3A_1152 = arith.constant 0 : i32
      %jit3A_1153 = arith.constant 9999 : i32
      %max3A_1154 = vector.broadcast %jit3A_1152 : i32 to vector<16xi32>
      %max3A_1155 = arith.maxsi %max3A_1154, %sub3A_1151 : vector<16xi32>
      %min3A_1156 = vector.broadcast %jit3A_1153 : i32 to vector<16xi32>
      %min3A_1157 = arith.minsi %min3A_1156, %max3A_1155 : vector<16xi32>
      %swap3A_1158 = arith.constant 32 : index
      %swap3A_1159 = tpu.vector_load %arg16[%swap3A_1158] {strides = array<i32>} : memref<64xi32, #tpu.memory_space<vmem>>, vector<16xi32>,
      tpu.vector_store %arg16[%swap3A_1158], %min3A_1157 {strides = array<i32>} : memref<64xi32, #tpu.memory_space<vmem>>, vector<16xi32>,
      %reduce_max3A_1160 = arith.constant true
      %reduce_max3A_1161 = vector.broadcast %reduce_max3A_1160 : i1 to vector<16xi1>
      %reduce_max3A_1162 = arith.constant -2147483648 : i32
      %reduce_max3A_1163 = vector.broadcast %reduce_max3A_1162 : i32 to vector<16xi32>
      %reduce_max3A_1164 = arith.xori %max3A_1148, %reduce_max3A_1163 : vector<16xi32>
      %reduce_max3A_1165 = tpu.scan <max>, %reduce_max3A_1164 masked %reduce_max3A_1161 : vector<16xi32>, vector<16xi1> -> vector<16xi32>
      %reduce_max3A_1166 = arith.xori %reduce_max3A_1165, %reduce_max3A_1163 : vector<16xi32>
      %reduce_max3A_1167 = vector.extract %reduce_max3A_1166[15] : i32 from vector<16xi32>
      %max3A_1168 = vector.broadcast %reduce_max3A_1167 : i32 to vector<16xi32>
      %max3A_1169 = arith.maxsi %masked_cummax3A_1104, %max3A_1168 : vector<16xi32>
      %sub3A_1170 = arith.constant 1 : i32
      %sub3A_1171 = vector.broadcast %sub3A_1170 : i32 to vector<16xi32>
      %sub3A_1172 = arith.subi %max3A_1169, %sub3A_1171 : vector<16xi32>
      %jit3A_1173 = arith.constant 0 : i32
      %jit3A_1174 = arith.constant 9999 : i32
      %max3A_1175 = vector.broadcast %jit3A_1173 : i32 to vector<16xi32>
      %max3A_1176 = arith.maxsi %max3A_1175, %sub3A_1172 : vector<16xi32>
      %min3A_1177 = vector.broadcast %jit3A_1174 : i32 to vector<16xi32>
      %min3A_1178 = arith.minsi %min3A_1177, %max3A_1176 : vector<16xi32>
      %swap3A_1179 = arith.constant 48 : index
      %swap3A_1180 = tpu.vector_load %arg16[%swap3A_1179] {strides = array<i32>} : memref<64xi32, #tpu.memory_space<vmem>>, vector<16xi32>,
      tpu.vector_store %arg16[%swap3A_1179], %min3A_1178 {strides = array<i32>} : memref<64xi32, #tpu.memory_space<vmem>>, vector<16xi32>,
      %reduce_max3A_1181 = arith.constant true
      %reduce_max3A_1182 = vector.broadcast %reduce_max3A_1181 : i1 to vector<16xi1>
      %reduce_max3A_1183 = arith.constant -2147483648 : i32
      %reduce_max3A_1184 = vector.broadcast %reduce_max3A_1183 : i32 to vector<16xi32>
      %reduce_max3A_1185 = arith.xori %max3A_1169, %reduce_max3A_1184 : vector<16xi32>
      %reduce_max3A_1186 = tpu.scan <max>, %reduce_max3A_1185 masked %reduce_max3A_1182 : vector<16xi32>, vector<16xi1> -> vector<16xi32>
      %reduce_max3A_1187 = arith.xori %reduce_max3A_1186, %reduce_max3A_1184 : vector<16xi32>
      %reduce_max3A_1188 = vector.extract %reduce_max3A_1187[15] : i32 from vector<16xi32>
      %dma_wait3A_1189 = arith.constant 0 : i32
      %dma_wait3A_1190 = arith.constant 0 : i32
      %dma_wait3A_1191 = tpu.memref_slice %arg2[%dma_wait3A_1189, %dma_wait3A_1190] : memref<10000x128xf32, #tpu.memory_space<hbm>> -> memref<10000x128xf32, #tpu.memory_space<hbm>>
      tpu.wait_indirect_dma semaphore(%arg25 : memref<!tpu.dma_semaphore, #tpu.memory_space<semaphore_mem>>) src(%dma_wait3A_1191 : memref<10000x128xf32, #tpu.memory_space<hbm>>) dst(%arg9 : memref<64x128xf32, #tpu.memory_space<vmem>>)
      "tpu.region"() ({
        %run_scoped3A = tpu.sem_alloc : memref<!tpu.dma_semaphore, #tpu.memory_space<semaphore_mem>>
        %dma_start3A_1525 = arith.constant 0 : i32
        %dma_start3A_1526 = arith.constant 0 : i32
        %dma_start3A_1527 = tpu.memref_slice %arg29[%dma_start3A_1525, %dma_start3A_1526] : memref<10000x128xf32, #tpu.memory_space<vmem_shared>> -> memref<10000x128xf32, #tpu.memory_space<vmem_shared>>
        tpu.enqueue_indirect_dma source(%arg9 : memref<64x128xf32, #tpu.memory_space<vmem>>) target(%dma_start3A_1527 : memref<10000x128xf32, #tpu.memory_space<vmem_shared>>) offsets(%arg16 : memref<64xi32, #tpu.memory_space<vmem>>) semaphore(%run_scoped3A : memref<!tpu.dma_semaphore, #tpu.memory_space<semaphore_mem>>) {add = true}
        %dma_wait3A_1528 = arith.constant 0 : i32
        %dma_wait3A_1529 = arith.constant 0 : i32
        %dma_wait3A_1530 = tpu.memref_slice %arg29[%dma_wait3A_1528, %dma_wait3A_1529] : memref<10000x128xf32, #tpu.memory_space<vmem_shared>> -> memref<10000x128xf32, #tpu.memory_space<vmem_shared>>
        tpu.wait_indirect_dma semaphore(%run_scoped3A : memref<!tpu.dma_semaphore, #tpu.memory_space<semaphore_mem>>) src(%arg9 : memref<64x128xf32, #tpu.memory_space<vmem>>) dst(%dma_wait3A_1530 : memref<10000x128xf32, #tpu.memory_space<vmem_shared>>)
        tpu.yield
      }) : () -> ()
      %add3A_1192 = arith.constant 4 : i32
      %add3A_1193 = arith.addi %add3A_1054, %add3A_1192 : i32
      %lt3A_1194 = arith.constant 156 : i32
      %lt3A_1195 = arith.cmpi slt, %add3A_1193, %lt3A_1194 : i32
      %convert_element_type3A_1196 = arith.extui %lt3A_1195 : i1 to i32
      %cond3A_1197 = arith.constant 0 : i32
      %cond3A_1198 = arith.cmpi ne, %convert_element_type3A_1196, %cond3A_1197 : i32
      scf.if %cond3A_1198 {
        %add3A_1525 = arith.constant 4 : i32
        %add3A_1526 = arith.addi %add3A_1054, %add3A_1525 : i32
        %mul3A_1527 = arith.constant 64 : i32
        %mul3A_1528 = arith.muli %add3A_1526, %mul3A_1527 : i32
        %add3A_1529 = arith.addi %mul3A_2, %mul3A_1528 : i32
        %dma_start3A_1530 = tpu.memref_slice %arg3[%add3A_1529] : memref<320000xi32, #tpu.memory_space<hbm>> -> memref<64xi32, #tpu.memory_space<hbm>>
        %dma_start3A_1531 = tpu.memref_slice %arg3[%add3A_1529] : memref<320000xi32, #tpu.memory_space<hbm>> -> memref<64xi32, #tpu.memory_space<hbm>>
        tpu.enqueue_dma source(%dma_start3A_1531 : memref<64xi32, #tpu.memory_space<hbm>>) target(%arg13 : memref<64xi32, #tpu.memory_space<vmem>>) target_semaphore(%arg21 : memref<!tpu.dma_semaphore, #tpu.memory_space<semaphore_mem>>)
      } else {
      }
      %add3A_1199 = arith.constant 3 : i32
      %add3A_1200 = arith.addi %add3A_1054, %add3A_1199 : i32
      %mul3A_1201 = arith.constant 64 : i32
      %mul3A_1202 = arith.muli %add3A_1200, %mul3A_1201 : i32
      %add3A_1203 = arith.addi %mul3A_2, %mul3A_1202 : i32
      %dma_wait3A_1204 = tpu.memref_slice %arg3[%add3A_1203] : memref<320000xi32, #tpu.memory_space<hbm>> -> memref<64xi32, #tpu.memory_space<hbm>>
      %dma_wait3A_1205 = tpu.memref_slice %arg3[%add3A_1203] : memref<320000xi32, #tpu.memory_space<hbm>> -> memref<64xi32, #tpu.memory_space<hbm>>
      tpu.wait_dma2 semaphore(%arg20 : memref<!tpu.dma_semaphore, #tpu.memory_space<semaphore_mem>>) src(%dma_wait3A_1205 : memref<64xi32, #tpu.memory_space<hbm>>) dst(%arg12 : memref<64xi32, #tpu.memory_space<vmem>>)
      %dma_start3A_1206 = arith.constant 0 : i32
      %dma_start3A_1207 = arith.constant 0 : i32
      %dma_start3A_1208 = tpu.memref_slice %arg2[%dma_start3A_1206, %dma_start3A_1207] : memref<10000x128xf32, #tpu.memory_space<hbm>> -> memref<10000x128xf32, #tpu.memory_space<hbm>>
      tpu.enqueue_indirect_dma source(%dma_start3A_1208 : memref<10000x128xf32, #tpu.memory_space<hbm>>) target(%arg8 : memref<64x128xf32, #tpu.memory_space<vmem>>) offsets(%arg12 : memref<64xi32, #tpu.memory_space<vmem>>) semaphore(%arg24 : memref<!tpu.dma_semaphore, #tpu.memory_space<semaphore_mem>>)
      %mul3A_1209 = arith.constant 4 : i32
      %mul3A_1210 = arith.muli %scan3A_891, %mul3A_1209 : i32
      %add3A_1211 = arith.constant 2 : i32
      %add3A_1212 = arith.addi %mul3A_1210, %add3A_1211 : i32
      %mul3A_1213 = arith.constant 64 : i32
      %mul3A_1214 = arith.muli %add3A_1212, %mul3A_1213 : i32
      %add3A_1215 = arith.addi %mul3A_2, %mul3A_1214 : i32
      %add3A_1216 = arith.constant 64 : i32
      %add3A_1217 = arith.addi %add3A_1215, %add3A_1216 : i32
      %swap3A_1218 = arith.constant 0 : index
      %swap3A_1219 = tpu.vector_load %arg16[%swap3A_1218] {strides = array<i32>} : memref<64xi32, #tpu.memory_space<vmem>>, vector<16xi32>,
      tpu.vector_store %arg16[%swap3A_1218], %broadcast_in_dim3A_9 {strides = array<i32>} : memref<64xi32, #tpu.memory_space<vmem>>, vector<16xi32>,
      %swap3A_1220 = arith.constant 16 : index
      %swap3A_1221 = tpu.vector_load %arg16[%swap3A_1220] {strides = array<i32>} : memref<64xi32, #tpu.memory_space<vmem>>, vector<16xi32>,
      tpu.vector_store %arg16[%swap3A_1220], %broadcast_in_dim3A_9 {strides = array<i32>} : memref<64xi32, #tpu.memory_space<vmem>>, vector<16xi32>,
      %swap3A_1222 = arith.constant 32 : index
      %swap3A_1223 = tpu.vector_load %arg16[%swap3A_1222] {strides = array<i32>} : memref<64xi32, #tpu.memory_space<vmem>>, vector<16xi32>,
      tpu.vector_store %arg16[%swap3A_1222], %broadcast_in_dim3A_9 {strides = array<i32>} : memref<64xi32, #tpu.memory_space<vmem>>, vector<16xi32>,
      %swap3A_1224 = arith.constant 48 : index
      %swap3A_1225 = tpu.vector_load %arg16[%swap3A_1224] {strides = array<i32>} : memref<64xi32, #tpu.memory_space<vmem>>, vector<16xi32>,
      tpu.vector_store %arg16[%swap3A_1224], %broadcast_in_dim3A_9 {strides = array<i32>} : memref<64xi32, #tpu.memory_space<vmem>>, vector<16xi32>,
      %while3A_1226 = scf.while (%while3A_1525 = %while3A_1068) : (i32) -> i32 {
        %min3A_1526 = arith.constant 10000 : i32
        %min3A_1527 = arith.minsi %while3A_1525, %min3A_1526 : i32
        %add3A_1528 = vector.broadcast %min3A_1527 : i32 to vector<16xi32>
        %add3A_1529 = arith.addi %broadcast_in_dim3A_9, %add3A_1528 : vector<16xi32>
        %gather3A_1530 = tpu.vector_load_idx %arg7[%add3A_1529] : memref<10008xi32, #tpu.memory_space<vmem>>[vector<16xi32>], vector<16xi32>,
        %reduce_max3A_1531 = arith.constant true
        %reduce_max3A_1532 = vector.broadcast %reduce_max3A_1531 : i1 to vector<16xi1>
        %reduce_max3A_1533 = arith.constant -2147483648 : i32
        %reduce_max3A_1534 = vector.broadcast %reduce_max3A_1533 : i32 to vector<16xi32>
        %reduce_max3A_1535 = arith.xori %gather3A_1530, %reduce_max3A_1534 : vector<16xi32>
        %reduce_max3A_1536 = tpu.scan <max>, %reduce_max3A_1535 masked %reduce_max3A_1532 : vector<16xi32>, vector<16xi1> -> vector<16xi32>
        %reduce_max3A_1537 = arith.xori %reduce_max3A_1536, %reduce_max3A_1534 : vector<16xi32>
        %reduce_max3A_1538 = vector.extract %reduce_max3A_1537[15] : i32 from vector<16xi32>
        %le3A_1539 = arith.constant 10000 : i32
        %le3A_1540 = arith.cmpi sle, %while3A_1525, %le3A_1539 : i32
        %lt3A_1541 = arith.cmpi slt, %reduce_max3A_1538, %add3A_1217 : i32
        %and3A_1542 = arith.andi %le3A_1540, %lt3A_1541 : i1
        scf.condition(%and3A_1542) %while3A_1525 : i32
      } do {
      ^bb0(%while3A_1525: i32):
        %add3A_1526 = vector.broadcast %while3A_1525 : i32 to vector<16xi32>
        %add3A_1527 = arith.addi %add3A_1526, %iota3A : vector<16xi32>
        %min3A_1528 = arith.constant 10007 : i32
        %min3A_1529 = vector.broadcast %min3A_1528 : i32 to vector<16xi32>
        %min3A_1530 = arith.minsi %add3A_1527, %min3A_1529 : vector<16xi32>
        %gather3A_1531 = tpu.vector_load_idx %arg7[%min3A_1530] : memref<10008xi32, #tpu.memory_space<vmem>>[vector<16xi32>], vector<16xi32>,
        %add3A_1532 = arith.constant 1 : i32
        %add3A_1533 = vector.broadcast %add3A_1532 : i32 to vector<16xi32>
        %add3A_1534 = arith.addi %add3A_1527, %add3A_1533 : vector<16xi32>
        %min3A_1535 = arith.constant 10007 : i32
        %min3A_1536 = vector.broadcast %min3A_1535 : i32 to vector<16xi32>
        %min3A_1537 = arith.minsi %add3A_1534, %min3A_1536 : vector<16xi32>
        %gather3A_1538 = tpu.vector_load_idx %arg7[%min3A_1537] : memref<10008xi32, #tpu.memory_space<vmem>>[vector<16xi32>], vector<16xi32>,
        %le3A_1539 = arith.constant 10000 : i32
        %le3A_1540 = vector.broadcast %le3A_1539 : i32 to vector<16xi32>
        %le3A_1541 = arith.cmpi sle, %add3A_1527, %le3A_1540 : vector<16xi32>
        %lt3A_1542 = vector.broadcast %add3A_1217 : i32 to vector<16xi32>
        %lt3A_1543 = arith.cmpi slt, %gather3A_1531, %lt3A_1542 : vector<16xi32>
        %and3A_1544 = arith.andi %le3A_1541, %lt3A_1543 : vector<16xi1>
        %sub3A_1545 = vector.broadcast %add3A_1215 : i32 to vector<16xi32>
        %sub3A_1546 = arith.subi %gather3A_1531, %sub3A_1545 : vector<16xi32>
        %add3A_1547 = arith.constant 1 : i32
        %add3A_1548 = vector.broadcast %add3A_1547 : i32 to vector<16xi32>
        %add3A_1549 = arith.addi %add3A_1527, %add3A_1548 : vector<16xi32>
        %ne3A = arith.cmpi ne, %gather3A_1531, %gather3A_1538 : vector<16xi32>
        %and3A_1550 = arith.andi %and3A_1544, %ne3A : vector<16xi1>
        tpu.vector_store_idx %arg16[%sub3A_1546], %add3A_1549 masked %and3A_1550 : memref<64xi32, #tpu.memory_space<vmem>>[vector<16xi32>], vector<16xi32>, vector<16xi1>
        %all_reduce_population_count3A = tpu.all_reduce %and3A_1544 {dim = 0 : i64, kind = #tpu.reduction_kind<sum>} : vector<16xi1> -> vector<16xi32>
        %reduce_max3A_1551 = arith.constant true
        %reduce_max3A_1552 = vector.broadcast %reduce_max3A_1551 : i1 to vector<16xi1>
        %reduce_max3A_1553 = arith.constant -2147483648 : i32
        %reduce_max3A_1554 = vector.broadcast %reduce_max3A_1553 : i32 to vector<16xi32>
        %reduce_max3A_1555 = arith.xori %all_reduce_population_count3A, %reduce_max3A_1554 : vector<16xi32>
        %reduce_max3A_1556 = tpu.scan <max>, %reduce_max3A_1555 masked %reduce_max3A_1552 : vector<16xi32>, vector<16xi1> -> vector<16xi32>
        %reduce_max3A_1557 = arith.xori %reduce_max3A_1556, %reduce_max3A_1554 : vector<16xi32>
        %reduce_max3A_1558 = vector.extract %reduce_max3A_1557[15] : i32 from vector<16xi32>
        %add3A_1559 = arith.addi %while3A_1525, %reduce_max3A_1558 : i32
        scf.yield %add3A_1559 : i32
      }
      %get3A_1227 = arith.constant 0 : index
      %get3A_1228 = tpu.vector_load %arg16[%get3A_1227] {strides = array<i32>} : memref<64xi32, #tpu.memory_space<vmem>>, vector<16xi32>,
      %broadcast_in_dim3A_1229 = arith.constant true
      %broadcast_in_dim3A_1230 = vector.broadcast %broadcast_in_dim3A_1229 : i1 to vector<16xi1>
      %masked_cummax3A_1231 = arith.constant -2147483648 : i32
      %masked_cummax3A_1232 = vector.broadcast %masked_cummax3A_1231 : i32 to vector<16xi32>
      %masked_cummax3A_1233 = arith.xori %get3A_1228, %masked_cummax3A_1232 : vector<16xi32>
      %masked_cummax3A_1234 = tpu.scan <max>, %masked_cummax3A_1233 masked %broadcast_in_dim3A_1230 : vector<16xi32>, vector<16xi1> -> vector<16xi32>
      %masked_cummax3A_1235 = arith.xori %masked_cummax3A_1234, %masked_cummax3A_1232 : vector<16xi32>
      %get3A_1236 = arith.constant 16 : index
      %get3A_1237 = tpu.vector_load %arg16[%get3A_1236] {strides = array<i32>} : memref<64xi32, #tpu.memory_space<vmem>>, vector<16xi32>,
      %broadcast_in_dim3A_1238 = arith.constant true
      %broadcast_in_dim3A_1239 = vector.broadcast %broadcast_in_dim3A_1238 : i1 to vector<16xi1>
      %masked_cummax3A_1240 = arith.constant -2147483648 : i32
      %masked_cummax3A_1241 = vector.broadcast %masked_cummax3A_1240 : i32 to vector<16xi32>
      %masked_cummax3A_1242 = arith.xori %get3A_1237, %masked_cummax3A_1241 : vector<16xi32>
      %masked_cummax3A_1243 = tpu.scan <max>, %masked_cummax3A_1242 masked %broadcast_in_dim3A_1239 : vector<16xi32>, vector<16xi1> -> vector<16xi32>
      %masked_cummax3A_1244 = arith.xori %masked_cummax3A_1243, %masked_cummax3A_1241 : vector<16xi32>
      %get3A_1245 = arith.constant 32 : index
      %get3A_1246 = tpu.vector_load %arg16[%get3A_1245] {strides = array<i32>} : memref<64xi32, #tpu.memory_space<vmem>>, vector<16xi32>,
      %broadcast_in_dim3A_1247 = arith.constant true
      %broadcast_in_dim3A_1248 = vector.broadcast %broadcast_in_dim3A_1247 : i1 to vector<16xi1>
      %masked_cummax3A_1249 = arith.constant -2147483648 : i32
      %masked_cummax3A_1250 = vector.broadcast %masked_cummax3A_1249 : i32 to vector<16xi32>
      %masked_cummax3A_1251 = arith.xori %get3A_1246, %masked_cummax3A_1250 : vector<16xi32>
      %masked_cummax3A_1252 = tpu.scan <max>, %masked_cummax3A_1251 masked %broadcast_in_dim3A_1248 : vector<16xi32>, vector<16xi1> -> vector<16xi32>
      %masked_cummax3A_1253 = arith.xori %masked_cummax3A_1252, %masked_cummax3A_1250 : vector<16xi32>
      %get3A_1254 = arith.constant 48 : index
      %get3A_1255 = tpu.vector_load %arg16[%get3A_1254] {strides = array<i32>} : memref<64xi32, #tpu.memory_space<vmem>>, vector<16xi32>,
      %broadcast_in_dim3A_1256 = arith.constant true
      %broadcast_in_dim3A_1257 = vector.broadcast %broadcast_in_dim3A_1256 : i1 to vector<16xi1>
      %masked_cummax3A_1258 = arith.constant -2147483648 : i32
      %masked_cummax3A_1259 = vector.broadcast %masked_cummax3A_1258 : i32 to vector<16xi32>
      %masked_cummax3A_1260 = arith.xori %get3A_1255, %masked_cummax3A_1259 : vector<16xi32>
      %masked_cummax3A_1261 = tpu.scan <max>, %masked_cummax3A_1260 masked %broadcast_in_dim3A_1257 : vector<16xi32>, vector<16xi1> -> vector<16xi32>
      %masked_cummax3A_1262 = arith.xori %masked_cummax3A_1261, %masked_cummax3A_1259 : vector<16xi32>
      %max3A_1263 = vector.broadcast %while3A_1068 : i32 to vector<16xi32>
      %max3A_1264 = arith.maxsi %masked_cummax3A_1235, %max3A_1263 : vector<16xi32>
      %sub3A_1265 = arith.constant 1 : i32
      %sub3A_1266 = vector.broadcast %sub3A_1265 : i32 to vector<16xi32>
      %sub3A_1267 = arith.subi %max3A_1264, %sub3A_1266 : vector<16xi32>
      %jit3A_1268 = arith.constant 0 : i32
      %jit3A_1269 = arith.constant 9999 : i32
      %max3A_1270 = vector.broadcast %jit3A_1268 : i32 to vector<16xi32>
      %max3A_1271 = arith.maxsi %max3A_1270, %sub3A_1267 : vector<16xi32>
      %min3A_1272 = vector.broadcast %jit3A_1269 : i32 to vector<16xi32>
      %min3A_1273 = arith.minsi %min3A_1272, %max3A_1271 : vector<16xi32>
      %swap3A_1274 = arith.constant 0 : index
      %swap3A_1275 = tpu.vector_load %arg16[%swap3A_1274] {strides = array<i32>} : memref<64xi32, #tpu.memory_space<vmem>>, vector<16xi32>,
      tpu.vector_store %arg16[%swap3A_1274], %min3A_1273 {strides = array<i32>} : memref<64xi32, #tpu.memory_space<vmem>>, vector<16xi32>,
      %reduce_max3A_1276 = arith.constant true
      %reduce_max3A_1277 = vector.broadcast %reduce_max3A_1276 : i1 to vector<16xi1>
      %reduce_max3A_1278 = arith.constant -2147483648 : i32
      %reduce_max3A_1279 = vector.broadcast %reduce_max3A_1278 : i32 to vector<16xi32>
      %reduce_max3A_1280 = arith.xori %max3A_1264, %reduce_max3A_1279 : vector<16xi32>
      %reduce_max3A_1281 = tpu.scan <max>, %reduce_max3A_1280 masked %reduce_max3A_1277 : vector<16xi32>, vector<16xi1> -> vector<16xi32>
      %reduce_max3A_1282 = arith.xori %reduce_max3A_1281, %reduce_max3A_1279 : vector<16xi32>
      %reduce_max3A_1283 = vector.extract %reduce_max3A_1282[15] : i32 from vector<16xi32>
      %max3A_1284 = vector.broadcast %reduce_max3A_1283 : i32 to vector<16xi32>
      %max3A_1285 = arith.maxsi %masked_cummax3A_1244, %max3A_1284 : vector<16xi32>
      %sub3A_1286 = arith.constant 1 : i32
      %sub3A_1287 = vector.broadcast %sub3A_1286 : i32 to vector<16xi32>
      %sub3A_1288 = arith.subi %max3A_1285, %sub3A_1287 : vector<16xi32>
      %jit3A_1289 = arith.constant 0 : i32
      %jit3A_1290 = arith.constant 9999 : i32
      %max3A_1291 = vector.broadcast %jit3A_1289 : i32 to vector<16xi32>
      %max3A_1292 = arith.maxsi %max3A_1291, %sub3A_1288 : vector<16xi32>
      %min3A_1293 = vector.broadcast %jit3A_1290 : i32 to vector<16xi32>
      %min3A_1294 = arith.minsi %min3A_1293, %max3A_1292 : vector<16xi32>
      %swap3A_1295 = arith.constant 16 : index
      %swap3A_1296 = tpu.vector_load %arg16[%swap3A_1295] {strides = array<i32>} : memref<64xi32, #tpu.memory_space<vmem>>, vector<16xi32>,
      tpu.vector_store %arg16[%swap3A_1295], %min3A_1294 {strides = array<i32>} : memref<64xi32, #tpu.memory_space<vmem>>, vector<16xi32>,
      %reduce_max3A_1297 = arith.constant true
      %reduce_max3A_1298 = vector.broadcast %reduce_max3A_1297 : i1 to vector<16xi1>
      %reduce_max3A_1299 = arith.constant -2147483648 : i32
      %reduce_max3A_1300 = vector.broadcast %reduce_max3A_1299 : i32 to vector<16xi32>
      %reduce_max3A_1301 = arith.xori %max3A_1285, %reduce_max3A_1300 : vector<16xi32>
      %reduce_max3A_1302 = tpu.scan <max>, %reduce_max3A_1301 masked %reduce_max3A_1298 : vector<16xi32>, vector<16xi1> -> vector<16xi32>
      %reduce_max3A_1303 = arith.xori %reduce_max3A_1302, %reduce_max3A_1300 : vector<16xi32>
      %reduce_max3A_1304 = vector.extract %reduce_max3A_1303[15] : i32 from vector<16xi32>
      %max3A_1305 = vector.broadcast %reduce_max3A_1304 : i32 to vector<16xi32>
      %max3A_1306 = arith.maxsi %masked_cummax3A_1253, %max3A_1305 : vector<16xi32>
      %sub3A_1307 = arith.constant 1 : i32
      %sub3A_1308 = vector.broadcast %sub3A_1307 : i32 to vector<16xi32>
      %sub3A_1309 = arith.subi %max3A_1306, %sub3A_1308 : vector<16xi32>
      %jit3A_1310 = arith.constant 0 : i32
      %jit3A_1311 = arith.constant 9999 : i32
      %max3A_1312 = vector.broadcast %jit3A_1310 : i32 to vector<16xi32>
      %max3A_1313 = arith.maxsi %max3A_1312, %sub3A_1309 : vector<16xi32>
      %min3A_1314 = vector.broadcast %jit3A_1311 : i32 to vector<16xi32>
      %min3A_1315 = arith.minsi %min3A_1314, %max3A_1313 : vector<16xi32>
      %swap3A_1316 = arith.constant 32 : index
      %swap3A_1317 = tpu.vector_load %arg16[%swap3A_1316] {strides = array<i32>} : memref<64xi32, #tpu.memory_space<vmem>>, vector<16xi32>,
      tpu.vector_store %arg16[%swap3A_1316], %min3A_1315 {strides = array<i32>} : memref<64xi32, #tpu.memory_space<vmem>>, vector<16xi32>,
      %reduce_max3A_1318 = arith.constant true
      %reduce_max3A_1319 = vector.broadcast %reduce_max3A_1318 : i1 to vector<16xi1>
      %reduce_max3A_1320 = arith.constant -2147483648 : i32
      %reduce_max3A_1321 = vector.broadcast %reduce_max3A_1320 : i32 to vector<16xi32>
      %reduce_max3A_1322 = arith.xori %max3A_1306, %reduce_max3A_1321 : vector<16xi32>
      %reduce_max3A_1323 = tpu.scan <max>, %reduce_max3A_1322 masked %reduce_max3A_1319 : vector<16xi32>, vector<16xi1> -> vector<16xi32>
      %reduce_max3A_1324 = arith.xori %reduce_max3A_1323, %reduce_max3A_1321 : vector<16xi32>
      %reduce_max3A_1325 = vector.extract %reduce_max3A_1324[15] : i32 from vector<16xi32>
      %max3A_1326 = vector.broadcast %reduce_max3A_1325 : i32 to vector<16xi32>
      %max3A_1327 = arith.maxsi %masked_cummax3A_1262, %max3A_1326 : vector<16xi32>
      %sub3A_1328 = arith.constant 1 : i32
      %sub3A_1329 = vector.broadcast %sub3A_1328 : i32 to vector<16xi32>
      %sub3A_1330 = arith.subi %max3A_1327, %sub3A_1329 : vector<16xi32>
      %jit3A_1331 = arith.constant 0 : i32
      %jit3A_1332 = arith.constant 9999 : i32
      %max3A_1333 = vector.broadcast %jit3A_1331 : i32 to vector<16xi32>
      %max3A_1334 = arith.maxsi %max3A_1333, %sub3A_1330 : vector<16xi32>
      %min3A_1335 = vector.broadcast %jit3A_1332 : i32 to vector<16xi32>
      %min3A_1336 = arith.minsi %min3A_1335, %max3A_1334 : vector<16xi32>
      %swap3A_1337 = arith.constant 48 : index
      %swap3A_1338 = tpu.vector_load %arg16[%swap3A_1337] {strides = array<i32>} : memref<64xi32, #tpu.memory_space<vmem>>, vector<16xi32>,
      tpu.vector_store %arg16[%swap3A_1337], %min3A_1336 {strides = array<i32>} : memref<64xi32, #tpu.memory_space<vmem>>, vector<16xi32>,
      %reduce_max3A_1339 = arith.constant true
      %reduce_max3A_1340 = vector.broadcast %reduce_max3A_1339 : i1 to vector<16xi1>
      %reduce_max3A_1341 = arith.constant -2147483648 : i32
      %reduce_max3A_1342 = vector.broadcast %reduce_max3A_1341 : i32 to vector<16xi32>
      %reduce_max3A_1343 = arith.xori %max3A_1327, %reduce_max3A_1342 : vector<16xi32>
      %reduce_max3A_1344 = tpu.scan <max>, %reduce_max3A_1343 masked %reduce_max3A_1340 : vector<16xi32>, vector<16xi1> -> vector<16xi32>
      %reduce_max3A_1345 = arith.xori %reduce_max3A_1344, %reduce_max3A_1342 : vector<16xi32>
      %reduce_max3A_1346 = vector.extract %reduce_max3A_1345[15] : i32 from vector<16xi32>
      %dma_wait3A_1347 = arith.constant 0 : i32
      %dma_wait3A_1348 = arith.constant 0 : i32
      %dma_wait3A_1349 = tpu.memref_slice %arg2[%dma_wait3A_1347, %dma_wait3A_1348] : memref<10000x128xf32, #tpu.memory_space<hbm>> -> memref<10000x128xf32, #tpu.memory_space<hbm>>
      tpu.wait_indirect_dma semaphore(%arg26 : memref<!tpu.dma_semaphore, #tpu.memory_space<semaphore_mem>>) src(%dma_wait3A_1349 : memref<10000x128xf32, #tpu.memory_space<hbm>>) dst(%arg10 : memref<64x128xf32, #tpu.memory_space<vmem>>)
      "tpu.region"() ({
        %run_scoped3A = tpu.sem_alloc : memref<!tpu.dma_semaphore, #tpu.memory_space<semaphore_mem>>
        %dma_start3A_1525 = arith.constant 0 : i32
        %dma_start3A_1526 = arith.constant 0 : i32
        %dma_start3A_1527 = tpu.memref_slice %arg29[%dma_start3A_1525, %dma_start3A_1526] : memref<10000x128xf32, #tpu.memory_space<vmem_shared>> -> memref<10000x128xf32, #tpu.memory_space<vmem_shared>>
        tpu.enqueue_indirect_dma source(%arg10 : memref<64x128xf32, #tpu.memory_space<vmem>>) target(%dma_start3A_1527 : memref<10000x128xf32, #tpu.memory_space<vmem_shared>>) offsets(%arg16 : memref<64xi32, #tpu.memory_space<vmem>>) semaphore(%run_scoped3A : memref<!tpu.dma_semaphore, #tpu.memory_space<semaphore_mem>>) {add = true}
        %dma_wait3A_1528 = arith.constant 0 : i32
        %dma_wait3A_1529 = arith.constant 0 : i32
        %dma_wait3A_1530 = tpu.memref_slice %arg29[%dma_wait3A_1528, %dma_wait3A_1529] : memref<10000x128xf32, #tpu.memory_space<vmem_shared>> -> memref<10000x128xf32, #tpu.memory_space<vmem_shared>>
        tpu.wait_indirect_dma semaphore(%run_scoped3A : memref<!tpu.dma_semaphore, #tpu.memory_space<semaphore_mem>>) src(%arg10 : memref<64x128xf32, #tpu.memory_space<vmem>>) dst(%dma_wait3A_1530 : memref<10000x128xf32, #tpu.memory_space<vmem_shared>>)
        tpu.yield
      }) : () -> ()
      %add3A_1350 = arith.constant 4 : i32
      %add3A_1351 = arith.addi %add3A_1212, %add3A_1350 : i32
      %lt3A_1352 = arith.constant 156 : i32
      %lt3A_1353 = arith.cmpi slt, %add3A_1351, %lt3A_1352 : i32
      %convert_element_type3A_1354 = arith.extui %lt3A_1353 : i1 to i32
      %cond3A_1355 = arith.constant 0 : i32
      %cond3A_1356 = arith.cmpi ne, %convert_element_type3A_1354, %cond3A_1355 : i32
      scf.if %cond3A_1356 {
        %add3A_1525 = arith.constant 4 : i32
        %add3A_1526 = arith.addi %add3A_1212, %add3A_1525 : i32
        %mul3A_1527 = arith.constant 64 : i32
        %mul3A_1528 = arith.muli %add3A_1526, %mul3A_1527 : i32
        %add3A_1529 = arith.addi %mul3A_2, %mul3A_1528 : i32
        %dma_start3A_1530 = tpu.memref_slice %arg3[%add3A_1529] : memref<320000xi32, #tpu.memory_space<hbm>> -> memref<64xi32, #tpu.memory_space<hbm>>
        %dma_start3A_1531 = tpu.memref_slice %arg3[%add3A_1529] : memref<320000xi32, #tpu.memory_space<hbm>> -> memref<64xi32, #tpu.memory_space<hbm>>
        tpu.enqueue_dma source(%dma_start3A_1531 : memref<64xi32, #tpu.memory_space<hbm>>) target(%arg14 : memref<64xi32, #tpu.memory_space<vmem>>) target_semaphore(%arg22 : memref<!tpu.dma_semaphore, #tpu.memory_space<semaphore_mem>>)
      } else {
      }
      %add3A_1357 = arith.constant 3 : i32
      %add3A_1358 = arith.addi %add3A_1212, %add3A_1357 : i32
      %mul3A_1359 = arith.constant 64 : i32
      %mul3A_1360 = arith.muli %add3A_1358, %mul3A_1359 : i32
      %add3A_1361 = arith.addi %mul3A_2, %mul3A_1360 : i32
      %dma_wait3A_1362 = tpu.memref_slice %arg3[%add3A_1361] : memref<320000xi32, #tpu.memory_space<hbm>> -> memref<64xi32, #tpu.memory_space<hbm>>
      %dma_wait3A_1363 = tpu.memref_slice %arg3[%add3A_1361] : memref<320000xi32, #tpu.memory_space<hbm>> -> memref<64xi32, #tpu.memory_space<hbm>>
      tpu.wait_dma2 semaphore(%arg21 : memref<!tpu.dma_semaphore, #tpu.memory_space<semaphore_mem>>) src(%dma_wait3A_1363 : memref<64xi32, #tpu.memory_space<hbm>>) dst(%arg13 : memref<64xi32, #tpu.memory_space<vmem>>)
      %dma_start3A_1364 = arith.constant 0 : i32
      %dma_start3A_1365 = arith.constant 0 : i32
      %dma_start3A_1366 = tpu.memref_slice %arg2[%dma_start3A_1364, %dma_start3A_1365] : memref<10000x128xf32, #tpu.memory_space<hbm>> -> memref<10000x128xf32, #tpu.memory_space<hbm>>
      tpu.enqueue_indirect_dma source(%dma_start3A_1366 : memref<10000x128xf32, #tpu.memory_space<hbm>>) target(%arg9 : memref<64x128xf32, #tpu.memory_space<vmem>>) offsets(%arg13 : memref<64xi32, #tpu.memory_space<vmem>>) semaphore(%arg25 : memref<!tpu.dma_semaphore, #tpu.memory_space<semaphore_mem>>)
      %mul3A_1367 = arith.constant 4 : i32
      %mul3A_1368 = arith.muli %scan3A_891, %mul3A_1367 : i32
      %add3A_1369 = arith.constant 3 : i32
      %add3A_1370 = arith.addi %mul3A_1368, %add3A_1369 : i32
      %mul3A_1371 = arith.constant 64 : i32
      %mul3A_1372 = arith.muli %add3A_1370, %mul3A_1371 : i32
      %add3A_1373 = arith.addi %mul3A_2, %mul3A_1372 : i32
      %add3A_1374 = arith.constant 64 : i32
      %add3A_1375 = arith.addi %add3A_1373, %add3A_1374 : i32
      %swap3A_1376 = arith.constant 0 : index
      %swap3A_1377 = tpu.vector_load %arg16[%swap3A_1376] {strides = array<i32>} : memref<64xi32, #tpu.memory_space<vmem>>, vector<16xi32>,
      tpu.vector_store %arg16[%swap3A_1376], %broadcast_in_dim3A_9 {strides = array<i32>} : memref<64xi32, #tpu.memory_space<vmem>>, vector<16xi32>,
      %swap3A_1378 = arith.constant 16 : index
      %swap3A_1379 = tpu.vector_load %arg16[%swap3A_1378] {strides = array<i32>} : memref<64xi32, #tpu.memory_space<vmem>>, vector<16xi32>,
      tpu.vector_store %arg16[%swap3A_1378], %broadcast_in_dim3A_9 {strides = array<i32>} : memref<64xi32, #tpu.memory_space<vmem>>, vector<16xi32>,
      %swap3A_1380 = arith.constant 32 : index
      %swap3A_1381 = tpu.vector_load %arg16[%swap3A_1380] {strides = array<i32>} : memref<64xi32, #tpu.memory_space<vmem>>, vector<16xi32>,
      tpu.vector_store %arg16[%swap3A_1380], %broadcast_in_dim3A_9 {strides = array<i32>} : memref<64xi32, #tpu.memory_space<vmem>>, vector<16xi32>,
      %swap3A_1382 = arith.constant 48 : index
      %swap3A_1383 = tpu.vector_load %arg16[%swap3A_1382] {strides = array<i32>} : memref<64xi32, #tpu.memory_space<vmem>>, vector<16xi32>,
      tpu.vector_store %arg16[%swap3A_1382], %broadcast_in_dim3A_9 {strides = array<i32>} : memref<64xi32, #tpu.memory_space<vmem>>, vector<16xi32>,
      %while3A_1384 = scf.while (%while3A_1525 = %while3A_1226) : (i32) -> i32 {
        %min3A_1526 = arith.constant 10000 : i32
        %min3A_1527 = arith.minsi %while3A_1525, %min3A_1526 : i32
        %add3A_1528 = vector.broadcast %min3A_1527 : i32 to vector<16xi32>
        %add3A_1529 = arith.addi %broadcast_in_dim3A_9, %add3A_1528 : vector<16xi32>
        %gather3A_1530 = tpu.vector_load_idx %arg7[%add3A_1529] : memref<10008xi32, #tpu.memory_space<vmem>>[vector<16xi32>], vector<16xi32>,
        %reduce_max3A_1531 = arith.constant true
        %reduce_max3A_1532 = vector.broadcast %reduce_max3A_1531 : i1 to vector<16xi1>
        %reduce_max3A_1533 = arith.constant -2147483648 : i32
        %reduce_max3A_1534 = vector.broadcast %reduce_max3A_1533 : i32 to vector<16xi32>
        %reduce_max3A_1535 = arith.xori %gather3A_1530, %reduce_max3A_1534 : vector<16xi32>
        %reduce_max3A_1536 = tpu.scan <max>, %reduce_max3A_1535 masked %reduce_max3A_1532 : vector<16xi32>, vector<16xi1> -> vector<16xi32>
        %reduce_max3A_1537 = arith.xori %reduce_max3A_1536, %reduce_max3A_1534 : vector<16xi32>
        %reduce_max3A_1538 = vector.extract %reduce_max3A_1537[15] : i32 from vector<16xi32>
        %le3A_1539 = arith.constant 10000 : i32
        %le3A_1540 = arith.cmpi sle, %while3A_1525, %le3A_1539 : i32
        %lt3A_1541 = arith.cmpi slt, %reduce_max3A_1538, %add3A_1375 : i32
        %and3A_1542 = arith.andi %le3A_1540, %lt3A_1541 : i1
        scf.condition(%and3A_1542) %while3A_1525 : i32
      } do {
      ^bb0(%while3A_1525: i32):
        %add3A_1526 = vector.broadcast %while3A_1525 : i32 to vector<16xi32>
        %add3A_1527 = arith.addi %add3A_1526, %iota3A : vector<16xi32>
        %min3A_1528 = arith.constant 10007 : i32
        %min3A_1529 = vector.broadcast %min3A_1528 : i32 to vector<16xi32>
        %min3A_1530 = arith.minsi %add3A_1527, %min3A_1529 : vector<16xi32>
        %gather3A_1531 = tpu.vector_load_idx %arg7[%min3A_1530] : memref<10008xi32, #tpu.memory_space<vmem>>[vector<16xi32>], vector<16xi32>,
        %add3A_1532 = arith.constant 1 : i32
        %add3A_1533 = vector.broadcast %add3A_1532 : i32 to vector<16xi32>
        %add3A_1534 = arith.addi %add3A_1527, %add3A_1533 : vector<16xi32>
        %min3A_1535 = arith.constant 10007 : i32
        %min3A_1536 = vector.broadcast %min3A_1535 : i32 to vector<16xi32>
        %min3A_1537 = arith.minsi %add3A_1534, %min3A_1536 : vector<16xi32>
        %gather3A_1538 = tpu.vector_load_idx %arg7[%min3A_1537] : memref<10008xi32, #tpu.memory_space<vmem>>[vector<16xi32>], vector<16xi32>,
        %le3A_1539 = arith.constant 10000 : i32
        %le3A_1540 = vector.broadcast %le3A_1539 : i32 to vector<16xi32>
        %le3A_1541 = arith.cmpi sle, %add3A_1527, %le3A_1540 : vector<16xi32>
        %lt3A_1542 = vector.broadcast %add3A_1375 : i32 to vector<16xi32>
        %lt3A_1543 = arith.cmpi slt, %gather3A_1531, %lt3A_1542 : vector<16xi32>
        %and3A_1544 = arith.andi %le3A_1541, %lt3A_1543 : vector<16xi1>
        %sub3A_1545 = vector.broadcast %add3A_1373 : i32 to vector<16xi32>
        %sub3A_1546 = arith.subi %gather3A_1531, %sub3A_1545 : vector<16xi32>
        %add3A_1547 = arith.constant 1 : i32
        %add3A_1548 = vector.broadcast %add3A_1547 : i32 to vector<16xi32>
        %add3A_1549 = arith.addi %add3A_1527, %add3A_1548 : vector<16xi32>
        %ne3A = arith.cmpi ne, %gather3A_1531, %gather3A_1538 : vector<16xi32>
        %and3A_1550 = arith.andi %and3A_1544, %ne3A : vector<16xi1>
        tpu.vector_store_idx %arg16[%sub3A_1546], %add3A_1549 masked %and3A_1550 : memref<64xi32, #tpu.memory_space<vmem>>[vector<16xi32>], vector<16xi32>, vector<16xi1>
        %all_reduce_population_count3A = tpu.all_reduce %and3A_1544 {dim = 0 : i64, kind = #tpu.reduction_kind<sum>} : vector<16xi1> -> vector<16xi32>
        %reduce_max3A_1551 = arith.constant true
        %reduce_max3A_1552 = vector.broadcast %reduce_max3A_1551 : i1 to vector<16xi1>
        %reduce_max3A_1553 = arith.constant -2147483648 : i32
        %reduce_max3A_1554 = vector.broadcast %reduce_max3A_1553 : i32 to vector<16xi32>
        %reduce_max3A_1555 = arith.xori %all_reduce_population_count3A, %reduce_max3A_1554 : vector<16xi32>
        %reduce_max3A_1556 = tpu.scan <max>, %reduce_max3A_1555 masked %reduce_max3A_1552 : vector<16xi32>, vector<16xi1> -> vector<16xi32>
        %reduce_max3A_1557 = arith.xori %reduce_max3A_1556, %reduce_max3A_1554 : vector<16xi32>
        %reduce_max3A_1558 = vector.extract %reduce_max3A_1557[15] : i32 from vector<16xi32>
        %add3A_1559 = arith.addi %while3A_1525, %reduce_max3A_1558 : i32
        scf.yield %add3A_1559 : i32
      }
      %get3A_1385 = arith.constant 0 : index
      %get3A_1386 = tpu.vector_load %arg16[%get3A_1385] {strides = array<i32>} : memref<64xi32, #tpu.memory_space<vmem>>, vector<16xi32>,
      %broadcast_in_dim3A_1387 = arith.constant true
      %broadcast_in_dim3A_1388 = vector.broadcast %broadcast_in_dim3A_1387 : i1 to vector<16xi1>
      %masked_cummax3A_1389 = arith.constant -2147483648 : i32
      %masked_cummax3A_1390 = vector.broadcast %masked_cummax3A_1389 : i32 to vector<16xi32>
      %masked_cummax3A_1391 = arith.xori %get3A_1386, %masked_cummax3A_1390 : vector<16xi32>
      %masked_cummax3A_1392 = tpu.scan <max>, %masked_cummax3A_1391 masked %broadcast_in_dim3A_1388 : vector<16xi32>, vector<16xi1> -> vector<16xi32>
      %masked_cummax3A_1393 = arith.xori %masked_cummax3A_1392, %masked_cummax3A_1390 : vector<16xi32>
      %get3A_1394 = arith.constant 16 : index
      %get3A_1395 = tpu.vector_load %arg16[%get3A_1394] {strides = array<i32>} : memref<64xi32, #tpu.memory_space<vmem>>, vector<16xi32>,
      %broadcast_in_dim3A_1396 = arith.constant true
      %broadcast_in_dim3A_1397 = vector.broadcast %broadcast_in_dim3A_1396 : i1 to vector<16xi1>
      %masked_cummax3A_1398 = arith.constant -2147483648 : i32
      %masked_cummax3A_1399 = vector.broadcast %masked_cummax3A_1398 : i32 to vector<16xi32>
      %masked_cummax3A_1400 = arith.xori %get3A_1395, %masked_cummax3A_1399 : vector<16xi32>
      %masked_cummax3A_1401 = tpu.scan <max>, %masked_cummax3A_1400 masked %broadcast_in_dim3A_1397 : vector<16xi32>, vector<16xi1> -> vector<16xi32>
      %masked_cummax3A_1402 = arith.xori %masked_cummax3A_1401, %masked_cummax3A_1399 : vector<16xi32>
      %get3A_1403 = arith.constant 32 : index
      %get3A_1404 = tpu.vector_load %arg16[%get3A_1403] {strides = array<i32>} : memref<64xi32, #tpu.memory_space<vmem>>, vector<16xi32>,
      %broadcast_in_dim3A_1405 = arith.constant true
      %broadcast_in_dim3A_1406 = vector.broadcast %broadcast_in_dim3A_1405 : i1 to vector<16xi1>
      %masked_cummax3A_1407 = arith.constant -2147483648 : i32
      %masked_cummax3A_1408 = vector.broadcast %masked_cummax3A_1407 : i32 to vector<16xi32>
      %masked_cummax3A_1409 = arith.xori %get3A_1404, %masked_cummax3A_1408 : vector<16xi32>
      %masked_cummax3A_1410 = tpu.scan <max>, %masked_cummax3A_1409 masked %broadcast_in_dim3A_1406 : vector<16xi32>, vector<16xi1> -> vector<16xi32>
      %masked_cummax3A_1411 = arith.xori %masked_cummax3A_1410, %masked_cummax3A_1408 : vector<16xi32>
      %get3A_1412 = arith.constant 48 : index
      %get3A_1413 = tpu.vector_load %arg16[%get3A_1412] {strides = array<i32>} : memref<64xi32, #tpu.memory_space<vmem>>, vector<16xi32>,
      %broadcast_in_dim3A_1414 = arith.constant true
      %broadcast_in_dim3A_1415 = vector.broadcast %broadcast_in_dim3A_1414 : i1 to vector<16xi1>
      %masked_cummax3A_1416 = arith.constant -2147483648 : i32
      %masked_cummax3A_1417 = vector.broadcast %masked_cummax3A_1416 : i32 to vector<16xi32>
      %masked_cummax3A_1418 = arith.xori %get3A_1413, %masked_cummax3A_1417 : vector<16xi32>
      %masked_cummax3A_1419 = tpu.scan <max>, %masked_cummax3A_1418 masked %broadcast_in_dim3A_1415 : vector<16xi32>, vector<16xi1> -> vector<16xi32>
      %masked_cummax3A_1420 = arith.xori %masked_cummax3A_1419, %masked_cummax3A_1417 : vector<16xi32>
      %max3A_1421 = vector.broadcast %while3A_1226 : i32 to vector<16xi32>
      %max3A_1422 = arith.maxsi %masked_cummax3A_1393, %max3A_1421 : vector<16xi32>
      %sub3A_1423 = arith.constant 1 : i32
      %sub3A_1424 = vector.broadcast %sub3A_1423 : i32 to vector<16xi32>
      %sub3A_1425 = arith.subi %max3A_1422, %sub3A_1424 : vector<16xi32>
      %jit3A_1426 = arith.constant 0 : i32
      %jit3A_1427 = arith.constant 9999 : i32
      %max3A_1428 = vector.broadcast %jit3A_1426 : i32 to vector<16xi32>
      %max3A_1429 = arith.maxsi %max3A_1428, %sub3A_1425 : vector<16xi32>
      %min3A_1430 = vector.broadcast %jit3A_1427 : i32 to vector<16xi32>
      %min3A_1431 = arith.minsi %min3A_1430, %max3A_1429 : vector<16xi32>
      %swap3A_1432 = arith.constant 0 : index
      %swap3A_1433 = tpu.vector_load %arg16[%swap3A_1432] {strides = array<i32>} : memref<64xi32, #tpu.memory_space<vmem>>, vector<16xi32>,
      tpu.vector_store %arg16[%swap3A_1432], %min3A_1431 {strides = array<i32>} : memref<64xi32, #tpu.memory_space<vmem>>, vector<16xi32>,
      %reduce_max3A_1434 = arith.constant true
      %reduce_max3A_1435 = vector.broadcast %reduce_max3A_1434 : i1 to vector<16xi1>
      %reduce_max3A_1436 = arith.constant -2147483648 : i32
      %reduce_max3A_1437 = vector.broadcast %reduce_max3A_1436 : i32 to vector<16xi32>
      %reduce_max3A_1438 = arith.xori %max3A_1422, %reduce_max3A_1437 : vector<16xi32>
      %reduce_max3A_1439 = tpu.scan <max>, %reduce_max3A_1438 masked %reduce_max3A_1435 : vector<16xi32>, vector<16xi1> -> vector<16xi32>
      %reduce_max3A_1440 = arith.xori %reduce_max3A_1439, %reduce_max3A_1437 : vector<16xi32>
      %reduce_max3A_1441 = vector.extract %reduce_max3A_1440[15] : i32 from vector<16xi32>
      %max3A_1442 = vector.broadcast %reduce_max3A_1441 : i32 to vector<16xi32>
      %max3A_1443 = arith.maxsi %masked_cummax3A_1402, %max3A_1442 : vector<16xi32>
      %sub3A_1444 = arith.constant 1 : i32
      %sub3A_1445 = vector.broadcast %sub3A_1444 : i32 to vector<16xi32>
      %sub3A_1446 = arith.subi %max3A_1443, %sub3A_1445 : vector<16xi32>
      %jit3A_1447 = arith.constant 0 : i32
      %jit3A_1448 = arith.constant 9999 : i32
      %max3A_1449 = vector.broadcast %jit3A_1447 : i32 to vector<16xi32>
      %max3A_1450 = arith.maxsi %max3A_1449, %sub3A_1446 : vector<16xi32>
      %min3A_1451 = vector.broadcast %jit3A_1448 : i32 to vector<16xi32>
      %min3A_1452 = arith.minsi %min3A_1451, %max3A_1450 : vector<16xi32>
      %swap3A_1453 = arith.constant 16 : index
      %swap3A_1454 = tpu.vector_load %arg16[%swap3A_1453] {strides = array<i32>} : memref<64xi32, #tpu.memory_space<vmem>>, vector<16xi32>,
      tpu.vector_store %arg16[%swap3A_1453], %min3A_1452 {strides = array<i32>} : memref<64xi32, #tpu.memory_space<vmem>>, vector<16xi32>,
      %reduce_max3A_1455 = arith.constant true
      %reduce_max3A_1456 = vector.broadcast %reduce_max3A_1455 : i1 to vector<16xi1>
      %reduce_max3A_1457 = arith.constant -2147483648 : i32
      %reduce_max3A_1458 = vector.broadcast %reduce_max3A_1457 : i32 to vector<16xi32>
      %reduce_max3A_1459 = arith.xori %max3A_1443, %reduce_max3A_1458 : vector<16xi32>
      %reduce_max3A_1460 = tpu.scan <max>, %reduce_max3A_1459 masked %reduce_max3A_1456 : vector<16xi32>, vector<16xi1> -> vector<16xi32>
      %reduce_max3A_1461 = arith.xori %reduce_max3A_1460, %reduce_max3A_1458 : vector<16xi32>
      %reduce_max3A_1462 = vector.extract %reduce_max3A_1461[15] : i32 from vector<16xi32>
      %max3A_1463 = vector.broadcast %reduce_max3A_1462 : i32 to vector<16xi32>
      %max3A_1464 = arith.maxsi %masked_cummax3A_1411, %max3A_1463 : vector<16xi32>
      %sub3A_1465 = arith.constant 1 : i32
      %sub3A_1466 = vector.broadcast %sub3A_1465 : i32 to vector<16xi32>
      %sub3A_1467 = arith.subi %max3A_1464, %sub3A_1466 : vector<16xi32>
      %jit3A_1468 = arith.constant 0 : i32
      %jit3A_1469 = arith.constant 9999 : i32
      %max3A_1470 = vector.broadcast %jit3A_1468 : i32 to vector<16xi32>
      %max3A_1471 = arith.maxsi %max3A_1470, %sub3A_1467 : vector<16xi32>
      %min3A_1472 = vector.broadcast %jit3A_1469 : i32 to vector<16xi32>
      %min3A_1473 = arith.minsi %min3A_1472, %max3A_1471 : vector<16xi32>
      %swap3A_1474 = arith.constant 32 : index
      %swap3A_1475 = tpu.vector_load %arg16[%swap3A_1474] {strides = array<i32>} : memref<64xi32, #tpu.memory_space<vmem>>, vector<16xi32>,
      tpu.vector_store %arg16[%swap3A_1474], %min3A_1473 {strides = array<i32>} : memref<64xi32, #tpu.memory_space<vmem>>, vector<16xi32>,
      %reduce_max3A_1476 = arith.constant true
      %reduce_max3A_1477 = vector.broadcast %reduce_max3A_1476 : i1 to vector<16xi1>
      %reduce_max3A_1478 = arith.constant -2147483648 : i32
      %reduce_max3A_1479 = vector.broadcast %reduce_max3A_1478 : i32 to vector<16xi32>
      %reduce_max3A_1480 = arith.xori %max3A_1464, %reduce_max3A_1479 : vector<16xi32>
      %reduce_max3A_1481 = tpu.scan <max>, %reduce_max3A_1480 masked %reduce_max3A_1477 : vector<16xi32>, vector<16xi1> -> vector<16xi32>
      %reduce_max3A_1482 = arith.xori %reduce_max3A_1481, %reduce_max3A_1479 : vector<16xi32>
      %reduce_max3A_1483 = vector.extract %reduce_max3A_1482[15] : i32 from vector<16xi32>
      %max3A_1484 = vector.broadcast %reduce_max3A_1483 : i32 to vector<16xi32>
      %max3A_1485 = arith.maxsi %masked_cummax3A_1420, %max3A_1484 : vector<16xi32>
      %sub3A_1486 = arith.constant 1 : i32
      %sub3A_1487 = vector.broadcast %sub3A_1486 : i32 to vector<16xi32>
      %sub3A_1488 = arith.subi %max3A_1485, %sub3A_1487 : vector<16xi32>
      %jit3A_1489 = arith.constant 0 : i32
      %jit3A_1490 = arith.constant 9999 : i32
      %max3A_1491 = vector.broadcast %jit3A_1489 : i32 to vector<16xi32>
      %max3A_1492 = arith.maxsi %max3A_1491, %sub3A_1488 : vector<16xi32>
      %min3A_1493 = vector.broadcast %jit3A_1490 : i32 to vector<16xi32>
      %min3A_1494 = arith.minsi %min3A_1493, %max3A_1492 : vector<16xi32>
      %swap3A_1495 = arith.constant 48 : index
      %swap3A_1496 = tpu.vector_load %arg16[%swap3A_1495] {strides = array<i32>} : memref<64xi32, #tpu.memory_space<vmem>>, vector<16xi32>,
      tpu.vector_store %arg16[%swap3A_1495], %min3A_1494 {strides = array<i32>} : memref<64xi32, #tpu.memory_space<vmem>>, vector<16xi32>,
      %reduce_max3A_1497 = arith.constant true
      %reduce_max3A_1498 = vector.broadcast %reduce_max3A_1497 : i1 to vector<16xi1>
      %reduce_max3A_1499 = arith.constant -2147483648 : i32
      %reduce_max3A_1500 = vector.broadcast %reduce_max3A_1499 : i32 to vector<16xi32>
      %reduce_max3A_1501 = arith.xori %max3A_1485, %reduce_max3A_1500 : vector<16xi32>
      %reduce_max3A_1502 = tpu.scan <max>, %reduce_max3A_1501 masked %reduce_max3A_1498 : vector<16xi32>, vector<16xi1> -> vector<16xi32>
      %reduce_max3A_1503 = arith.xori %reduce_max3A_1502, %reduce_max3A_1500 : vector<16xi32>
      %reduce_max3A_1504 = vector.extract %reduce_max3A_1503[15] : i32 from vector<16xi32>
      %dma_wait3A_1505 = arith.constant 0 : i32
      %dma_wait3A_1506 = arith.constant 0 : i32
      %dma_wait3A_1507 = tpu.memref_slice %arg2[%dma_wait3A_1505, %dma_wait3A_1506] : memref<10000x128xf32, #tpu.memory_space<hbm>> -> memref<10000x128xf32, #tpu.memory_space<hbm>>
      tpu.wait_indirect_dma semaphore(%arg27 : memref<!tpu.dma_semaphore, #tpu.memory_space<semaphore_mem>>) src(%dma_wait3A_1507 : memref<10000x128xf32, #tpu.memory_space<hbm>>) dst(%arg11 : memref<64x128xf32, #tpu.memory_space<vmem>>)
      "tpu.region"() ({
        %run_scoped3A = tpu.sem_alloc : memref<!tpu.dma_semaphore, #tpu.memory_space<semaphore_mem>>
        %dma_start3A_1525 = arith.constant 0 : i32
        %dma_start3A_1526 = arith.constant 0 : i32
        %dma_start3A_1527 = tpu.memref_slice %arg29[%dma_start3A_1525, %dma_start3A_1526] : memref<10000x128xf32, #tpu.memory_space<vmem_shared>> -> memref<10000x128xf32, #tpu.memory_space<vmem_shared>>
        tpu.enqueue_indirect_dma source(%arg11 : memref<64x128xf32, #tpu.memory_space<vmem>>) target(%dma_start3A_1527 : memref<10000x128xf32, #tpu.memory_space<vmem_shared>>) offsets(%arg16 : memref<64xi32, #tpu.memory_space<vmem>>) semaphore(%run_scoped3A : memref<!tpu.dma_semaphore, #tpu.memory_space<semaphore_mem>>) {add = true}
        %dma_wait3A_1528 = arith.constant 0 : i32
        %dma_wait3A_1529 = arith.constant 0 : i32
        %dma_wait3A_1530 = tpu.memref_slice %arg29[%dma_wait3A_1528, %dma_wait3A_1529] : memref<10000x128xf32, #tpu.memory_space<vmem_shared>> -> memref<10000x128xf32, #tpu.memory_space<vmem_shared>>
        tpu.wait_indirect_dma semaphore(%run_scoped3A : memref<!tpu.dma_semaphore, #tpu.memory_space<semaphore_mem>>) src(%arg11 : memref<64x128xf32, #tpu.memory_space<vmem>>) dst(%dma_wait3A_1530 : memref<10000x128xf32, #tpu.memory_space<vmem_shared>>)
        tpu.yield
      }) : () -> ()
      %add3A_1508 = arith.constant 4 : i32
      %add3A_1509 = arith.addi %add3A_1370, %add3A_1508 : i32
      %lt3A_1510 = arith.constant 156 : i32
      %lt3A_1511 = arith.cmpi slt, %add3A_1509, %lt3A_1510 : i32
      %convert_element_type3A_1512 = arith.extui %lt3A_1511 : i1 to i32
      %cond3A_1513 = arith.constant 0 : i32
      %cond3A_1514 = arith.cmpi ne, %convert_element_type3A_1512, %cond3A_1513 : i32
      scf.if %cond3A_1514 {
        %add3A_1525 = arith.constant 4 : i32
        %add3A_1526 = arith.addi %add3A_1370, %add3A_1525 : i32
        %mul3A_1527 = arith.constant 64 : i32
        %mul3A_1528 = arith.muli %add3A_1526, %mul3A_1527 : i32
        %add3A_1529 = arith.addi %mul3A_2, %mul3A_1528 : i32
        %dma_start3A_1530 = tpu.memref_slice %arg3[%add3A_1529] : memref<320000xi32, #tpu.memory_space<hbm>> -> memref<64xi32, #tpu.memory_space<hbm>>
        %dma_start3A_1531 = tpu.memref_slice %arg3[%add3A_1529] : memref<320000xi32, #tpu.memory_space<hbm>> -> memref<64xi32, #tpu.memory_space<hbm>>
        tpu.enqueue_dma source(%dma_start3A_1531 : memref<64xi32, #tpu.memory_space<hbm>>) target(%arg15 : memref<64xi32, #tpu.memory_space<vmem>>) target_semaphore(%arg23 : memref<!tpu.dma_semaphore, #tpu.memory_space<semaphore_mem>>)
      } else {
      }
      %add3A_1515 = arith.constant 3 : i32
      %add3A_1516 = arith.addi %add3A_1370, %add3A_1515 : i32
      %mul3A_1517 = arith.constant 64 : i32
      %mul3A_1518 = arith.muli %add3A_1516, %mul3A_1517 : i32
      %add3A_1519 = arith.addi %mul3A_2, %mul3A_1518 : i32
      %dma_wait3A_1520 = tpu.memref_slice %arg3[%add3A_1519] : memref<320000xi32, #tpu.memory_space<hbm>> -> memref<64xi32, #tpu.memory_space<hbm>>
      %dma_wait3A_1521 = tpu.memref_slice %arg3[%add3A_1519] : memref<320000xi32, #tpu.memory_space<hbm>> -> memref<64xi32, #tpu.memory_space<hbm>>
      tpu.wait_dma2 semaphore(%arg22 : memref<!tpu.dma_semaphore, #tpu.memory_space<semaphore_mem>>) src(%dma_wait3A_1521 : memref<64xi32, #tpu.memory_space<hbm>>) dst(%arg14 : memref<64xi32, #tpu.memory_space<vmem>>)
      %dma_start3A_1522 = arith.constant 0 : i32
      %dma_start3A_1523 = arith.constant 0 : i32
      %dma_start3A_1524 = tpu.memref_slice %arg2[%dma_start3A_1522, %dma_start3A_1523] : memref<10000x128xf32, #tpu.memory_space<hbm>> -> memref<10000x128xf32, #tpu.memory_space<hbm>>
      tpu.enqueue_indirect_dma source(%dma_start3A_1524 : memref<10000x128xf32, #tpu.memory_space<hbm>>) target(%arg10 : memref<64x128xf32, #tpu.memory_space<vmem>>) offsets(%arg14 : memref<64xi32, #tpu.memory_space<vmem>>) semaphore(%arg26 : memref<!tpu.dma_semaphore, #tpu.memory_space<semaphore_mem>>)
      scf.yield %while3A_1384 : i32
    }
    %scan3A_287 = arith.constant 38 : i32
    %add3A_288 = arith.constant 9728 : i32
    %add3A_289 = arith.addi %mul3A_2, %add3A_288 : i32
    %add3A_290 = arith.constant 64 : i32
    %add3A_291 = arith.addi %add3A_289, %add3A_290 : i32
    %swap3A = arith.constant 0 : index
    %swap3A_292 = tpu.vector_load %arg16[%swap3A] {strides = array<i32>} : memref<64xi32, #tpu.memory_space<vmem>>, vector<16xi32>,
    tpu.vector_store %arg16[%swap3A], %broadcast_in_dim3A_9 {strides = array<i32>} : memref<64xi32, #tpu.memory_space<vmem>>, vector<16xi32>,
    %swap3A_293 = arith.constant 16 : index
    %swap3A_294 = tpu.vector_load %arg16[%swap3A_293] {strides = array<i32>} : memref<64xi32, #tpu.memory_space<vmem>>, vector<16xi32>,
    tpu.vector_store %arg16[%swap3A_293], %broadcast_in_dim3A_9 {strides = array<i32>} : memref<64xi32, #tpu.memory_space<vmem>>, vector<16xi32>,
    %swap3A_295 = arith.constant 32 : index
    %swap3A_296 = tpu.vector_load %arg16[%swap3A_295] {strides = array<i32>} : memref<64xi32, #tpu.memory_space<vmem>>, vector<16xi32>,
    tpu.vector_store %arg16[%swap3A_295], %broadcast_in_dim3A_9 {strides = array<i32>} : memref<64xi32, #tpu.memory_space<vmem>>, vector<16xi32>,
    %swap3A_297 = arith.constant 48 : index
    %swap3A_298 = tpu.vector_load %arg16[%swap3A_297] {strides = array<i32>} : memref<64xi32, #tpu.memory_space<vmem>>, vector<16xi32>,
    tpu.vector_store %arg16[%swap3A_297], %broadcast_in_dim3A_9 {strides = array<i32>} : memref<64xi32, #tpu.memory_space<vmem>>, vector<16xi32>,
    %while3A = scf.while (%while3A_891 = %scan3A_286) : (i32) -> i32 {
      %min3A_892 = arith.constant 10000 : i32
      %min3A_893 = arith.minsi %while3A_891, %min3A_892 : i32
      %add3A_894 = vector.broadcast %min3A_893 : i32 to vector<16xi32>
      %add3A_895 = arith.addi %broadcast_in_dim3A_9, %add3A_894 : vector<16xi32>
      %gather3A_896 = tpu.vector_load_idx %arg7[%add3A_895] : memref<10008xi32, #tpu.memory_space<vmem>>[vector<16xi32>], vector<16xi32>,
      %reduce_max3A_897 = arith.constant true
      %reduce_max3A_898 = vector.broadcast %reduce_max3A_897 : i1 to vector<16xi1>
      %reduce_max3A_899 = arith.constant -2147483648 : i32
      %reduce_max3A_900 = vector.broadcast %reduce_max3A_899 : i32 to vector<16xi32>
      %reduce_max3A_901 = arith.xori %gather3A_896, %reduce_max3A_900 : vector<16xi32>
      %reduce_max3A_902 = tpu.scan <max>, %reduce_max3A_901 masked %reduce_max3A_898 : vector<16xi32>, vector<16xi1> -> vector<16xi32>
      %reduce_max3A_903 = arith.xori %reduce_max3A_902, %reduce_max3A_900 : vector<16xi32>
      %reduce_max3A_904 = vector.extract %reduce_max3A_903[15] : i32 from vector<16xi32>
      %le3A_905 = arith.constant 10000 : i32
      %le3A_906 = arith.cmpi sle, %while3A_891, %le3A_905 : i32
      %lt3A_907 = arith.cmpi slt, %reduce_max3A_904, %add3A_291 : i32
      %and3A_908 = arith.andi %le3A_906, %lt3A_907 : i1
      scf.condition(%and3A_908) %while3A_891 : i32
    } do {
    ^bb0(%while3A_891: i32):
      %add3A_892 = vector.broadcast %while3A_891 : i32 to vector<16xi32>
      %add3A_893 = arith.addi %add3A_892, %iota3A : vector<16xi32>
      %min3A_894 = arith.constant 10007 : i32
      %min3A_895 = vector.broadcast %min3A_894 : i32 to vector<16xi32>
      %min3A_896 = arith.minsi %add3A_893, %min3A_895 : vector<16xi32>
      %gather3A_897 = tpu.vector_load_idx %arg7[%min3A_896] : memref<10008xi32, #tpu.memory_space<vmem>>[vector<16xi32>], vector<16xi32>,
      %add3A_898 = arith.constant 1 : i32
      %add3A_899 = vector.broadcast %add3A_898 : i32 to vector<16xi32>
      %add3A_900 = arith.addi %add3A_893, %add3A_899 : vector<16xi32>
      %min3A_901 = arith.constant 10007 : i32
      %min3A_902 = vector.broadcast %min3A_901 : i32 to vector<16xi32>
      %min3A_903 = arith.minsi %add3A_900, %min3A_902 : vector<16xi32>
      %gather3A_904 = tpu.vector_load_idx %arg7[%min3A_903] : memref<10008xi32, #tpu.memory_space<vmem>>[vector<16xi32>], vector<16xi32>,
      %le3A_905 = arith.constant 10000 : i32
      %le3A_906 = vector.broadcast %le3A_905 : i32 to vector<16xi32>
      %le3A_907 = arith.cmpi sle, %add3A_893, %le3A_906 : vector<16xi32>
      %lt3A_908 = vector.broadcast %add3A_291 : i32 to vector<16xi32>
      %lt3A_909 = arith.cmpi slt, %gather3A_897, %lt3A_908 : vector<16xi32>
      %and3A_910 = arith.andi %le3A_907, %lt3A_909 : vector<16xi1>
      %sub3A_911 = vector.broadcast %add3A_289 : i32 to vector<16xi32>
      %sub3A_912 = arith.subi %gather3A_897, %sub3A_911 : vector<16xi32>
      %add3A_913 = arith.constant 1 : i32
      %add3A_914 = vector.broadcast %add3A_913 : i32 to vector<16xi32>
      %add3A_915 = arith.addi %add3A_893, %add3A_914 : vector<16xi32>
      %ne3A = arith.cmpi ne, %gather3A_897, %gather3A_904 : vector<16xi32>
      %and3A_916 = arith.andi %and3A_910, %ne3A : vector<16xi1>
      tpu.vector_store_idx %arg16[%sub3A_912], %add3A_915 masked %and3A_916 : memref<64xi32, #tpu.memory_space<vmem>>[vector<16xi32>], vector<16xi32>, vector<16xi1>
      %all_reduce_population_count3A = tpu.all_reduce %and3A_910 {dim = 0 : i64, kind = #tpu.reduction_kind<sum>} : vector<16xi1> -> vector<16xi32>
      %reduce_max3A_917 = arith.constant true
      %reduce_max3A_918 = vector.broadcast %reduce_max3A_917 : i1 to vector<16xi1>
      %reduce_max3A_919 = arith.constant -2147483648 : i32
      %reduce_max3A_920 = vector.broadcast %reduce_max3A_919 : i32 to vector<16xi32>
      %reduce_max3A_921 = arith.xori %all_reduce_population_count3A, %reduce_max3A_920 : vector<16xi32>
      %reduce_max3A_922 = tpu.scan <max>, %reduce_max3A_921 masked %reduce_max3A_918 : vector<16xi32>, vector<16xi1> -> vector<16xi32>
      %reduce_max3A_923 = arith.xori %reduce_max3A_922, %reduce_max3A_920 : vector<16xi32>
      %reduce_max3A_924 = vector.extract %reduce_max3A_923[15] : i32 from vector<16xi32>
      %add3A_925 = arith.addi %while3A_891, %reduce_max3A_924 : i32
      scf.yield %add3A_925 : i32
    }
    %get3A = arith.constant 0 : index
    %get3A_299 = tpu.vector_load %arg16[%get3A] {strides = array<i32>} : memref<64xi32, #tpu.memory_space<vmem>>, vector<16xi32>,
    %broadcast_in_dim3A_300 = arith.constant true
    %broadcast_in_dim3A_301 = vector.broadcast %broadcast_in_dim3A_300 : i1 to vector<16xi1>
    %masked_cummax3A = arith.constant -2147483648 : i32
    %masked_cummax3A_302 = vector.broadcast %masked_cummax3A : i32 to vector<16xi32>
    %masked_cummax3A_303 = arith.xori %get3A_299, %masked_cummax3A_302 : vector<16xi32>
    %masked_cummax3A_304 = tpu.scan <max>, %masked_cummax3A_303 masked %broadcast_in_dim3A_301 : vector<16xi32>, vector<16xi1> -> vector<16xi32>
    %masked_cummax3A_305 = arith.xori %masked_cummax3A_304, %masked_cummax3A_302 : vector<16xi32>
    %get3A_306 = arith.constant 16 : index
    %get3A_307 = tpu.vector_load %arg16[%get3A_306] {strides = array<i32>} : memref<64xi32, #tpu.memory_space<vmem>>, vector<16xi32>,
    %broadcast_in_dim3A_308 = arith.constant true
    %broadcast_in_dim3A_309 = vector.broadcast %broadcast_in_dim3A_308 : i1 to vector<16xi1>
    %masked_cummax3A_310 = arith.constant -2147483648 : i32
    %masked_cummax3A_311 = vector.broadcast %masked_cummax3A_310 : i32 to vector<16xi32>
    %masked_cummax3A_312 = arith.xori %get3A_307, %masked_cummax3A_311 : vector<16xi32>
    %masked_cummax3A_313 = tpu.scan <max>, %masked_cummax3A_312 masked %broadcast_in_dim3A_309 : vector<16xi32>, vector<16xi1> -> vector<16xi32>
    %masked_cummax3A_314 = arith.xori %masked_cummax3A_313, %masked_cummax3A_311 : vector<16xi32>
    %get3A_315 = arith.constant 32 : index
    %get3A_316 = tpu.vector_load %arg16[%get3A_315] {strides = array<i32>} : memref<64xi32, #tpu.memory_space<vmem>>, vector<16xi32>,
    %broadcast_in_dim3A_317 = arith.constant true
    %broadcast_in_dim3A_318 = vector.broadcast %broadcast_in_dim3A_317 : i1 to vector<16xi1>
    %masked_cummax3A_319 = arith.constant -2147483648 : i32
    %masked_cummax3A_320 = vector.broadcast %masked_cummax3A_319 : i32 to vector<16xi32>
    %masked_cummax3A_321 = arith.xori %get3A_316, %masked_cummax3A_320 : vector<16xi32>
    %masked_cummax3A_322 = tpu.scan <max>, %masked_cummax3A_321 masked %broadcast_in_dim3A_318 : vector<16xi32>, vector<16xi1> -> vector<16xi32>
    %masked_cummax3A_323 = arith.xori %masked_cummax3A_322, %masked_cummax3A_320 : vector<16xi32>
    %get3A_324 = arith.constant 48 : index
    %get3A_325 = tpu.vector_load %arg16[%get3A_324] {strides = array<i32>} : memref<64xi32, #tpu.memory_space<vmem>>, vector<16xi32>,
    %broadcast_in_dim3A_326 = arith.constant true
    %broadcast_in_dim3A_327 = vector.broadcast %broadcast_in_dim3A_326 : i1 to vector<16xi1>
    %masked_cummax3A_328 = arith.constant -2147483648 : i32
    %masked_cummax3A_329 = vector.broadcast %masked_cummax3A_328 : i32 to vector<16xi32>
    %masked_cummax3A_330 = arith.xori %get3A_325, %masked_cummax3A_329 : vector<16xi32>
    %masked_cummax3A_331 = tpu.scan <max>, %masked_cummax3A_330 masked %broadcast_in_dim3A_327 : vector<16xi32>, vector<16xi1> -> vector<16xi32>
    %masked_cummax3A_332 = arith.xori %masked_cummax3A_331, %masked_cummax3A_329 : vector<16xi32>
    %max3A = vector.broadcast %scan3A_286 : i32 to vector<16xi32>
    %max3A_333 = arith.maxsi %masked_cummax3A_305, %max3A : vector<16xi32>
    %sub3A_334 = arith.constant 1 : i32
    %sub3A_335 = vector.broadcast %sub3A_334 : i32 to vector<16xi32>
    %sub3A_336 = arith.subi %max3A_333, %sub3A_335 : vector<16xi32>
    %jit3A = arith.constant 0 : i32
    %jit3A_337 = arith.constant 9999 : i32
    %max3A_338 = vector.broadcast %jit3A : i32 to vector<16xi32>
    %max3A_339 = arith.maxsi %max3A_338, %sub3A_336 : vector<16xi32>
    %min3A_340 = vector.broadcast %jit3A_337 : i32 to vector<16xi32>
    %min3A_341 = arith.minsi %min3A_340, %max3A_339 : vector<16xi32>
    %swap3A_342 = arith.constant 0 : index
    %swap3A_343 = tpu.vector_load %arg16[%swap3A_342] {strides = array<i32>} : memref<64xi32, #tpu.memory_space<vmem>>, vector<16xi32>,
    tpu.vector_store %arg16[%swap3A_342], %min3A_341 {strides = array<i32>} : memref<64xi32, #tpu.memory_space<vmem>>, vector<16xi32>,
    %reduce_max3A_344 = arith.constant true
    %reduce_max3A_345 = vector.broadcast %reduce_max3A_344 : i1 to vector<16xi1>
    %reduce_max3A_346 = arith.constant -2147483648 : i32
    %reduce_max3A_347 = vector.broadcast %reduce_max3A_346 : i32 to vector<16xi32>
    %reduce_max3A_348 = arith.xori %max3A_333, %reduce_max3A_347 : vector<16xi32>
    %reduce_max3A_349 = tpu.scan <max>, %reduce_max3A_348 masked %reduce_max3A_345 : vector<16xi32>, vector<16xi1> -> vector<16xi32>
    %reduce_max3A_350 = arith.xori %reduce_max3A_349, %reduce_max3A_347 : vector<16xi32>
    %reduce_max3A_351 = vector.extract %reduce_max3A_350[15] : i32 from vector<16xi32>
    %max3A_352 = vector.broadcast %reduce_max3A_351 : i32 to vector<16xi32>
    %max3A_353 = arith.maxsi %masked_cummax3A_314, %max3A_352 : vector<16xi32>
    %sub3A_354 = arith.constant 1 : i32
    %sub3A_355 = vector.broadcast %sub3A_354 : i32 to vector<16xi32>
    %sub3A_356 = arith.subi %max3A_353, %sub3A_355 : vector<16xi32>
    %jit3A_357 = arith.constant 0 : i32
    %jit3A_358 = arith.constant 9999 : i32
    %max3A_359 = vector.broadcast %jit3A_357 : i32 to vector<16xi32>
    %max3A_360 = arith.maxsi %max3A_359, %sub3A_356 : vector<16xi32>
    %min3A_361 = vector.broadcast %jit3A_358 : i32 to vector<16xi32>
    %min3A_362 = arith.minsi %min3A_361, %max3A_360 : vector<16xi32>
    %swap3A_363 = arith.constant 16 : index
    %swap3A_364 = tpu.vector_load %arg16[%swap3A_363] {strides = array<i32>} : memref<64xi32, #tpu.memory_space<vmem>>, vector<16xi32>,
    tpu.vector_store %arg16[%swap3A_363], %min3A_362 {strides = array<i32>} : memref<64xi32, #tpu.memory_space<vmem>>, vector<16xi32>,
    %reduce_max3A_365 = arith.constant true
    %reduce_max3A_366 = vector.broadcast %reduce_max3A_365 : i1 to vector<16xi1>
    %reduce_max3A_367 = arith.constant -2147483648 : i32
    %reduce_max3A_368 = vector.broadcast %reduce_max3A_367 : i32 to vector<16xi32>
    %reduce_max3A_369 = arith.xori %max3A_353, %reduce_max3A_368 : vector<16xi32>
    %reduce_max3A_370 = tpu.scan <max>, %reduce_max3A_369 masked %reduce_max3A_366 : vector<16xi32>, vector<16xi1> -> vector<16xi32>
    %reduce_max3A_371 = arith.xori %reduce_max3A_370, %reduce_max3A_368 : vector<16xi32>
    %reduce_max3A_372 = vector.extract %reduce_max3A_371[15] : i32 from vector<16xi32>
    %max3A_373 = vector.broadcast %reduce_max3A_372 : i32 to vector<16xi32>
    %max3A_374 = arith.maxsi %masked_cummax3A_323, %max3A_373 : vector<16xi32>
    %sub3A_375 = arith.constant 1 : i32
    %sub3A_376 = vector.broadcast %sub3A_375 : i32 to vector<16xi32>
    %sub3A_377 = arith.subi %max3A_374, %sub3A_376 : vector<16xi32>
    %jit3A_378 = arith.constant 0 : i32
    %jit3A_379 = arith.constant 9999 : i32
    %max3A_380 = vector.broadcast %jit3A_378 : i32 to vector<16xi32>
    %max3A_381 = arith.maxsi %max3A_380, %sub3A_377 : vector<16xi32>
    %min3A_382 = vector.broadcast %jit3A_379 : i32 to vector<16xi32>
    %min3A_383 = arith.minsi %min3A_382, %max3A_381 : vector<16xi32>
    %swap3A_384 = arith.constant 32 : index
    %swap3A_385 = tpu.vector_load %arg16[%swap3A_384] {strides = array<i32>} : memref<64xi32, #tpu.memory_space<vmem>>, vector<16xi32>,
    tpu.vector_store %arg16[%swap3A_384], %min3A_383 {strides = array<i32>} : memref<64xi32, #tpu.memory_space<vmem>>, vector<16xi32>,
    %reduce_max3A_386 = arith.constant true
    %reduce_max3A_387 = vector.broadcast %reduce_max3A_386 : i1 to vector<16xi1>
    %reduce_max3A_388 = arith.constant -2147483648 : i32
    %reduce_max3A_389 = vector.broadcast %reduce_max3A_388 : i32 to vector<16xi32>
    %reduce_max3A_390 = arith.xori %max3A_374, %reduce_max3A_389 : vector<16xi32>
    %reduce_max3A_391 = tpu.scan <max>, %reduce_max3A_390 masked %reduce_max3A_387 : vector<16xi32>, vector<16xi1> -> vector<16xi32>
    %reduce_max3A_392 = arith.xori %reduce_max3A_391, %reduce_max3A_389 : vector<16xi32>
    %reduce_max3A_393 = vector.extract %reduce_max3A_392[15] : i32 from vector<16xi32>
    %max3A_394 = vector.broadcast %reduce_max3A_393 : i32 to vector<16xi32>
    %max3A_395 = arith.maxsi %masked_cummax3A_332, %max3A_394 : vector<16xi32>
    %sub3A_396 = arith.constant 1 : i32
    %sub3A_397 = vector.broadcast %sub3A_396 : i32 to vector<16xi32>
    %sub3A_398 = arith.subi %max3A_395, %sub3A_397 : vector<16xi32>
    %jit3A_399 = arith.constant 0 : i32
    %jit3A_400 = arith.constant 9999 : i32
    %max3A_401 = vector.broadcast %jit3A_399 : i32 to vector<16xi32>
    %max3A_402 = arith.maxsi %max3A_401, %sub3A_398 : vector<16xi32>
    %min3A_403 = vector.broadcast %jit3A_400 : i32 to vector<16xi32>
    %min3A_404 = arith.minsi %min3A_403, %max3A_402 : vector<16xi32>
    %swap3A_405 = arith.constant 48 : index
    %swap3A_406 = tpu.vector_load %arg16[%swap3A_405] {strides = array<i32>} : memref<64xi32, #tpu.memory_space<vmem>>, vector<16xi32>,
    tpu.vector_store %arg16[%swap3A_405], %min3A_404 {strides = array<i32>} : memref<64xi32, #tpu.memory_space<vmem>>, vector<16xi32>,
    %reduce_max3A_407 = arith.constant true
    %reduce_max3A_408 = vector.broadcast %reduce_max3A_407 : i1 to vector<16xi1>
    %reduce_max3A_409 = arith.constant -2147483648 : i32
    %reduce_max3A_410 = vector.broadcast %reduce_max3A_409 : i32 to vector<16xi32>
    %reduce_max3A_411 = arith.xori %max3A_395, %reduce_max3A_410 : vector<16xi32>
    %reduce_max3A_412 = tpu.scan <max>, %reduce_max3A_411 masked %reduce_max3A_408 : vector<16xi32>, vector<16xi1> -> vector<16xi32>
    %reduce_max3A_413 = arith.xori %reduce_max3A_412, %reduce_max3A_410 : vector<16xi32>
    %reduce_max3A_414 = vector.extract %reduce_max3A_413[15] : i32 from vector<16xi32>
    %dma_wait3A_415 = arith.constant 0 : i32
    %dma_wait3A_416 = arith.constant 0 : i32
    %dma_wait3A_417 = tpu.memref_slice %arg2[%dma_wait3A_415, %dma_wait3A_416] : memref<10000x128xf32, #tpu.memory_space<hbm>> -> memref<10000x128xf32, #tpu.memory_space<hbm>>
    tpu.wait_indirect_dma semaphore(%arg24 : memref<!tpu.dma_semaphore, #tpu.memory_space<semaphore_mem>>) src(%dma_wait3A_417 : memref<10000x128xf32, #tpu.memory_space<hbm>>) dst(%arg8 : memref<64x128xf32, #tpu.memory_space<vmem>>)
    "tpu.region"() ({
      %run_scoped3A = tpu.sem_alloc : memref<!tpu.dma_semaphore, #tpu.memory_space<semaphore_mem>>
      %dma_start3A_891 = arith.constant 0 : i32
      %dma_start3A_892 = arith.constant 0 : i32
      %dma_start3A_893 = tpu.memref_slice %arg29[%dma_start3A_891, %dma_start3A_892] : memref<10000x128xf32, #tpu.memory_space<vmem_shared>> -> memref<10000x128xf32, #tpu.memory_space<vmem_shared>>
      tpu.enqueue_indirect_dma source(%arg8 : memref<64x128xf32, #tpu.memory_space<vmem>>) target(%dma_start3A_893 : memref<10000x128xf32, #tpu.memory_space<vmem_shared>>) offsets(%arg16 : memref<64xi32, #tpu.memory_space<vmem>>) semaphore(%run_scoped3A : memref<!tpu.dma_semaphore, #tpu.memory_space<semaphore_mem>>) {add = true}
      %dma_wait3A_894 = arith.constant 0 : i32
      %dma_wait3A_895 = arith.constant 0 : i32
      %dma_wait3A_896 = tpu.memref_slice %arg29[%dma_wait3A_894, %dma_wait3A_895] : memref<10000x128xf32, #tpu.memory_space<vmem_shared>> -> memref<10000x128xf32, #tpu.memory_space<vmem_shared>>
      tpu.wait_indirect_dma semaphore(%run_scoped3A : memref<!tpu.dma_semaphore, #tpu.memory_space<semaphore_mem>>) src(%arg8 : memref<64x128xf32, #tpu.memory_space<vmem>>) dst(%dma_wait3A_896 : memref<10000x128xf32, #tpu.memory_space<vmem_shared>>)
      tpu.yield
    }) : () -> ()
    %add3A_418 = arith.constant 9920 : i32
    %add3A_419 = arith.addi %mul3A_2, %add3A_418 : i32
    %dma_wait3A_420 = tpu.memref_slice %arg3[%add3A_419] : memref<320000xi32, #tpu.memory_space<hbm>> -> memref<64xi32, #tpu.memory_space<hbm>>
    %dma_wait3A_421 = tpu.memref_slice %arg3[%add3A_419] : memref<320000xi32, #tpu.memory_space<hbm>> -> memref<64xi32, #tpu.memory_space<hbm>>
    tpu.wait_dma2 semaphore(%arg23 : memref<!tpu.dma_semaphore, #tpu.memory_space<semaphore_mem>>) src(%dma_wait3A_421 : memref<64xi32, #tpu.memory_space<hbm>>) dst(%arg15 : memref<64xi32, #tpu.memory_space<vmem>>)
    %dma_start3A_422 = arith.constant 0 : i32
    %dma_start3A_423 = arith.constant 0 : i32
    %dma_start3A_424 = tpu.memref_slice %arg2[%dma_start3A_422, %dma_start3A_423] : memref<10000x128xf32, #tpu.memory_space<hbm>> -> memref<10000x128xf32, #tpu.memory_space<hbm>>
    tpu.enqueue_indirect_dma source(%dma_start3A_424 : memref<10000x128xf32, #tpu.memory_space<hbm>>) target(%arg11 : memref<64x128xf32, #tpu.memory_space<vmem>>) offsets(%arg15 : memref<64xi32, #tpu.memory_space<vmem>>) semaphore(%arg27 : memref<!tpu.dma_semaphore, #tpu.memory_space<semaphore_mem>>)
    %add3A_425 = arith.constant 9792 : i32
    %add3A_426 = arith.addi %mul3A_2, %add3A_425 : i32
    %add3A_427 = arith.constant 64 : i32
    %add3A_428 = arith.addi %add3A_426, %add3A_427 : i32
    %swap3A_429 = arith.constant 0 : index
    %swap3A_430 = tpu.vector_load %arg16[%swap3A_429] {strides = array<i32>} : memref<64xi32, #tpu.memory_space<vmem>>, vector<16xi32>,
    tpu.vector_store %arg16[%swap3A_429], %broadcast_in_dim3A_9 {strides = array<i32>} : memref<64xi32, #tpu.memory_space<vmem>>, vector<16xi32>,
    %swap3A_431 = arith.constant 16 : index
    %swap3A_432 = tpu.vector_load %arg16[%swap3A_431] {strides = array<i32>} : memref<64xi32, #tpu.memory_space<vmem>>, vector<16xi32>,
    tpu.vector_store %arg16[%swap3A_431], %broadcast_in_dim3A_9 {strides = array<i32>} : memref<64xi32, #tpu.memory_space<vmem>>, vector<16xi32>,
    %swap3A_433 = arith.constant 32 : index
    %swap3A_434 = tpu.vector_load %arg16[%swap3A_433] {strides = array<i32>} : memref<64xi32, #tpu.memory_space<vmem>>, vector<16xi32>,
    tpu.vector_store %arg16[%swap3A_433], %broadcast_in_dim3A_9 {strides = array<i32>} : memref<64xi32, #tpu.memory_space<vmem>>, vector<16xi32>,
    %swap3A_435 = arith.constant 48 : index
    %swap3A_436 = tpu.vector_load %arg16[%swap3A_435] {strides = array<i32>} : memref<64xi32, #tpu.memory_space<vmem>>, vector<16xi32>,
    tpu.vector_store %arg16[%swap3A_435], %broadcast_in_dim3A_9 {strides = array<i32>} : memref<64xi32, #tpu.memory_space<vmem>>, vector<16xi32>,
    %while3A_437 = scf.while (%while3A_891 = %while3A) : (i32) -> i32 {
      %min3A_892 = arith.constant 10000 : i32
      %min3A_893 = arith.minsi %while3A_891, %min3A_892 : i32
      %add3A_894 = vector.broadcast %min3A_893 : i32 to vector<16xi32>
      %add3A_895 = arith.addi %broadcast_in_dim3A_9, %add3A_894 : vector<16xi32>
      %gather3A_896 = tpu.vector_load_idx %arg7[%add3A_895] : memref<10008xi32, #tpu.memory_space<vmem>>[vector<16xi32>], vector<16xi32>,
      %reduce_max3A_897 = arith.constant true
      %reduce_max3A_898 = vector.broadcast %reduce_max3A_897 : i1 to vector<16xi1>
      %reduce_max3A_899 = arith.constant -2147483648 : i32
      %reduce_max3A_900 = vector.broadcast %reduce_max3A_899 : i32 to vector<16xi32>
      %reduce_max3A_901 = arith.xori %gather3A_896, %reduce_max3A_900 : vector<16xi32>
      %reduce_max3A_902 = tpu.scan <max>, %reduce_max3A_901 masked %reduce_max3A_898 : vector<16xi32>, vector<16xi1> -> vector<16xi32>
      %reduce_max3A_903 = arith.xori %reduce_max3A_902, %reduce_max3A_900 : vector<16xi32>
      %reduce_max3A_904 = vector.extract %reduce_max3A_903[15] : i32 from vector<16xi32>
      %le3A_905 = arith.constant 10000 : i32
      %le3A_906 = arith.cmpi sle, %while3A_891, %le3A_905 : i32
      %lt3A_907 = arith.cmpi slt, %reduce_max3A_904, %add3A_428 : i32
      %and3A_908 = arith.andi %le3A_906, %lt3A_907 : i1
      scf.condition(%and3A_908) %while3A_891 : i32
    } do {
    ^bb0(%while3A_891: i32):
      %add3A_892 = vector.broadcast %while3A_891 : i32 to vector<16xi32>
      %add3A_893 = arith.addi %add3A_892, %iota3A : vector<16xi32>
      %min3A_894 = arith.constant 10007 : i32
      %min3A_895 = vector.broadcast %min3A_894 : i32 to vector<16xi32>
      %min3A_896 = arith.minsi %add3A_893, %min3A_895 : vector<16xi32>
      %gather3A_897 = tpu.vector_load_idx %arg7[%min3A_896] : memref<10008xi32, #tpu.memory_space<vmem>>[vector<16xi32>], vector<16xi32>,
      %add3A_898 = arith.constant 1 : i32
      %add3A_899 = vector.broadcast %add3A_898 : i32 to vector<16xi32>
      %add3A_900 = arith.addi %add3A_893, %add3A_899 : vector<16xi32>
      %min3A_901 = arith.constant 10007 : i32
      %min3A_902 = vector.broadcast %min3A_901 : i32 to vector<16xi32>
      %min3A_903 = arith.minsi %add3A_900, %min3A_902 : vector<16xi32>
      %gather3A_904 = tpu.vector_load_idx %arg7[%min3A_903] : memref<10008xi32, #tpu.memory_space<vmem>>[vector<16xi32>], vector<16xi32>,
      %le3A_905 = arith.constant 10000 : i32
      %le3A_906 = vector.broadcast %le3A_905 : i32 to vector<16xi32>
      %le3A_907 = arith.cmpi sle, %add3A_893, %le3A_906 : vector<16xi32>
      %lt3A_908 = vector.broadcast %add3A_428 : i32 to vector<16xi32>
      %lt3A_909 = arith.cmpi slt, %gather3A_897, %lt3A_908 : vector<16xi32>
      %and3A_910 = arith.andi %le3A_907, %lt3A_909 : vector<16xi1>
      %sub3A_911 = vector.broadcast %add3A_426 : i32 to vector<16xi32>
      %sub3A_912 = arith.subi %gather3A_897, %sub3A_911 : vector<16xi32>
      %add3A_913 = arith.constant 1 : i32
      %add3A_914 = vector.broadcast %add3A_913 : i32 to vector<16xi32>
      %add3A_915 = arith.addi %add3A_893, %add3A_914 : vector<16xi32>
      %ne3A = arith.cmpi ne, %gather3A_897, %gather3A_904 : vector<16xi32>
      %and3A_916 = arith.andi %and3A_910, %ne3A : vector<16xi1>
      tpu.vector_store_idx %arg16[%sub3A_912], %add3A_915 masked %and3A_916 : memref<64xi32, #tpu.memory_space<vmem>>[vector<16xi32>], vector<16xi32>, vector<16xi1>
      %all_reduce_population_count3A = tpu.all_reduce %and3A_910 {dim = 0 : i64, kind = #tpu.reduction_kind<sum>} : vector<16xi1> -> vector<16xi32>
      %reduce_max3A_917 = arith.constant true
      %reduce_max3A_918 = vector.broadcast %reduce_max3A_917 : i1 to vector<16xi1>
      %reduce_max3A_919 = arith.constant -2147483648 : i32
      %reduce_max3A_920 = vector.broadcast %reduce_max3A_919 : i32 to vector<16xi32>
      %reduce_max3A_921 = arith.xori %all_reduce_population_count3A, %reduce_max3A_920 : vector<16xi32>
      %reduce_max3A_922 = tpu.scan <max>, %reduce_max3A_921 masked %reduce_max3A_918 : vector<16xi32>, vector<16xi1> -> vector<16xi32>
      %reduce_max3A_923 = arith.xori %reduce_max3A_922, %reduce_max3A_920 : vector<16xi32>
      %reduce_max3A_924 = vector.extract %reduce_max3A_923[15] : i32 from vector<16xi32>
      %add3A_925 = arith.addi %while3A_891, %reduce_max3A_924 : i32
      scf.yield %add3A_925 : i32
    }
    %get3A_438 = arith.constant 0 : index
    %get3A_439 = tpu.vector_load %arg16[%get3A_438] {strides = array<i32>} : memref<64xi32, #tpu.memory_space<vmem>>, vector<16xi32>,
    %broadcast_in_dim3A_440 = arith.constant true
    %broadcast_in_dim3A_441 = vector.broadcast %broadcast_in_dim3A_440 : i1 to vector<16xi1>
    %masked_cummax3A_442 = arith.constant -2147483648 : i32
    %masked_cummax3A_443 = vector.broadcast %masked_cummax3A_442 : i32 to vector<16xi32>
    %masked_cummax3A_444 = arith.xori %get3A_439, %masked_cummax3A_443 : vector<16xi32>
    %masked_cummax3A_445 = tpu.scan <max>, %masked_cummax3A_444 masked %broadcast_in_dim3A_441 : vector<16xi32>, vector<16xi1> -> vector<16xi32>
    %masked_cummax3A_446 = arith.xori %masked_cummax3A_445, %masked_cummax3A_443 : vector<16xi32>
    %get3A_447 = arith.constant 16 : index
    %get3A_448 = tpu.vector_load %arg16[%get3A_447] {strides = array<i32>} : memref<64xi32, #tpu.memory_space<vmem>>, vector<16xi32>,
    %broadcast_in_dim3A_449 = arith.constant true
    %broadcast_in_dim3A_450 = vector.broadcast %broadcast_in_dim3A_449 : i1 to vector<16xi1>
    %masked_cummax3A_451 = arith.constant -2147483648 : i32
    %masked_cummax3A_452 = vector.broadcast %masked_cummax3A_451 : i32 to vector<16xi32>
    %masked_cummax3A_453 = arith.xori %get3A_448, %masked_cummax3A_452 : vector<16xi32>
    %masked_cummax3A_454 = tpu.scan <max>, %masked_cummax3A_453 masked %broadcast_in_dim3A_450 : vector<16xi32>, vector<16xi1> -> vector<16xi32>
    %masked_cummax3A_455 = arith.xori %masked_cummax3A_454, %masked_cummax3A_452 : vector<16xi32>
    %get3A_456 = arith.constant 32 : index
    %get3A_457 = tpu.vector_load %arg16[%get3A_456] {strides = array<i32>} : memref<64xi32, #tpu.memory_space<vmem>>, vector<16xi32>,
    %broadcast_in_dim3A_458 = arith.constant true
    %broadcast_in_dim3A_459 = vector.broadcast %broadcast_in_dim3A_458 : i1 to vector<16xi1>
    %masked_cummax3A_460 = arith.constant -2147483648 : i32
    %masked_cummax3A_461 = vector.broadcast %masked_cummax3A_460 : i32 to vector<16xi32>
    %masked_cummax3A_462 = arith.xori %get3A_457, %masked_cummax3A_461 : vector<16xi32>
    %masked_cummax3A_463 = tpu.scan <max>, %masked_cummax3A_462 masked %broadcast_in_dim3A_459 : vector<16xi32>, vector<16xi1> -> vector<16xi32>
    %masked_cummax3A_464 = arith.xori %masked_cummax3A_463, %masked_cummax3A_461 : vector<16xi32>
    %get3A_465 = arith.constant 48 : index
    %get3A_466 = tpu.vector_load %arg16[%get3A_465] {strides = array<i32>} : memref<64xi32, #tpu.memory_space<vmem>>, vector<16xi32>,
    %broadcast_in_dim3A_467 = arith.constant true
    %broadcast_in_dim3A_468 = vector.broadcast %broadcast_in_dim3A_467 : i1 to vector<16xi1>
    %masked_cummax3A_469 = arith.constant -2147483648 : i32
    %masked_cummax3A_470 = vector.broadcast %masked_cummax3A_469 : i32 to vector<16xi32>
    %masked_cummax3A_471 = arith.xori %get3A_466, %masked_cummax3A_470 : vector<16xi32>
    %masked_cummax3A_472 = tpu.scan <max>, %masked_cummax3A_471 masked %broadcast_in_dim3A_468 : vector<16xi32>, vector<16xi1> -> vector<16xi32>
    %masked_cummax3A_473 = arith.xori %masked_cummax3A_472, %masked_cummax3A_470 : vector<16xi32>
    %max3A_474 = vector.broadcast %while3A : i32 to vector<16xi32>
    %max3A_475 = arith.maxsi %masked_cummax3A_446, %max3A_474 : vector<16xi32>
    %sub3A_476 = arith.constant 1 : i32
    %sub3A_477 = vector.broadcast %sub3A_476 : i32 to vector<16xi32>
    %sub3A_478 = arith.subi %max3A_475, %sub3A_477 : vector<16xi32>
    %jit3A_479 = arith.constant 0 : i32
    %jit3A_480 = arith.constant 9999 : i32
    %max3A_481 = vector.broadcast %jit3A_479 : i32 to vector<16xi32>
    %max3A_482 = arith.maxsi %max3A_481, %sub3A_478 : vector<16xi32>
    %min3A_483 = vector.broadcast %jit3A_480 : i32 to vector<16xi32>
    %min3A_484 = arith.minsi %min3A_483, %max3A_482 : vector<16xi32>
    %swap3A_485 = arith.constant 0 : index
    %swap3A_486 = tpu.vector_load %arg16[%swap3A_485] {strides = array<i32>} : memref<64xi32, #tpu.memory_space<vmem>>, vector<16xi32>,
    tpu.vector_store %arg16[%swap3A_485], %min3A_484 {strides = array<i32>} : memref<64xi32, #tpu.memory_space<vmem>>, vector<16xi32>,
    %reduce_max3A_487 = arith.constant true
    %reduce_max3A_488 = vector.broadcast %reduce_max3A_487 : i1 to vector<16xi1>
    %reduce_max3A_489 = arith.constant -2147483648 : i32
    %reduce_max3A_490 = vector.broadcast %reduce_max3A_489 : i32 to vector<16xi32>
    %reduce_max3A_491 = arith.xori %max3A_475, %reduce_max3A_490 : vector<16xi32>
    %reduce_max3A_492 = tpu.scan <max>, %reduce_max3A_491 masked %reduce_max3A_488 : vector<16xi32>, vector<16xi1> -> vector<16xi32>
    %reduce_max3A_493 = arith.xori %reduce_max3A_492, %reduce_max3A_490 : vector<16xi32>
    %reduce_max3A_494 = vector.extract %reduce_max3A_493[15] : i32 from vector<16xi32>
    %max3A_495 = vector.broadcast %reduce_max3A_494 : i32 to vector<16xi32>
    %max3A_496 = arith.maxsi %masked_cummax3A_455, %max3A_495 : vector<16xi32>
    %sub3A_497 = arith.constant 1 : i32
    %sub3A_498 = vector.broadcast %sub3A_497 : i32 to vector<16xi32>
    %sub3A_499 = arith.subi %max3A_496, %sub3A_498 : vector<16xi32>
    %jit3A_500 = arith.constant 0 : i32
    %jit3A_501 = arith.constant 9999 : i32
    %max3A_502 = vector.broadcast %jit3A_500 : i32 to vector<16xi32>
    %max3A_503 = arith.maxsi %max3A_502, %sub3A_499 : vector<16xi32>
    %min3A_504 = vector.broadcast %jit3A_501 : i32 to vector<16xi32>
    %min3A_505 = arith.minsi %min3A_504, %max3A_503 : vector<16xi32>
    %swap3A_506 = arith.constant 16 : index
    %swap3A_507 = tpu.vector_load %arg16[%swap3A_506] {strides = array<i32>} : memref<64xi32, #tpu.memory_space<vmem>>, vector<16xi32>,
    tpu.vector_store %arg16[%swap3A_506], %min3A_505 {strides = array<i32>} : memref<64xi32, #tpu.memory_space<vmem>>, vector<16xi32>,
    %reduce_max3A_508 = arith.constant true
    %reduce_max3A_509 = vector.broadcast %reduce_max3A_508 : i1 to vector<16xi1>
    %reduce_max3A_510 = arith.constant -2147483648 : i32
    %reduce_max3A_511 = vector.broadcast %reduce_max3A_510 : i32 to vector<16xi32>
    %reduce_max3A_512 = arith.xori %max3A_496, %reduce_max3A_511 : vector<16xi32>
    %reduce_max3A_513 = tpu.scan <max>, %reduce_max3A_512 masked %reduce_max3A_509 : vector<16xi32>, vector<16xi1> -> vector<16xi32>
    %reduce_max3A_514 = arith.xori %reduce_max3A_513, %reduce_max3A_511 : vector<16xi32>
    %reduce_max3A_515 = vector.extract %reduce_max3A_514[15] : i32 from vector<16xi32>
    %max3A_516 = vector.broadcast %reduce_max3A_515 : i32 to vector<16xi32>
    %max3A_517 = arith.maxsi %masked_cummax3A_464, %max3A_516 : vector<16xi32>
    %sub3A_518 = arith.constant 1 : i32
    %sub3A_519 = vector.broadcast %sub3A_518 : i32 to vector<16xi32>
    %sub3A_520 = arith.subi %max3A_517, %sub3A_519 : vector<16xi32>
    %jit3A_521 = arith.constant 0 : i32
    %jit3A_522 = arith.constant 9999 : i32
    %max3A_523 = vector.broadcast %jit3A_521 : i32 to vector<16xi32>
    %max3A_524 = arith.maxsi %max3A_523, %sub3A_520 : vector<16xi32>
    %min3A_525 = vector.broadcast %jit3A_522 : i32 to vector<16xi32>
    %min3A_526 = arith.minsi %min3A_525, %max3A_524 : vector<16xi32>
    %swap3A_527 = arith.constant 32 : index
    %swap3A_528 = tpu.vector_load %arg16[%swap3A_527] {strides = array<i32>} : memref<64xi32, #tpu.memory_space<vmem>>, vector<16xi32>,
    tpu.vector_store %arg16[%swap3A_527], %min3A_526 {strides = array<i32>} : memref<64xi32, #tpu.memory_space<vmem>>, vector<16xi32>,
    %reduce_max3A_529 = arith.constant true
    %reduce_max3A_530 = vector.broadcast %reduce_max3A_529 : i1 to vector<16xi1>
    %reduce_max3A_531 = arith.constant -2147483648 : i32
    %reduce_max3A_532 = vector.broadcast %reduce_max3A_531 : i32 to vector<16xi32>
    %reduce_max3A_533 = arith.xori %max3A_517, %reduce_max3A_532 : vector<16xi32>
    %reduce_max3A_534 = tpu.scan <max>, %reduce_max3A_533 masked %reduce_max3A_530 : vector<16xi32>, vector<16xi1> -> vector<16xi32>
    %reduce_max3A_535 = arith.xori %reduce_max3A_534, %reduce_max3A_532 : vector<16xi32>
    %reduce_max3A_536 = vector.extract %reduce_max3A_535[15] : i32 from vector<16xi32>
    %max3A_537 = vector.broadcast %reduce_max3A_536 : i32 to vector<16xi32>
    %max3A_538 = arith.maxsi %masked_cummax3A_473, %max3A_537 : vector<16xi32>
    %sub3A_539 = arith.constant 1 : i32
    %sub3A_540 = vector.broadcast %sub3A_539 : i32 to vector<16xi32>
    %sub3A_541 = arith.subi %max3A_538, %sub3A_540 : vector<16xi32>
    %jit3A_542 = arith.constant 0 : i32
    %jit3A_543 = arith.constant 9999 : i32
    %max3A_544 = vector.broadcast %jit3A_542 : i32 to vector<16xi32>
    %max3A_545 = arith.maxsi %max3A_544, %sub3A_541 : vector<16xi32>
    %min3A_546 = vector.broadcast %jit3A_543 : i32 to vector<16xi32>
    %min3A_547 = arith.minsi %min3A_546, %max3A_545 : vector<16xi32>
    %swap3A_548 = arith.constant 48 : index
    %swap3A_549 = tpu.vector_load %arg16[%swap3A_548] {strides = array<i32>} : memref<64xi32, #tpu.memory_space<vmem>>, vector<16xi32>,
    tpu.vector_store %arg16[%swap3A_548], %min3A_547 {strides = array<i32>} : memref<64xi32, #tpu.memory_space<vmem>>, vector<16xi32>,
    %reduce_max3A_550 = arith.constant true
    %reduce_max3A_551 = vector.broadcast %reduce_max3A_550 : i1 to vector<16xi1>
    %reduce_max3A_552 = arith.constant -2147483648 : i32
    %reduce_max3A_553 = vector.broadcast %reduce_max3A_552 : i32 to vector<16xi32>
    %reduce_max3A_554 = arith.xori %max3A_538, %reduce_max3A_553 : vector<16xi32>
    %reduce_max3A_555 = tpu.scan <max>, %reduce_max3A_554 masked %reduce_max3A_551 : vector<16xi32>, vector<16xi1> -> vector<16xi32>
    %reduce_max3A_556 = arith.xori %reduce_max3A_555, %reduce_max3A_553 : vector<16xi32>
    %reduce_max3A_557 = vector.extract %reduce_max3A_556[15] : i32 from vector<16xi32>
    %dma_wait3A_558 = arith.constant 0 : i32
    %dma_wait3A_559 = arith.constant 0 : i32
    %dma_wait3A_560 = tpu.memref_slice %arg2[%dma_wait3A_558, %dma_wait3A_559] : memref<10000x128xf32, #tpu.memory_space<hbm>> -> memref<10000x128xf32, #tpu.memory_space<hbm>>
    tpu.wait_indirect_dma semaphore(%arg25 : memref<!tpu.dma_semaphore, #tpu.memory_space<semaphore_mem>>) src(%dma_wait3A_560 : memref<10000x128xf32, #tpu.memory_space<hbm>>) dst(%arg9 : memref<64x128xf32, #tpu.memory_space<vmem>>)
    "tpu.region"() ({
      %run_scoped3A = tpu.sem_alloc : memref<!tpu.dma_semaphore, #tpu.memory_space<semaphore_mem>>
      %dma_start3A_891 = arith.constant 0 : i32
      %dma_start3A_892 = arith.constant 0 : i32
      %dma_start3A_893 = tpu.memref_slice %arg29[%dma_start3A_891, %dma_start3A_892] : memref<10000x128xf32, #tpu.memory_space<vmem_shared>> -> memref<10000x128xf32, #tpu.memory_space<vmem_shared>>
      tpu.enqueue_indirect_dma source(%arg9 : memref<64x128xf32, #tpu.memory_space<vmem>>) target(%dma_start3A_893 : memref<10000x128xf32, #tpu.memory_space<vmem_shared>>) offsets(%arg16 : memref<64xi32, #tpu.memory_space<vmem>>) semaphore(%run_scoped3A : memref<!tpu.dma_semaphore, #tpu.memory_space<semaphore_mem>>) {add = true}
      %dma_wait3A_894 = arith.constant 0 : i32
      %dma_wait3A_895 = arith.constant 0 : i32
      %dma_wait3A_896 = tpu.memref_slice %arg29[%dma_wait3A_894, %dma_wait3A_895] : memref<10000x128xf32, #tpu.memory_space<vmem_shared>> -> memref<10000x128xf32, #tpu.memory_space<vmem_shared>>
      tpu.wait_indirect_dma semaphore(%run_scoped3A : memref<!tpu.dma_semaphore, #tpu.memory_space<semaphore_mem>>) src(%arg9 : memref<64x128xf32, #tpu.memory_space<vmem>>) dst(%dma_wait3A_896 : memref<10000x128xf32, #tpu.memory_space<vmem_shared>>)
      tpu.yield
    }) : () -> ()
    %add3A_561 = arith.constant 9856 : i32
    %add3A_562 = arith.addi %mul3A_2, %add3A_561 : i32
    %add3A_563 = arith.constant 64 : i32
    %add3A_564 = arith.addi %add3A_562, %add3A_563 : i32
    %swap3A_565 = arith.constant 0 : index
    %swap3A_566 = tpu.vector_load %arg16[%swap3A_565] {strides = array<i32>} : memref<64xi32, #tpu.memory_space<vmem>>, vector<16xi32>,
    tpu.vector_store %arg16[%swap3A_565], %broadcast_in_dim3A_9 {strides = array<i32>} : memref<64xi32, #tpu.memory_space<vmem>>, vector<16xi32>,
    %swap3A_567 = arith.constant 16 : index
    %swap3A_568 = tpu.vector_load %arg16[%swap3A_567] {strides = array<i32>} : memref<64xi32, #tpu.memory_space<vmem>>, vector<16xi32>,
    tpu.vector_store %arg16[%swap3A_567], %broadcast_in_dim3A_9 {strides = array<i32>} : memref<64xi32, #tpu.memory_space<vmem>>, vector<16xi32>,
    %swap3A_569 = arith.constant 32 : index
    %swap3A_570 = tpu.vector_load %arg16[%swap3A_569] {strides = array<i32>} : memref<64xi32, #tpu.memory_space<vmem>>, vector<16xi32>,
    tpu.vector_store %arg16[%swap3A_569], %broadcast_in_dim3A_9 {strides = array<i32>} : memref<64xi32, #tpu.memory_space<vmem>>, vector<16xi32>,
    %swap3A_571 = arith.constant 48 : index
    %swap3A_572 = tpu.vector_load %arg16[%swap3A_571] {strides = array<i32>} : memref<64xi32, #tpu.memory_space<vmem>>, vector<16xi32>,
    tpu.vector_store %arg16[%swap3A_571], %broadcast_in_dim3A_9 {strides = array<i32>} : memref<64xi32, #tpu.memory_space<vmem>>, vector<16xi32>,
    %while3A_573 = scf.while (%while3A_891 = %while3A_437) : (i32) -> i32 {
      %min3A_892 = arith.constant 10000 : i32
      %min3A_893 = arith.minsi %while3A_891, %min3A_892 : i32
      %add3A_894 = vector.broadcast %min3A_893 : i32 to vector<16xi32>
      %add3A_895 = arith.addi %broadcast_in_dim3A_9, %add3A_894 : vector<16xi32>
      %gather3A_896 = tpu.vector_load_idx %arg7[%add3A_895] : memref<10008xi32, #tpu.memory_space<vmem>>[vector<16xi32>], vector<16xi32>,
      %reduce_max3A_897 = arith.constant true
      %reduce_max3A_898 = vector.broadcast %reduce_max3A_897 : i1 to vector<16xi1>
      %reduce_max3A_899 = arith.constant -2147483648 : i32
      %reduce_max3A_900 = vector.broadcast %reduce_max3A_899 : i32 to vector<16xi32>
      %reduce_max3A_901 = arith.xori %gather3A_896, %reduce_max3A_900 : vector<16xi32>
      %reduce_max3A_902 = tpu.scan <max>, %reduce_max3A_901 masked %reduce_max3A_898 : vector<16xi32>, vector<16xi1> -> vector<16xi32>
      %reduce_max3A_903 = arith.xori %reduce_max3A_902, %reduce_max3A_900 : vector<16xi32>
      %reduce_max3A_904 = vector.extract %reduce_max3A_903[15] : i32 from vector<16xi32>
      %le3A_905 = arith.constant 10000 : i32
      %le3A_906 = arith.cmpi sle, %while3A_891, %le3A_905 : i32
      %lt3A_907 = arith.cmpi slt, %reduce_max3A_904, %add3A_564 : i32
      %and3A_908 = arith.andi %le3A_906, %lt3A_907 : i1
      scf.condition(%and3A_908) %while3A_891 : i32
    } do {
    ^bb0(%while3A_891: i32):
      %add3A_892 = vector.broadcast %while3A_891 : i32 to vector<16xi32>
      %add3A_893 = arith.addi %add3A_892, %iota3A : vector<16xi32>
      %min3A_894 = arith.constant 10007 : i32
      %min3A_895 = vector.broadcast %min3A_894 : i32 to vector<16xi32>
      %min3A_896 = arith.minsi %add3A_893, %min3A_895 : vector<16xi32>
      %gather3A_897 = tpu.vector_load_idx %arg7[%min3A_896] : memref<10008xi32, #tpu.memory_space<vmem>>[vector<16xi32>], vector<16xi32>,
      %add3A_898 = arith.constant 1 : i32
      %add3A_899 = vector.broadcast %add3A_898 : i32 to vector<16xi32>
      %add3A_900 = arith.addi %add3A_893, %add3A_899 : vector<16xi32>
      %min3A_901 = arith.constant 10007 : i32
      %min3A_902 = vector.broadcast %min3A_901 : i32 to vector<16xi32>
      %min3A_903 = arith.minsi %add3A_900, %min3A_902 : vector<16xi32>
      %gather3A_904 = tpu.vector_load_idx %arg7[%min3A_903] : memref<10008xi32, #tpu.memory_space<vmem>>[vector<16xi32>], vector<16xi32>,
      %le3A_905 = arith.constant 10000 : i32
      %le3A_906 = vector.broadcast %le3A_905 : i32 to vector<16xi32>
      %le3A_907 = arith.cmpi sle, %add3A_893, %le3A_906 : vector<16xi32>
      %lt3A_908 = vector.broadcast %add3A_564 : i32 to vector<16xi32>
      %lt3A_909 = arith.cmpi slt, %gather3A_897, %lt3A_908 : vector<16xi32>
      %and3A_910 = arith.andi %le3A_907, %lt3A_909 : vector<16xi1>
      %sub3A_911 = vector.broadcast %add3A_562 : i32 to vector<16xi32>
      %sub3A_912 = arith.subi %gather3A_897, %sub3A_911 : vector<16xi32>
      %add3A_913 = arith.constant 1 : i32
      %add3A_914 = vector.broadcast %add3A_913 : i32 to vector<16xi32>
      %add3A_915 = arith.addi %add3A_893, %add3A_914 : vector<16xi32>
      %ne3A = arith.cmpi ne, %gather3A_897, %gather3A_904 : vector<16xi32>
      %and3A_916 = arith.andi %and3A_910, %ne3A : vector<16xi1>
      tpu.vector_store_idx %arg16[%sub3A_912], %add3A_915 masked %and3A_916 : memref<64xi32, #tpu.memory_space<vmem>>[vector<16xi32>], vector<16xi32>, vector<16xi1>
      %all_reduce_population_count3A = tpu.all_reduce %and3A_910 {dim = 0 : i64, kind = #tpu.reduction_kind<sum>} : vector<16xi1> -> vector<16xi32>
      %reduce_max3A_917 = arith.constant true
      %reduce_max3A_918 = vector.broadcast %reduce_max3A_917 : i1 to vector<16xi1>
      %reduce_max3A_919 = arith.constant -2147483648 : i32
      %reduce_max3A_920 = vector.broadcast %reduce_max3A_919 : i32 to vector<16xi32>
      %reduce_max3A_921 = arith.xori %all_reduce_population_count3A, %reduce_max3A_920 : vector<16xi32>
      %reduce_max3A_922 = tpu.scan <max>, %reduce_max3A_921 masked %reduce_max3A_918 : vector<16xi32>, vector<16xi1> -> vector<16xi32>
      %reduce_max3A_923 = arith.xori %reduce_max3A_922, %reduce_max3A_920 : vector<16xi32>
      %reduce_max3A_924 = vector.extract %reduce_max3A_923[15] : i32 from vector<16xi32>
      %add3A_925 = arith.addi %while3A_891, %reduce_max3A_924 : i32
      scf.yield %add3A_925 : i32
    }
    %get3A_574 = arith.constant 0 : index
    %get3A_575 = tpu.vector_load %arg16[%get3A_574] {strides = array<i32>} : memref<64xi32, #tpu.memory_space<vmem>>, vector<16xi32>,
    %broadcast_in_dim3A_576 = arith.constant true
    %broadcast_in_dim3A_577 = vector.broadcast %broadcast_in_dim3A_576 : i1 to vector<16xi1>
    %masked_cummax3A_578 = arith.constant -2147483648 : i32
    %masked_cummax3A_579 = vector.broadcast %masked_cummax3A_578 : i32 to vector<16xi32>
    %masked_cummax3A_580 = arith.xori %get3A_575, %masked_cummax3A_579 : vector<16xi32>
    %masked_cummax3A_581 = tpu.scan <max>, %masked_cummax3A_580 masked %broadcast_in_dim3A_577 : vector<16xi32>, vector<16xi1> -> vector<16xi32>
    %masked_cummax3A_582 = arith.xori %masked_cummax3A_581, %masked_cummax3A_579 : vector<16xi32>
    %get3A_583 = arith.constant 16 : index
    %get3A_584 = tpu.vector_load %arg16[%get3A_583] {strides = array<i32>} : memref<64xi32, #tpu.memory_space<vmem>>, vector<16xi32>,
    %broadcast_in_dim3A_585 = arith.constant true
    %broadcast_in_dim3A_586 = vector.broadcast %broadcast_in_dim3A_585 : i1 to vector<16xi1>
    %masked_cummax3A_587 = arith.constant -2147483648 : i32
    %masked_cummax3A_588 = vector.broadcast %masked_cummax3A_587 : i32 to vector<16xi32>
    %masked_cummax3A_589 = arith.xori %get3A_584, %masked_cummax3A_588 : vector<16xi32>
    %masked_cummax3A_590 = tpu.scan <max>, %masked_cummax3A_589 masked %broadcast_in_dim3A_586 : vector<16xi32>, vector<16xi1> -> vector<16xi32>
    %masked_cummax3A_591 = arith.xori %masked_cummax3A_590, %masked_cummax3A_588 : vector<16xi32>
    %get3A_592 = arith.constant 32 : index
    %get3A_593 = tpu.vector_load %arg16[%get3A_592] {strides = array<i32>} : memref<64xi32, #tpu.memory_space<vmem>>, vector<16xi32>,
    %broadcast_in_dim3A_594 = arith.constant true
    %broadcast_in_dim3A_595 = vector.broadcast %broadcast_in_dim3A_594 : i1 to vector<16xi1>
    %masked_cummax3A_596 = arith.constant -2147483648 : i32
    %masked_cummax3A_597 = vector.broadcast %masked_cummax3A_596 : i32 to vector<16xi32>
    %masked_cummax3A_598 = arith.xori %get3A_593, %masked_cummax3A_597 : vector<16xi32>
    %masked_cummax3A_599 = tpu.scan <max>, %masked_cummax3A_598 masked %broadcast_in_dim3A_595 : vector<16xi32>, vector<16xi1> -> vector<16xi32>
    %masked_cummax3A_600 = arith.xori %masked_cummax3A_599, %masked_cummax3A_597 : vector<16xi32>
    %get3A_601 = arith.constant 48 : index
    %get3A_602 = tpu.vector_load %arg16[%get3A_601] {strides = array<i32>} : memref<64xi32, #tpu.memory_space<vmem>>, vector<16xi32>,
    %broadcast_in_dim3A_603 = arith.constant true
    %broadcast_in_dim3A_604 = vector.broadcast %broadcast_in_dim3A_603 : i1 to vector<16xi1>
    %masked_cummax3A_605 = arith.constant -2147483648 : i32
    %masked_cummax3A_606 = vector.broadcast %masked_cummax3A_605 : i32 to vector<16xi32>
    %masked_cummax3A_607 = arith.xori %get3A_602, %masked_cummax3A_606 : vector<16xi32>
    %masked_cummax3A_608 = tpu.scan <max>, %masked_cummax3A_607 masked %broadcast_in_dim3A_604 : vector<16xi32>, vector<16xi1> -> vector<16xi32>
    %masked_cummax3A_609 = arith.xori %masked_cummax3A_608, %masked_cummax3A_606 : vector<16xi32>
    %max3A_610 = vector.broadcast %while3A_437 : i32 to vector<16xi32>
    %max3A_611 = arith.maxsi %masked_cummax3A_582, %max3A_610 : vector<16xi32>
    %sub3A_612 = arith.constant 1 : i32
    %sub3A_613 = vector.broadcast %sub3A_612 : i32 to vector<16xi32>
    %sub3A_614 = arith.subi %max3A_611, %sub3A_613 : vector<16xi32>
    %jit3A_615 = arith.constant 0 : i32
    %jit3A_616 = arith.constant 9999 : i32
    %max3A_617 = vector.broadcast %jit3A_615 : i32 to vector<16xi32>
    %max3A_618 = arith.maxsi %max3A_617, %sub3A_614 : vector<16xi32>
    %min3A_619 = vector.broadcast %jit3A_616 : i32 to vector<16xi32>
    %min3A_620 = arith.minsi %min3A_619, %max3A_618 : vector<16xi32>
    %swap3A_621 = arith.constant 0 : index
    %swap3A_622 = tpu.vector_load %arg16[%swap3A_621] {strides = array<i32>} : memref<64xi32, #tpu.memory_space<vmem>>, vector<16xi32>,
    tpu.vector_store %arg16[%swap3A_621], %min3A_620 {strides = array<i32>} : memref<64xi32, #tpu.memory_space<vmem>>, vector<16xi32>,
    %reduce_max3A_623 = arith.constant true
    %reduce_max3A_624 = vector.broadcast %reduce_max3A_623 : i1 to vector<16xi1>
    %reduce_max3A_625 = arith.constant -2147483648 : i32
    %reduce_max3A_626 = vector.broadcast %reduce_max3A_625 : i32 to vector<16xi32>
    %reduce_max3A_627 = arith.xori %max3A_611, %reduce_max3A_626 : vector<16xi32>
    %reduce_max3A_628 = tpu.scan <max>, %reduce_max3A_627 masked %reduce_max3A_624 : vector<16xi32>, vector<16xi1> -> vector<16xi32>
    %reduce_max3A_629 = arith.xori %reduce_max3A_628, %reduce_max3A_626 : vector<16xi32>
    %reduce_max3A_630 = vector.extract %reduce_max3A_629[15] : i32 from vector<16xi32>
    %max3A_631 = vector.broadcast %reduce_max3A_630 : i32 to vector<16xi32>
    %max3A_632 = arith.maxsi %masked_cummax3A_591, %max3A_631 : vector<16xi32>
    %sub3A_633 = arith.constant 1 : i32
    %sub3A_634 = vector.broadcast %sub3A_633 : i32 to vector<16xi32>
    %sub3A_635 = arith.subi %max3A_632, %sub3A_634 : vector<16xi32>
    %jit3A_636 = arith.constant 0 : i32
    %jit3A_637 = arith.constant 9999 : i32
    %max3A_638 = vector.broadcast %jit3A_636 : i32 to vector<16xi32>
    %max3A_639 = arith.maxsi %max3A_638, %sub3A_635 : vector<16xi32>
    %min3A_640 = vector.broadcast %jit3A_637 : i32 to vector<16xi32>
    %min3A_641 = arith.minsi %min3A_640, %max3A_639 : vector<16xi32>
    %swap3A_642 = arith.constant 16 : index
    %swap3A_643 = tpu.vector_load %arg16[%swap3A_642] {strides = array<i32>} : memref<64xi32, #tpu.memory_space<vmem>>, vector<16xi32>,
    tpu.vector_store %arg16[%swap3A_642], %min3A_641 {strides = array<i32>} : memref<64xi32, #tpu.memory_space<vmem>>, vector<16xi32>,
    %reduce_max3A_644 = arith.constant true
    %reduce_max3A_645 = vector.broadcast %reduce_max3A_644 : i1 to vector<16xi1>
    %reduce_max3A_646 = arith.constant -2147483648 : i32
    %reduce_max3A_647 = vector.broadcast %reduce_max3A_646 : i32 to vector<16xi32>
    %reduce_max3A_648 = arith.xori %max3A_632, %reduce_max3A_647 : vector<16xi32>
    %reduce_max3A_649 = tpu.scan <max>, %reduce_max3A_648 masked %reduce_max3A_645 : vector<16xi32>, vector<16xi1> -> vector<16xi32>
    %reduce_max3A_650 = arith.xori %reduce_max3A_649, %reduce_max3A_647 : vector<16xi32>
    %reduce_max3A_651 = vector.extract %reduce_max3A_650[15] : i32 from vector<16xi32>
    %max3A_652 = vector.broadcast %reduce_max3A_651 : i32 to vector<16xi32>
    %max3A_653 = arith.maxsi %masked_cummax3A_600, %max3A_652 : vector<16xi32>
    %sub3A_654 = arith.constant 1 : i32
    %sub3A_655 = vector.broadcast %sub3A_654 : i32 to vector<16xi32>
    %sub3A_656 = arith.subi %max3A_653, %sub3A_655 : vector<16xi32>
    %jit3A_657 = arith.constant 0 : i32
    %jit3A_658 = arith.constant 9999 : i32
    %max3A_659 = vector.broadcast %jit3A_657 : i32 to vector<16xi32>
    %max3A_660 = arith.maxsi %max3A_659, %sub3A_656 : vector<16xi32>
    %min3A_661 = vector.broadcast %jit3A_658 : i32 to vector<16xi32>
    %min3A_662 = arith.minsi %min3A_661, %max3A_660 : vector<16xi32>
    %swap3A_663 = arith.constant 32 : index
    %swap3A_664 = tpu.vector_load %arg16[%swap3A_663] {strides = array<i32>} : memref<64xi32, #tpu.memory_space<vmem>>, vector<16xi32>,
    tpu.vector_store %arg16[%swap3A_663], %min3A_662 {strides = array<i32>} : memref<64xi32, #tpu.memory_space<vmem>>, vector<16xi32>,
    %reduce_max3A_665 = arith.constant true
    %reduce_max3A_666 = vector.broadcast %reduce_max3A_665 : i1 to vector<16xi1>
    %reduce_max3A_667 = arith.constant -2147483648 : i32
    %reduce_max3A_668 = vector.broadcast %reduce_max3A_667 : i32 to vector<16xi32>
    %reduce_max3A_669 = arith.xori %max3A_653, %reduce_max3A_668 : vector<16xi32>
    %reduce_max3A_670 = tpu.scan <max>, %reduce_max3A_669 masked %reduce_max3A_666 : vector<16xi32>, vector<16xi1> -> vector<16xi32>
    %reduce_max3A_671 = arith.xori %reduce_max3A_670, %reduce_max3A_668 : vector<16xi32>
    %reduce_max3A_672 = vector.extract %reduce_max3A_671[15] : i32 from vector<16xi32>
    %max3A_673 = vector.broadcast %reduce_max3A_672 : i32 to vector<16xi32>
    %max3A_674 = arith.maxsi %masked_cummax3A_609, %max3A_673 : vector<16xi32>
    %sub3A_675 = arith.constant 1 : i32
    %sub3A_676 = vector.broadcast %sub3A_675 : i32 to vector<16xi32>
    %sub3A_677 = arith.subi %max3A_674, %sub3A_676 : vector<16xi32>
    %jit3A_678 = arith.constant 0 : i32
    %jit3A_679 = arith.constant 9999 : i32
    %max3A_680 = vector.broadcast %jit3A_678 : i32 to vector<16xi32>
    %max3A_681 = arith.maxsi %max3A_680, %sub3A_677 : vector<16xi32>
    %min3A_682 = vector.broadcast %jit3A_679 : i32 to vector<16xi32>
    %min3A_683 = arith.minsi %min3A_682, %max3A_681 : vector<16xi32>
    %swap3A_684 = arith.constant 48 : index
    %swap3A_685 = tpu.vector_load %arg16[%swap3A_684] {strides = array<i32>} : memref<64xi32, #tpu.memory_space<vmem>>, vector<16xi32>,
    tpu.vector_store %arg16[%swap3A_684], %min3A_683 {strides = array<i32>} : memref<64xi32, #tpu.memory_space<vmem>>, vector<16xi32>,
    %reduce_max3A_686 = arith.constant true
    %reduce_max3A_687 = vector.broadcast %reduce_max3A_686 : i1 to vector<16xi1>
    %reduce_max3A_688 = arith.constant -2147483648 : i32
    %reduce_max3A_689 = vector.broadcast %reduce_max3A_688 : i32 to vector<16xi32>
    %reduce_max3A_690 = arith.xori %max3A_674, %reduce_max3A_689 : vector<16xi32>
    %reduce_max3A_691 = tpu.scan <max>, %reduce_max3A_690 masked %reduce_max3A_687 : vector<16xi32>, vector<16xi1> -> vector<16xi32>
    %reduce_max3A_692 = arith.xori %reduce_max3A_691, %reduce_max3A_689 : vector<16xi32>
    %reduce_max3A_693 = vector.extract %reduce_max3A_692[15] : i32 from vector<16xi32>
    %dma_wait3A_694 = arith.constant 0 : i32
    %dma_wait3A_695 = arith.constant 0 : i32
    %dma_wait3A_696 = tpu.memref_slice %arg2[%dma_wait3A_694, %dma_wait3A_695] : memref<10000x128xf32, #tpu.memory_space<hbm>> -> memref<10000x128xf32, #tpu.memory_space<hbm>>
    tpu.wait_indirect_dma semaphore(%arg26 : memref<!tpu.dma_semaphore, #tpu.memory_space<semaphore_mem>>) src(%dma_wait3A_696 : memref<10000x128xf32, #tpu.memory_space<hbm>>) dst(%arg10 : memref<64x128xf32, #tpu.memory_space<vmem>>)
    "tpu.region"() ({
      %run_scoped3A = tpu.sem_alloc : memref<!tpu.dma_semaphore, #tpu.memory_space<semaphore_mem>>
      %dma_start3A_891 = arith.constant 0 : i32
      %dma_start3A_892 = arith.constant 0 : i32
      %dma_start3A_893 = tpu.memref_slice %arg29[%dma_start3A_891, %dma_start3A_892] : memref<10000x128xf32, #tpu.memory_space<vmem_shared>> -> memref<10000x128xf32, #tpu.memory_space<vmem_shared>>
      tpu.enqueue_indirect_dma source(%arg10 : memref<64x128xf32, #tpu.memory_space<vmem>>) target(%dma_start3A_893 : memref<10000x128xf32, #tpu.memory_space<vmem_shared>>) offsets(%arg16 : memref<64xi32, #tpu.memory_space<vmem>>) semaphore(%run_scoped3A : memref<!tpu.dma_semaphore, #tpu.memory_space<semaphore_mem>>) {add = true}
      %dma_wait3A_894 = arith.constant 0 : i32
      %dma_wait3A_895 = arith.constant 0 : i32
      %dma_wait3A_896 = tpu.memref_slice %arg29[%dma_wait3A_894, %dma_wait3A_895] : memref<10000x128xf32, #tpu.memory_space<vmem_shared>> -> memref<10000x128xf32, #tpu.memory_space<vmem_shared>>
      tpu.wait_indirect_dma semaphore(%run_scoped3A : memref<!tpu.dma_semaphore, #tpu.memory_space<semaphore_mem>>) src(%arg10 : memref<64x128xf32, #tpu.memory_space<vmem>>) dst(%dma_wait3A_896 : memref<10000x128xf32, #tpu.memory_space<vmem_shared>>)
      tpu.yield
    }) : () -> ()
    %add3A_697 = arith.constant 9920 : i32
    %add3A_698 = arith.addi %mul3A_2, %add3A_697 : i32
    %add3A_699 = arith.constant 64 : i32
    %add3A_700 = arith.addi %add3A_698, %add3A_699 : i32
    %swap3A_701 = arith.constant 0 : index
    %swap3A_702 = tpu.vector_load %arg16[%swap3A_701] {strides = array<i32>} : memref<64xi32, #tpu.memory_space<vmem>>, vector<16xi32>,
    tpu.vector_store %arg16[%swap3A_701], %broadcast_in_dim3A_9 {strides = array<i32>} : memref<64xi32, #tpu.memory_space<vmem>>, vector<16xi32>,
    %swap3A_703 = arith.constant 16 : index
    %swap3A_704 = tpu.vector_load %arg16[%swap3A_703] {strides = array<i32>} : memref<64xi32, #tpu.memory_space<vmem>>, vector<16xi32>,
    tpu.vector_store %arg16[%swap3A_703], %broadcast_in_dim3A_9 {strides = array<i32>} : memref<64xi32, #tpu.memory_space<vmem>>, vector<16xi32>,
    %swap3A_705 = arith.constant 32 : index
    %swap3A_706 = tpu.vector_load %arg16[%swap3A_705] {strides = array<i32>} : memref<64xi32, #tpu.memory_space<vmem>>, vector<16xi32>,
    tpu.vector_store %arg16[%swap3A_705], %broadcast_in_dim3A_9 {strides = array<i32>} : memref<64xi32, #tpu.memory_space<vmem>>, vector<16xi32>,
    %swap3A_707 = arith.constant 48 : index
    %swap3A_708 = tpu.vector_load %arg16[%swap3A_707] {strides = array<i32>} : memref<64xi32, #tpu.memory_space<vmem>>, vector<16xi32>,
    tpu.vector_store %arg16[%swap3A_707], %broadcast_in_dim3A_9 {strides = array<i32>} : memref<64xi32, #tpu.memory_space<vmem>>, vector<16xi32>,
    %while3A_709 = scf.while (%while3A_891 = %while3A_573) : (i32) -> i32 {
      %min3A_892 = arith.constant 10000 : i32
      %min3A_893 = arith.minsi %while3A_891, %min3A_892 : i32
      %add3A_894 = vector.broadcast %min3A_893 : i32 to vector<16xi32>
      %add3A_895 = arith.addi %broadcast_in_dim3A_9, %add3A_894 : vector<16xi32>
      %gather3A_896 = tpu.vector_load_idx %arg7[%add3A_895] : memref<10008xi32, #tpu.memory_space<vmem>>[vector<16xi32>], vector<16xi32>,
      %reduce_max3A_897 = arith.constant true
      %reduce_max3A_898 = vector.broadcast %reduce_max3A_897 : i1 to vector<16xi1>
      %reduce_max3A_899 = arith.constant -2147483648 : i32
      %reduce_max3A_900 = vector.broadcast %reduce_max3A_899 : i32 to vector<16xi32>
      %reduce_max3A_901 = arith.xori %gather3A_896, %reduce_max3A_900 : vector<16xi32>
      %reduce_max3A_902 = tpu.scan <max>, %reduce_max3A_901 masked %reduce_max3A_898 : vector<16xi32>, vector<16xi1> -> vector<16xi32>
      %reduce_max3A_903 = arith.xori %reduce_max3A_902, %reduce_max3A_900 : vector<16xi32>
      %reduce_max3A_904 = vector.extract %reduce_max3A_903[15] : i32 from vector<16xi32>
      %le3A_905 = arith.constant 10000 : i32
      %le3A_906 = arith.cmpi sle, %while3A_891, %le3A_905 : i32
      %lt3A_907 = arith.cmpi slt, %reduce_max3A_904, %add3A_700 : i32
      %and3A_908 = arith.andi %le3A_906, %lt3A_907 : i1
      scf.condition(%and3A_908) %while3A_891 : i32
    } do {
    ^bb0(%while3A_891: i32):
      %add3A_892 = vector.broadcast %while3A_891 : i32 to vector<16xi32>
      %add3A_893 = arith.addi %add3A_892, %iota3A : vector<16xi32>
      %min3A_894 = arith.constant 10007 : i32
      %min3A_895 = vector.broadcast %min3A_894 : i32 to vector<16xi32>
      %min3A_896 = arith.minsi %add3A_893, %min3A_895 : vector<16xi32>
      %gather3A_897 = tpu.vector_load_idx %arg7[%min3A_896] : memref<10008xi32, #tpu.memory_space<vmem>>[vector<16xi32>], vector<16xi32>,
      %add3A_898 = arith.constant 1 : i32
      %add3A_899 = vector.broadcast %add3A_898 : i32 to vector<16xi32>
      %add3A_900 = arith.addi %add3A_893, %add3A_899 : vector<16xi32>
      %min3A_901 = arith.constant 10007 : i32
      %min3A_902 = vector.broadcast %min3A_901 : i32 to vector<16xi32>
      %min3A_903 = arith.minsi %add3A_900, %min3A_902 : vector<16xi32>
      %gather3A_904 = tpu.vector_load_idx %arg7[%min3A_903] : memref<10008xi32, #tpu.memory_space<vmem>>[vector<16xi32>], vector<16xi32>,
      %le3A_905 = arith.constant 10000 : i32
      %le3A_906 = vector.broadcast %le3A_905 : i32 to vector<16xi32>
      %le3A_907 = arith.cmpi sle, %add3A_893, %le3A_906 : vector<16xi32>
      %lt3A_908 = vector.broadcast %add3A_700 : i32 to vector<16xi32>
      %lt3A_909 = arith.cmpi slt, %gather3A_897, %lt3A_908 : vector<16xi32>
      %and3A_910 = arith.andi %le3A_907, %lt3A_909 : vector<16xi1>
      %sub3A_911 = vector.broadcast %add3A_698 : i32 to vector<16xi32>
      %sub3A_912 = arith.subi %gather3A_897, %sub3A_911 : vector<16xi32>
      %add3A_913 = arith.constant 1 : i32
      %add3A_914 = vector.broadcast %add3A_913 : i32 to vector<16xi32>
      %add3A_915 = arith.addi %add3A_893, %add3A_914 : vector<16xi32>
      %ne3A = arith.cmpi ne, %gather3A_897, %gather3A_904 : vector<16xi32>
      %and3A_916 = arith.andi %and3A_910, %ne3A : vector<16xi1>
      tpu.vector_store_idx %arg16[%sub3A_912], %add3A_915 masked %and3A_916 : memref<64xi32, #tpu.memory_space<vmem>>[vector<16xi32>], vector<16xi32>, vector<16xi1>
      %all_reduce_population_count3A = tpu.all_reduce %and3A_910 {dim = 0 : i64, kind = #tpu.reduction_kind<sum>} : vector<16xi1> -> vector<16xi32>
      %reduce_max3A_917 = arith.constant true
      %reduce_max3A_918 = vector.broadcast %reduce_max3A_917 : i1 to vector<16xi1>
      %reduce_max3A_919 = arith.constant -2147483648 : i32
      %reduce_max3A_920 = vector.broadcast %reduce_max3A_919 : i32 to vector<16xi32>
      %reduce_max3A_921 = arith.xori %all_reduce_population_count3A, %reduce_max3A_920 : vector<16xi32>
      %reduce_max3A_922 = tpu.scan <max>, %reduce_max3A_921 masked %reduce_max3A_918 : vector<16xi32>, vector<16xi1> -> vector<16xi32>
      %reduce_max3A_923 = arith.xori %reduce_max3A_922, %reduce_max3A_920 : vector<16xi32>
      %reduce_max3A_924 = vector.extract %reduce_max3A_923[15] : i32 from vector<16xi32>
      %add3A_925 = arith.addi %while3A_891, %reduce_max3A_924 : i32
      scf.yield %add3A_925 : i32
    }
    %get3A_710 = arith.constant 0 : index
    %get3A_711 = tpu.vector_load %arg16[%get3A_710] {strides = array<i32>} : memref<64xi32, #tpu.memory_space<vmem>>, vector<16xi32>,
    %broadcast_in_dim3A_712 = arith.constant true
    %broadcast_in_dim3A_713 = vector.broadcast %broadcast_in_dim3A_712 : i1 to vector<16xi1>
    %masked_cummax3A_714 = arith.constant -2147483648 : i32
    %masked_cummax3A_715 = vector.broadcast %masked_cummax3A_714 : i32 to vector<16xi32>
    %masked_cummax3A_716 = arith.xori %get3A_711, %masked_cummax3A_715 : vector<16xi32>
    %masked_cummax3A_717 = tpu.scan <max>, %masked_cummax3A_716 masked %broadcast_in_dim3A_713 : vector<16xi32>, vector<16xi1> -> vector<16xi32>
    %masked_cummax3A_718 = arith.xori %masked_cummax3A_717, %masked_cummax3A_715 : vector<16xi32>
    %get3A_719 = arith.constant 16 : index
    %get3A_720 = tpu.vector_load %arg16[%get3A_719] {strides = array<i32>} : memref<64xi32, #tpu.memory_space<vmem>>, vector<16xi32>,
    %broadcast_in_dim3A_721 = arith.constant true
    %broadcast_in_dim3A_722 = vector.broadcast %broadcast_in_dim3A_721 : i1 to vector<16xi1>
    %masked_cummax3A_723 = arith.constant -2147483648 : i32
    %masked_cummax3A_724 = vector.broadcast %masked_cummax3A_723 : i32 to vector<16xi32>
    %masked_cummax3A_725 = arith.xori %get3A_720, %masked_cummax3A_724 : vector<16xi32>
    %masked_cummax3A_726 = tpu.scan <max>, %masked_cummax3A_725 masked %broadcast_in_dim3A_722 : vector<16xi32>, vector<16xi1> -> vector<16xi32>
    %masked_cummax3A_727 = arith.xori %masked_cummax3A_726, %masked_cummax3A_724 : vector<16xi32>
    %get3A_728 = arith.constant 32 : index
    %get3A_729 = tpu.vector_load %arg16[%get3A_728] {strides = array<i32>} : memref<64xi32, #tpu.memory_space<vmem>>, vector<16xi32>,
    %broadcast_in_dim3A_730 = arith.constant true
    %broadcast_in_dim3A_731 = vector.broadcast %broadcast_in_dim3A_730 : i1 to vector<16xi1>
    %masked_cummax3A_732 = arith.constant -2147483648 : i32
    %masked_cummax3A_733 = vector.broadcast %masked_cummax3A_732 : i32 to vector<16xi32>
    %masked_cummax3A_734 = arith.xori %get3A_729, %masked_cummax3A_733 : vector<16xi32>
    %masked_cummax3A_735 = tpu.scan <max>, %masked_cummax3A_734 masked %broadcast_in_dim3A_731 : vector<16xi32>, vector<16xi1> -> vector<16xi32>
    %masked_cummax3A_736 = arith.xori %masked_cummax3A_735, %masked_cummax3A_733 : vector<16xi32>
    %get3A_737 = arith.constant 48 : index
    %get3A_738 = tpu.vector_load %arg16[%get3A_737] {strides = array<i32>} : memref<64xi32, #tpu.memory_space<vmem>>, vector<16xi32>,
    %broadcast_in_dim3A_739 = arith.constant true
    %broadcast_in_dim3A_740 = vector.broadcast %broadcast_in_dim3A_739 : i1 to vector<16xi1>
    %masked_cummax3A_741 = arith.constant -2147483648 : i32
    %masked_cummax3A_742 = vector.broadcast %masked_cummax3A_741 : i32 to vector<16xi32>
    %masked_cummax3A_743 = arith.xori %get3A_738, %masked_cummax3A_742 : vector<16xi32>
    %masked_cummax3A_744 = tpu.scan <max>, %masked_cummax3A_743 masked %broadcast_in_dim3A_740 : vector<16xi32>, vector<16xi1> -> vector<16xi32>
    %masked_cummax3A_745 = arith.xori %masked_cummax3A_744, %masked_cummax3A_742 : vector<16xi32>
    %max3A_746 = vector.broadcast %while3A_573 : i32 to vector<16xi32>
    %max3A_747 = arith.maxsi %masked_cummax3A_718, %max3A_746 : vector<16xi32>
    %sub3A_748 = arith.constant 1 : i32
    %sub3A_749 = vector.broadcast %sub3A_748 : i32 to vector<16xi32>
    %sub3A_750 = arith.subi %max3A_747, %sub3A_749 : vector<16xi32>
    %jit3A_751 = arith.constant 0 : i32
    %jit3A_752 = arith.constant 9999 : i32
    %max3A_753 = vector.broadcast %jit3A_751 : i32 to vector<16xi32>
    %max3A_754 = arith.maxsi %max3A_753, %sub3A_750 : vector<16xi32>
    %min3A_755 = vector.broadcast %jit3A_752 : i32 to vector<16xi32>
    %min3A_756 = arith.minsi %min3A_755, %max3A_754 : vector<16xi32>
    %swap3A_757 = arith.constant 0 : index
    %swap3A_758 = tpu.vector_load %arg16[%swap3A_757] {strides = array<i32>} : memref<64xi32, #tpu.memory_space<vmem>>, vector<16xi32>,
    tpu.vector_store %arg16[%swap3A_757], %min3A_756 {strides = array<i32>} : memref<64xi32, #tpu.memory_space<vmem>>, vector<16xi32>,
    %reduce_max3A_759 = arith.constant true
    %reduce_max3A_760 = vector.broadcast %reduce_max3A_759 : i1 to vector<16xi1>
    %reduce_max3A_761 = arith.constant -2147483648 : i32
    %reduce_max3A_762 = vector.broadcast %reduce_max3A_761 : i32 to vector<16xi32>
    %reduce_max3A_763 = arith.xori %max3A_747, %reduce_max3A_762 : vector<16xi32>
    %reduce_max3A_764 = tpu.scan <max>, %reduce_max3A_763 masked %reduce_max3A_760 : vector<16xi32>, vector<16xi1> -> vector<16xi32>
    %reduce_max3A_765 = arith.xori %reduce_max3A_764, %reduce_max3A_762 : vector<16xi32>
    %reduce_max3A_766 = vector.extract %reduce_max3A_765[15] : i32 from vector<16xi32>
    %max3A_767 = vector.broadcast %reduce_max3A_766 : i32 to vector<16xi32>
    %max3A_768 = arith.maxsi %masked_cummax3A_727, %max3A_767 : vector<16xi32>
    %sub3A_769 = arith.constant 1 : i32
    %sub3A_770 = vector.broadcast %sub3A_769 : i32 to vector<16xi32>
    %sub3A_771 = arith.subi %max3A_768, %sub3A_770 : vector<16xi32>
    %jit3A_772 = arith.constant 0 : i32
    %jit3A_773 = arith.constant 9999 : i32
    %max3A_774 = vector.broadcast %jit3A_772 : i32 to vector<16xi32>
    %max3A_775 = arith.maxsi %max3A_774, %sub3A_771 : vector<16xi32>
    %min3A_776 = vector.broadcast %jit3A_773 : i32 to vector<16xi32>
    %min3A_777 = arith.minsi %min3A_776, %max3A_775 : vector<16xi32>
    %swap3A_778 = arith.constant 16 : index
    %swap3A_779 = tpu.vector_load %arg16[%swap3A_778] {strides = array<i32>} : memref<64xi32, #tpu.memory_space<vmem>>, vector<16xi32>,
    tpu.vector_store %arg16[%swap3A_778], %min3A_777 {strides = array<i32>} : memref<64xi32, #tpu.memory_space<vmem>>, vector<16xi32>,
    %reduce_max3A_780 = arith.constant true
    %reduce_max3A_781 = vector.broadcast %reduce_max3A_780 : i1 to vector<16xi1>
    %reduce_max3A_782 = arith.constant -2147483648 : i32
    %reduce_max3A_783 = vector.broadcast %reduce_max3A_782 : i32 to vector<16xi32>
    %reduce_max3A_784 = arith.xori %max3A_768, %reduce_max3A_783 : vector<16xi32>
    %reduce_max3A_785 = tpu.scan <max>, %reduce_max3A_784 masked %reduce_max3A_781 : vector<16xi32>, vector<16xi1> -> vector<16xi32>
    %reduce_max3A_786 = arith.xori %reduce_max3A_785, %reduce_max3A_783 : vector<16xi32>
    %reduce_max3A_787 = vector.extract %reduce_max3A_786[15] : i32 from vector<16xi32>
    %max3A_788 = vector.broadcast %reduce_max3A_787 : i32 to vector<16xi32>
    %max3A_789 = arith.maxsi %masked_cummax3A_736, %max3A_788 : vector<16xi32>
    %sub3A_790 = arith.constant 1 : i32
    %sub3A_791 = vector.broadcast %sub3A_790 : i32 to vector<16xi32>
    %sub3A_792 = arith.subi %max3A_789, %sub3A_791 : vector<16xi32>
    %jit3A_793 = arith.constant 0 : i32
    %jit3A_794 = arith.constant 9999 : i32
    %max3A_795 = vector.broadcast %jit3A_793 : i32 to vector<16xi32>
    %max3A_796 = arith.maxsi %max3A_795, %sub3A_792 : vector<16xi32>
    %min3A_797 = vector.broadcast %jit3A_794 : i32 to vector<16xi32>
    %min3A_798 = arith.minsi %min3A_797, %max3A_796 : vector<16xi32>
    %swap3A_799 = arith.constant 32 : index
    %swap3A_800 = tpu.vector_load %arg16[%swap3A_799] {strides = array<i32>} : memref<64xi32, #tpu.memory_space<vmem>>, vector<16xi32>,
    tpu.vector_store %arg16[%swap3A_799], %min3A_798 {strides = array<i32>} : memref<64xi32, #tpu.memory_space<vmem>>, vector<16xi32>,
    %reduce_max3A_801 = arith.constant true
    %reduce_max3A_802 = vector.broadcast %reduce_max3A_801 : i1 to vector<16xi1>
    %reduce_max3A_803 = arith.constant -2147483648 : i32
    %reduce_max3A_804 = vector.broadcast %reduce_max3A_803 : i32 to vector<16xi32>
    %reduce_max3A_805 = arith.xori %max3A_789, %reduce_max3A_804 : vector<16xi32>
    %reduce_max3A_806 = tpu.scan <max>, %reduce_max3A_805 masked %reduce_max3A_802 : vector<16xi32>, vector<16xi1> -> vector<16xi32>
    %reduce_max3A_807 = arith.xori %reduce_max3A_806, %reduce_max3A_804 : vector<16xi32>
    %reduce_max3A_808 = vector.extract %reduce_max3A_807[15] : i32 from vector<16xi32>
    %max3A_809 = vector.broadcast %reduce_max3A_808 : i32 to vector<16xi32>
    %max3A_810 = arith.maxsi %masked_cummax3A_745, %max3A_809 : vector<16xi32>
    %sub3A_811 = arith.constant 1 : i32
    %sub3A_812 = vector.broadcast %sub3A_811 : i32 to vector<16xi32>
    %sub3A_813 = arith.subi %max3A_810, %sub3A_812 : vector<16xi32>
    %jit3A_814 = arith.constant 0 : i32
    %jit3A_815 = arith.constant 9999 : i32
    %max3A_816 = vector.broadcast %jit3A_814 : i32 to vector<16xi32>
    %max3A_817 = arith.maxsi %max3A_816, %sub3A_813 : vector<16xi32>
    %min3A_818 = vector.broadcast %jit3A_815 : i32 to vector<16xi32>
    %min3A_819 = arith.minsi %min3A_818, %max3A_817 : vector<16xi32>
    %swap3A_820 = arith.constant 48 : index
    %swap3A_821 = tpu.vector_load %arg16[%swap3A_820] {strides = array<i32>} : memref<64xi32, #tpu.memory_space<vmem>>, vector<16xi32>,
    tpu.vector_store %arg16[%swap3A_820], %min3A_819 {strides = array<i32>} : memref<64xi32, #tpu.memory_space<vmem>>, vector<16xi32>,
    %reduce_max3A_822 = arith.constant true
    %reduce_max3A_823 = vector.broadcast %reduce_max3A_822 : i1 to vector<16xi1>
    %reduce_max3A_824 = arith.constant -2147483648 : i32
    %reduce_max3A_825 = vector.broadcast %reduce_max3A_824 : i32 to vector<16xi32>
    %reduce_max3A_826 = arith.xori %max3A_810, %reduce_max3A_825 : vector<16xi32>
    %reduce_max3A_827 = tpu.scan <max>, %reduce_max3A_826 masked %reduce_max3A_823 : vector<16xi32>, vector<16xi1> -> vector<16xi32>
    %reduce_max3A_828 = arith.xori %reduce_max3A_827, %reduce_max3A_825 : vector<16xi32>
    %reduce_max3A_829 = vector.extract %reduce_max3A_828[15] : i32 from vector<16xi32>
    %dma_wait3A_830 = arith.constant 0 : i32
    %dma_wait3A_831 = arith.constant 0 : i32
    %dma_wait3A_832 = tpu.memref_slice %arg2[%dma_wait3A_830, %dma_wait3A_831] : memref<10000x128xf32, #tpu.memory_space<hbm>> -> memref<10000x128xf32, #tpu.memory_space<hbm>>
    tpu.wait_indirect_dma semaphore(%arg27 : memref<!tpu.dma_semaphore, #tpu.memory_space<semaphore_mem>>) src(%dma_wait3A_832 : memref<10000x128xf32, #tpu.memory_space<hbm>>) dst(%arg11 : memref<64x128xf32, #tpu.memory_space<vmem>>)
    "tpu.region"() ({
      %run_scoped3A = tpu.sem_alloc : memref<!tpu.dma_semaphore, #tpu.memory_space<semaphore_mem>>
      %dma_start3A_891 = arith.constant 0 : i32
      %dma_start3A_892 = arith.constant 0 : i32
      %dma_start3A_893 = tpu.memref_slice %arg29[%dma_start3A_891, %dma_start3A_892] : memref<10000x128xf32, #tpu.memory_space<vmem_shared>> -> memref<10000x128xf32, #tpu.memory_space<vmem_shared>>
      tpu.enqueue_indirect_dma source(%arg11 : memref<64x128xf32, #tpu.memory_space<vmem>>) target(%dma_start3A_893 : memref<10000x128xf32, #tpu.memory_space<vmem_shared>>) offsets(%arg16 : memref<64xi32, #tpu.memory_space<vmem>>) semaphore(%run_scoped3A : memref<!tpu.dma_semaphore, #tpu.memory_space<semaphore_mem>>) {add = true}
      %dma_wait3A_894 = arith.constant 0 : i32
      %dma_wait3A_895 = arith.constant 0 : i32
      %dma_wait3A_896 = tpu.memref_slice %arg29[%dma_wait3A_894, %dma_wait3A_895] : memref<10000x128xf32, #tpu.memory_space<vmem_shared>> -> memref<10000x128xf32, #tpu.memory_space<vmem_shared>>
      tpu.wait_indirect_dma semaphore(%run_scoped3A : memref<!tpu.dma_semaphore, #tpu.memory_space<semaphore_mem>>) src(%arg11 : memref<64x128xf32, #tpu.memory_space<vmem>>) dst(%dma_wait3A_896 : memref<10000x128xf32, #tpu.memory_space<vmem_shared>>)
      tpu.yield
    }) : () -> ()
    %add3A_833 = arith.constant 9984 : i32
    %add3A_834 = arith.addi %mul3A_2, %add3A_833 : i32
    %dma_start3A_835 = tpu.memref_slice %arg3[%add3A_834] : memref<320000xi32, #tpu.memory_space<hbm>> -> memref<16xi32, #tpu.memory_space<hbm>>
    %dma_start3A_836 = tpu.memref_slice %arg3[%add3A_834] : memref<320000xi32, #tpu.memory_space<hbm>> -> memref<16xi32, #tpu.memory_space<hbm>>
    tpu.enqueue_dma source(%dma_start3A_836 : memref<16xi32, #tpu.memory_space<hbm>>) target(%arg18 : memref<16xi32, #tpu.memory_space<vmem>>) target_semaphore(%arg28 : memref<!tpu.dma_semaphore, #tpu.memory_space<semaphore_mem>>)
    %dma_wait3A_837 = tpu.memref_slice %arg3[%add3A_834] : memref<320000xi32, #tpu.memory_space<hbm>> -> memref<16xi32, #tpu.memory_space<hbm>>
    %dma_wait3A_838 = tpu.memref_slice %arg3[%add3A_834] : memref<320000xi32, #tpu.memory_space<hbm>> -> memref<16xi32, #tpu.memory_space<hbm>>
    tpu.wait_dma2 semaphore(%arg28 : memref<!tpu.dma_semaphore, #tpu.memory_space<semaphore_mem>>) src(%dma_wait3A_838 : memref<16xi32, #tpu.memory_space<hbm>>) dst(%arg18 : memref<16xi32, #tpu.memory_space<vmem>>)
    %dma_start3A_839 = arith.constant 0 : i32
    %dma_start3A_840 = arith.constant 0 : i32
    %dma_start3A_841 = tpu.memref_slice %arg2[%dma_start3A_839, %dma_start3A_840] : memref<10000x128xf32, #tpu.memory_space<hbm>> -> memref<10000x128xf32, #tpu.memory_space<hbm>>
    tpu.enqueue_indirect_dma source(%dma_start3A_841 : memref<10000x128xf32, #tpu.memory_space<hbm>>) target(%arg17 : memref<16x128xf32, #tpu.memory_space<vmem>>) offsets(%arg18 : memref<16xi32, #tpu.memory_space<vmem>>) semaphore(%arg28 : memref<!tpu.dma_semaphore, #tpu.memory_space<semaphore_mem>>)
    %dma_wait3A_842 = arith.constant 0 : i32
    %dma_wait3A_843 = arith.constant 0 : i32
    %dma_wait3A_844 = tpu.memref_slice %arg2[%dma_wait3A_842, %dma_wait3A_843] : memref<10000x128xf32, #tpu.memory_space<hbm>> -> memref<10000x128xf32, #tpu.memory_space<hbm>>
    tpu.wait_indirect_dma semaphore(%arg28 : memref<!tpu.dma_semaphore, #tpu.memory_space<semaphore_mem>>) src(%dma_wait3A_844 : memref<10000x128xf32, #tpu.memory_space<hbm>>) dst(%arg17 : memref<16x128xf32, #tpu.memory_space<vmem>>)
    %add3A_845 = arith.constant 16 : i32
    %add3A_846 = arith.addi %add3A_834, %add3A_845 : i32
    %swap3A_847 = arith.constant 0 : index
    %swap3A_848 = tpu.vector_load %arg19[%swap3A_847] {strides = array<i32>} : memref<16xi32, #tpu.memory_space<vmem>>, vector<16xi32>,
    tpu.vector_store %arg19[%swap3A_847], %broadcast_in_dim3A_9 {strides = array<i32>} : memref<16xi32, #tpu.memory_space<vmem>>, vector<16xi32>,
    %while3A_849 = scf.while (%while3A_891 = %while3A_709) : (i32) -> i32 {
      %min3A_892 = arith.constant 10000 : i32
      %min3A_893 = arith.minsi %while3A_891, %min3A_892 : i32
      %add3A_894 = vector.broadcast %min3A_893 : i32 to vector<16xi32>
      %add3A_895 = arith.addi %broadcast_in_dim3A_9, %add3A_894 : vector<16xi32>
      %gather3A_896 = tpu.vector_load_idx %arg7[%add3A_895] : memref<10008xi32, #tpu.memory_space<vmem>>[vector<16xi32>], vector<16xi32>,
      %reduce_max3A_897 = arith.constant true
      %reduce_max3A_898 = vector.broadcast %reduce_max3A_897 : i1 to vector<16xi1>
      %reduce_max3A_899 = arith.constant -2147483648 : i32
      %reduce_max3A_900 = vector.broadcast %reduce_max3A_899 : i32 to vector<16xi32>
      %reduce_max3A_901 = arith.xori %gather3A_896, %reduce_max3A_900 : vector<16xi32>
      %reduce_max3A_902 = tpu.scan <max>, %reduce_max3A_901 masked %reduce_max3A_898 : vector<16xi32>, vector<16xi1> -> vector<16xi32>
      %reduce_max3A_903 = arith.xori %reduce_max3A_902, %reduce_max3A_900 : vector<16xi32>
      %reduce_max3A_904 = vector.extract %reduce_max3A_903[15] : i32 from vector<16xi32>
      %le3A_905 = arith.constant 10000 : i32
      %le3A_906 = arith.cmpi sle, %while3A_891, %le3A_905 : i32
      %lt3A_907 = arith.cmpi slt, %reduce_max3A_904, %add3A_846 : i32
      %and3A_908 = arith.andi %le3A_906, %lt3A_907 : i1
      scf.condition(%and3A_908) %while3A_891 : i32
    } do {
    ^bb0(%while3A_891: i32):
      %add3A_892 = vector.broadcast %while3A_891 : i32 to vector<16xi32>
      %add3A_893 = arith.addi %add3A_892, %iota3A : vector<16xi32>
      %min3A_894 = arith.constant 10007 : i32
      %min3A_895 = vector.broadcast %min3A_894 : i32 to vector<16xi32>
      %min3A_896 = arith.minsi %add3A_893, %min3A_895 : vector<16xi32>
      %gather3A_897 = tpu.vector_load_idx %arg7[%min3A_896] : memref<10008xi32, #tpu.memory_space<vmem>>[vector<16xi32>], vector<16xi32>,
      %add3A_898 = arith.constant 1 : i32
      %add3A_899 = vector.broadcast %add3A_898 : i32 to vector<16xi32>
      %add3A_900 = arith.addi %add3A_893, %add3A_899 : vector<16xi32>
      %min3A_901 = arith.constant 10007 : i32
      %min3A_902 = vector.broadcast %min3A_901 : i32 to vector<16xi32>
      %min3A_903 = arith.minsi %add3A_900, %min3A_902 : vector<16xi32>
      %gather3A_904 = tpu.vector_load_idx %arg7[%min3A_903] : memref<10008xi32, #tpu.memory_space<vmem>>[vector<16xi32>], vector<16xi32>,
      %le3A_905 = arith.constant 10000 : i32
      %le3A_906 = vector.broadcast %le3A_905 : i32 to vector<16xi32>
      %le3A_907 = arith.cmpi sle, %add3A_893, %le3A_906 : vector<16xi32>
      %lt3A_908 = vector.broadcast %add3A_846 : i32 to vector<16xi32>
      %lt3A_909 = arith.cmpi slt, %gather3A_897, %lt3A_908 : vector<16xi32>
      %and3A_910 = arith.andi %le3A_907, %lt3A_909 : vector<16xi1>
      %sub3A_911 = vector.broadcast %add3A_834 : i32 to vector<16xi32>
      %sub3A_912 = arith.subi %gather3A_897, %sub3A_911 : vector<16xi32>
      %add3A_913 = arith.constant 1 : i32
      %add3A_914 = vector.broadcast %add3A_913 : i32 to vector<16xi32>
      %add3A_915 = arith.addi %add3A_893, %add3A_914 : vector<16xi32>
      %ne3A = arith.cmpi ne, %gather3A_897, %gather3A_904 : vector<16xi32>
      %and3A_916 = arith.andi %and3A_910, %ne3A : vector<16xi1>
      tpu.vector_store_idx %arg19[%sub3A_912], %add3A_915 masked %and3A_916 : memref<16xi32, #tpu.memory_space<vmem>>[vector<16xi32>], vector<16xi32>, vector<16xi1>
      %all_reduce_population_count3A = tpu.all_reduce %and3A_910 {dim = 0 : i64, kind = #tpu.reduction_kind<sum>} : vector<16xi1> -> vector<16xi32>
      %reduce_max3A_917 = arith.constant true
      %reduce_max3A_918 = vector.broadcast %reduce_max3A_917 : i1 to vector<16xi1>
      %reduce_max3A_919 = arith.constant -2147483648 : i32
      %reduce_max3A_920 = vector.broadcast %reduce_max3A_919 : i32 to vector<16xi32>
      %reduce_max3A_921 = arith.xori %all_reduce_population_count3A, %reduce_max3A_920 : vector<16xi32>
      %reduce_max3A_922 = tpu.scan <max>, %reduce_max3A_921 masked %reduce_max3A_918 : vector<16xi32>, vector<16xi1> -> vector<16xi32>
      %reduce_max3A_923 = arith.xori %reduce_max3A_922, %reduce_max3A_920 : vector<16xi32>
      %reduce_max3A_924 = vector.extract %reduce_max3A_923[15] : i32 from vector<16xi32>
      %add3A_925 = arith.addi %while3A_891, %reduce_max3A_924 : i32
      scf.yield %add3A_925 : i32
    }
    %get3A_850 = arith.constant 0 : index
    %get3A_851 = tpu.vector_load %arg19[%get3A_850] {strides = array<i32>} : memref<16xi32, #tpu.memory_space<vmem>>, vector<16xi32>,
    %broadcast_in_dim3A_852 = arith.constant true
    %broadcast_in_dim3A_853 = vector.broadcast %broadcast_in_dim3A_852 : i1 to vector<16xi1>
    %masked_cummax3A_854 = arith.constant -2147483648 : i32
    %masked_cummax3A_855 = vector.broadcast %masked_cummax3A_854 : i32 to vector<16xi32>
    %masked_cummax3A_856 = arith.xori %get3A_851, %masked_cummax3A_855 : vector<16xi32>
    %masked_cummax3A_857 = tpu.scan <max>, %masked_cummax3A_856 masked %broadcast_in_dim3A_853 : vector<16xi32>, vector<16xi1> -> vector<16xi32>
    %masked_cummax3A_858 = arith.xori %masked_cummax3A_857, %masked_cummax3A_855 : vector<16xi32>
    %max3A_859 = vector.broadcast %while3A_709 : i32 to vector<16xi32>
    %max3A_860 = arith.maxsi %masked_cummax3A_858, %max3A_859 : vector<16xi32>
    %sub3A_861 = arith.constant 1 : i32
    %sub3A_862 = vector.broadcast %sub3A_861 : i32 to vector<16xi32>
    %sub3A_863 = arith.subi %max3A_860, %sub3A_862 : vector<16xi32>
    %jit3A_864 = arith.constant 0 : i32
    %jit3A_865 = arith.constant 9999 : i32
    %max3A_866 = vector.broadcast %jit3A_864 : i32 to vector<16xi32>
    %max3A_867 = arith.maxsi %max3A_866, %sub3A_863 : vector<16xi32>
    %min3A_868 = vector.broadcast %jit3A_865 : i32 to vector<16xi32>
    %min3A_869 = arith.minsi %min3A_868, %max3A_867 : vector<16xi32>
    %swap3A_870 = arith.constant 0 : index
    %swap3A_871 = tpu.vector_load %arg19[%swap3A_870] {strides = array<i32>} : memref<16xi32, #tpu.memory_space<vmem>>, vector<16xi32>,
    tpu.vector_store %arg19[%swap3A_870], %min3A_869 {strides = array<i32>} : memref<16xi32, #tpu.memory_space<vmem>>, vector<16xi32>,
    %reduce_max3A_872 = arith.constant true
    %reduce_max3A_873 = vector.broadcast %reduce_max3A_872 : i1 to vector<16xi1>
    %reduce_max3A_874 = arith.constant -2147483648 : i32
    %reduce_max3A_875 = vector.broadcast %reduce_max3A_874 : i32 to vector<16xi32>
    %reduce_max3A_876 = arith.xori %max3A_860, %reduce_max3A_875 : vector<16xi32>
    %reduce_max3A_877 = tpu.scan <max>, %reduce_max3A_876 masked %reduce_max3A_873 : vector<16xi32>, vector<16xi1> -> vector<16xi32>
    %reduce_max3A_878 = arith.xori %reduce_max3A_877, %reduce_max3A_875 : vector<16xi32>
    %reduce_max3A_879 = vector.extract %reduce_max3A_878[15] : i32 from vector<16xi32>
    "tpu.region"() ({
      %run_scoped3A = tpu.sem_alloc : memref<!tpu.dma_semaphore, #tpu.memory_space<semaphore_mem>>
      %dma_start3A_891 = arith.constant 0 : i32
      %dma_start3A_892 = arith.constant 0 : i32
      %dma_start3A_893 = tpu.memref_slice %arg29[%dma_start3A_891, %dma_start3A_892] : memref<10000x128xf32, #tpu.memory_space<vmem_shared>> -> memref<10000x128xf32, #tpu.memory_space<vmem_shared>>
      tpu.enqueue_indirect_dma source(%arg17 : memref<16x128xf32, #tpu.memory_space<vmem>>) target(%dma_start3A_893 : memref<10000x128xf32, #tpu.memory_space<vmem_shared>>) offsets(%arg19 : memref<16xi32, #tpu.memory_space<vmem>>) semaphore(%run_scoped3A : memref<!tpu.dma_semaphore, #tpu.memory_space<semaphore_mem>>) {add = true}
      %dma_wait3A_894 = arith.constant 0 : i32
      %dma_wait3A_895 = arith.constant 0 : i32
      %dma_wait3A_896 = tpu.memref_slice %arg29[%dma_wait3A_894, %dma_wait3A_895] : memref<10000x128xf32, #tpu.memory_space<vmem_shared>> -> memref<10000x128xf32, #tpu.memory_space<vmem_shared>>
      tpu.wait_indirect_dma semaphore(%run_scoped3A : memref<!tpu.dma_semaphore, #tpu.memory_space<semaphore_mem>>) src(%arg17 : memref<16x128xf32, #tpu.memory_space<vmem>>) dst(%dma_wait3A_896 : memref<10000x128xf32, #tpu.memory_space<vmem_shared>>)
      tpu.yield
    }) : () -> ()
    %barrier3A_880 = arith.constant 0 : index
    tpu.barrier barrier_id(%barrier3A_880)
    %lt3A_881 = arith.constant 15 : i32
    %lt3A_882 = arith.cmpi slt, %arg1, %lt3A_881 : i32
    %convert_element_type3A_883 = arith.extui %lt3A_882 : i1 to i32
    %cond3A_884 = arith.constant 0 : i32
    %cond3A_885 = arith.cmpi ne, %convert_element_type3A_883, %cond3A_884 : i32
    scf.if %cond3A_885 {
      %mul3A_891 = arith.constant 624 : i32
      %mul3A_892 = arith.muli %arg1, %mul3A_891 : i32
      "tpu.region"() ({
        %run_scoped3A = tpu.sem_alloc : memref<!tpu.dma_semaphore, #tpu.memory_space<semaphore_mem>>
        %dma_start3A_893 = arith.constant 0 : i32
        %dma_start3A_894 = tpu.memref_slice %arg6[%arg0, %mul3A_892, %dma_start3A_893] : memref<2x10000x128xf32, #tpu.memory_space<hbm>> -> memref<1x624x128xf32, #tpu.memory_space<hbm>>
        %dma_start3A_895 = tpu.memref_squeeze %dma_start3A_894 : memref<1x624x128xf32, #tpu.memory_space<hbm>> -> memref<624x128xf32, #tpu.memory_space<hbm>>
        %dma_start3A_896 = arith.constant 0 : i32
        %dma_start3A_897 = tpu.memref_slice %arg29[%mul3A_892, %dma_start3A_896] : memref<10000x128xf32, #tpu.memory_space<vmem_shared>> -> memref<624x128xf32, #tpu.memory_space<vmem_shared>>
        tpu.enqueue_dma source(%dma_start3A_897 : memref<624x128xf32, #tpu.memory_space<vmem_shared>>) target(%dma_start3A_895 : memref<624x128xf32, #tpu.memory_space<hbm>>) target_semaphore(%run_scoped3A : memref<!tpu.dma_semaphore, #tpu.memory_space<semaphore_mem>>)
        %dma_wait3A_898 = arith.constant 0 : i32
        %dma_wait3A_899 = tpu.memref_slice %arg6[%arg0, %mul3A_892, %dma_wait3A_898] : memref<2x10000x128xf32, #tpu.memory_space<hbm>> -> memref<1x624x128xf32, #tpu.memory_space<hbm>>
        %dma_wait3A_900 = tpu.memref_squeeze %dma_wait3A_899 : memref<1x624x128xf32, #tpu.memory_space<hbm>> -> memref<624x128xf32, #tpu.memory_space<hbm>>
        %dma_wait3A_901 = arith.constant 0 : i32
        %dma_wait3A_902 = tpu.memref_slice %arg29[%mul3A_892, %dma_wait3A_901] : memref<10000x128xf32, #tpu.memory_space<vmem_shared>> -> memref<624x128xf32, #tpu.memory_space<vmem_shared>>
        tpu.wait_dma2 semaphore(%run_scoped3A : memref<!tpu.dma_semaphore, #tpu.memory_space<semaphore_mem>>) src(%dma_wait3A_902 : memref<624x128xf32, #tpu.memory_space<vmem_shared>>) dst(%dma_wait3A_900 : memref<624x128xf32, #tpu.memory_space<hbm>>)
        tpu.yield
      }) : () -> ()
    } else {
    }
    %eq3A_886 = arith.constant 15 : i32
    %eq3A_887 = arith.cmpi eq, %arg1, %eq3A_886 : i32
    %convert_element_type3A_888 = arith.extui %eq3A_887 : i1 to i32
    %cond3A_889 = arith.constant 0 : i32
    %cond3A_890 = arith.cmpi ne, %convert_element_type3A_888, %cond3A_889 : i32
    scf.if %cond3A_890 {
      "tpu.region"() ({
        %run_scoped3A = tpu.sem_alloc : memref<!tpu.dma_semaphore, #tpu.memory_space<semaphore_mem>>
        %dma_start3A_891 = arith.constant 9360 : i32
        %dma_start3A_892 = arith.constant 0 : i32
        %dma_start3A_893 = tpu.memref_slice %arg6[%arg0, %dma_start3A_891, %dma_start3A_892] : memref<2x10000x128xf32, #tpu.memory_space<hbm>> -> memref<1x640x128xf32, #tpu.memory_space<hbm>>
        %dma_start3A_894 = tpu.memref_squeeze %dma_start3A_893 : memref<1x640x128xf32, #tpu.memory_space<hbm>> -> memref<640x128xf32, #tpu.memory_space<hbm>>
        %dma_start3A_895 = arith.constant 9360 : i32
        %dma_start3A_896 = arith.constant 0 : i32
        %dma_start3A_897 = tpu.memref_slice %arg29[%dma_start3A_895, %dma_start3A_896] : memref<10000x128xf32, #tpu.memory_space<vmem_shared>> -> memref<640x128xf32, #tpu.memory_space<vmem_shared>>
        tpu.enqueue_dma source(%dma_start3A_897 : memref<640x128xf32, #tpu.memory_space<vmem_shared>>) target(%dma_start3A_894 : memref<640x128xf32, #tpu.memory_space<hbm>>) target_semaphore(%run_scoped3A : memref<!tpu.dma_semaphore, #tpu.memory_space<semaphore_mem>>)
        %dma_wait3A_898 = arith.constant 9360 : i32
        %dma_wait3A_899 = arith.constant 0 : i32
        %dma_wait3A_900 = tpu.memref_slice %arg6[%arg0, %dma_wait3A_898, %dma_wait3A_899] : memref<2x10000x128xf32, #tpu.memory_space<hbm>> -> memref<1x640x128xf32, #tpu.memory_space<hbm>>
        %dma_wait3A_901 = tpu.memref_squeeze %dma_wait3A_900 : memref<1x640x128xf32, #tpu.memory_space<hbm>> -> memref<640x128xf32, #tpu.memory_space<hbm>>
        %dma_wait3A_902 = arith.constant 9360 : i32
        %dma_wait3A_903 = arith.constant 0 : i32
        %dma_wait3A_904 = tpu.memref_slice %arg29[%dma_wait3A_902, %dma_wait3A_903] : memref<10000x128xf32, #tpu.memory_space<vmem_shared>> -> memref<640x128xf32, #tpu.memory_space<vmem_shared>>
        tpu.wait_dma2 semaphore(%run_scoped3A : memref<!tpu.dma_semaphore, #tpu.memory_space<semaphore_mem>>) src(%dma_wait3A_904 : memref<640x128xf32, #tpu.memory_space<vmem_shared>>) dst(%dma_wait3A_901 : memref<640x128xf32, #tpu.memory_space<hbm>>)
        tpu.yield
      }) : () -> ()
    } else {
    }
    return
  }
}

module attributes {stable_mosaic.version = 14 : i64} {
  func.func @_tc_tail_kernel(%arg0: i32, %arg1: memref<2x1000x128xf32, #tpu.memory_space<vmem>>, %arg2: memref<1000x1xf32, #tpu.memory_space<vmem>>, %arg3: memref<128x128xf32, #tpu.memory_space<vmem>>, %arg4: memref<1x128xf32, #tpu.memory_space<vmem>>, %arg5: memref<64x128xf32, #tpu.memory_space<vmem>>, %arg6: memref<1x64xf32, #tpu.memory_space<vmem>>, %arg7: memref<1000x64xf32, #tpu.memory_space<vmem>>) attributes {dimension_semantics = [#tpu.dimension_semantics<arbitrary>], iteration_bounds = array<i64: 10>, scalar_prefetch = 0 : i64, scratch_operands = 0 : i64, tpu.core_type = #tpu.core_type<tc>, window_params = [{transform_indices = @transform_0, window_bounds = array<i64: 2, 1000, 128>}, {transform_indices = @transform_1, window_bounds = array<i64: 1000, 1>}, {pipeline_mode = #tpu.pipeline_mode<synchronous>, transform_indices = @transform_2, window_bounds = array<i64: 128, 128>}, {pipeline_mode = #tpu.pipeline_mode<synchronous>, transform_indices = @transform_3, window_bounds = array<i64: 1, 128>}, {pipeline_mode = #tpu.pipeline_mode<synchronous>, transform_indices = @transform_4, window_bounds = array<i64: 64, 128>}, {pipeline_mode = #tpu.pipeline_mode<synchronous>, transform_indices = @transform_5, window_bounds = array<i64: 1, 64>}, {transform_indices = @transform_6, window_bounds = array<i64: 1000, 64>}]} {
    %get3A = arith.constant 0 : index
    %get3A_0 = arith.constant 0 : index
    %get3A_1 = arith.constant 0 : index
    %get3A_2 = vector.load %arg1[%get3A, %get3A_0, %get3A_1] : memref<2x1000x128xf32, #tpu.memory_space<vmem>>, vector<1x1000x128xf32>
    %get3A_3 = vector.shape_cast %get3A_2 : vector<1x1000x128xf32> to vector<1000x128xf32>
    %get3A_4 = arith.constant 1 : index
    %get3A_5 = arith.constant 0 : index
    %get3A_6 = arith.constant 0 : index
    %get3A_7 = vector.load %arg1[%get3A_4, %get3A_5, %get3A_6] : memref<2x1000x128xf32, #tpu.memory_space<vmem>>, vector<1x1000x128xf32>
    %get3A_8 = vector.shape_cast %get3A_7 : vector<1x1000x128xf32> to vector<1000x128xf32>
    %add3A = arith.addf %get3A_3, %get3A_8 : vector<1000x128xf32>
    %get3A_9 = arith.constant 0 : index
    %get3A_10 = arith.constant 0 : index
    %get3A_11 = vector.load %arg3[%get3A_9, %get3A_10] : memref<128x128xf32, #tpu.memory_space<vmem>>, vector<128x128xf32>
    %dot_general3A = arith.constant dense<0.000000e+00> : vector<1000x128xf32>
    %dot_general3A_12 = tpu.matmul %add3A, %get3A_11, %dot_general3A {dimension_numbers = #tpu.dot_dimension_numbers<[1], [1], [0], [0], [0, 0, 1, 0], [], []>, transpose_lhs_hint = false} : vector<1000x128xf32>, vector<128x128xf32>, vector<1000x128xf32> -> vector<1000x128xf32>
    %get3A_13 = arith.constant 0 : index
    %get3A_14 = arith.constant 0 : index
    %get3A_15 = vector.load %arg2[%get3A_13, %get3A_14] : memref<1000x1xf32, #tpu.memory_space<vmem>>, vector<1000x1xf32>
    %get3A_16 = arith.constant 0 : index
    %get3A_17 = arith.constant 0 : index
    %get3A_18 = vector.load %arg4[%get3A_16, %get3A_17] : memref<1x128xf32, #tpu.memory_space<vmem>>, vector<1x128xf32>
    %mul3A = vector.broadcast %get3A_15 : vector<1000x1xf32> to vector<1000x128xf32>
    %mul3A_19 = vector.broadcast %get3A_18 : vector<1x128xf32> to vector<1000x128xf32>
    %mul3A_20 = arith.mulf %mul3A, %mul3A_19 : vector<1000x128xf32>
    %add3A_21 = arith.addf %dot_general3A_12, %mul3A_20 : vector<1000x128xf32>
    %max3A = arith.constant 0.000000e+00 : f32
    %max3A_22 = vector.broadcast %max3A : f32 to vector<1000x128xf32>
    %max3A_23 = arith.maximumf %add3A_21, %max3A_22 : vector<1000x128xf32>
    %get3A_24 = arith.constant 0 : index
    %get3A_25 = arith.constant 0 : index
    %get3A_26 = vector.load %arg5[%get3A_24, %get3A_25] : memref<64x128xf32, #tpu.memory_space<vmem>>, vector<64x128xf32>
    %dot_general3A_27 = arith.constant dense<0.000000e+00> : vector<1000x64xf32>
    %dot_general3A_28 = tpu.matmul %max3A_23, %get3A_26, %dot_general3A_27 {dimension_numbers = #tpu.dot_dimension_numbers<[1], [1], [0], [0], [0, 0, 1, 0], [], []>, transpose_lhs_hint = false} : vector<1000x128xf32>, vector<64x128xf32>, vector<1000x64xf32> -> vector<1000x64xf32>
    %get3A_29 = arith.constant 0 : index
    %get3A_30 = arith.constant 0 : index
    %get3A_31 = vector.load %arg6[%get3A_29, %get3A_30] : memref<1x64xf32, #tpu.memory_space<vmem>>, vector<1x64xf32>
    %add3A_32 = vector.broadcast %get3A_31 : vector<1x64xf32> to vector<1000x64xf32>
    %add3A_33 = arith.addf %dot_general3A_28, %add3A_32 : vector<1000x64xf32>
    %max3A_34 = arith.constant 0.000000e+00 : f32
    %max3A_35 = vector.broadcast %max3A_34 : f32 to vector<1000x64xf32>
    %max3A_36 = arith.maximumf %add3A_33, %max3A_35 : vector<1000x64xf32>
    %reduce_max3A = arith.constant dense<0xFF800000> : vector<1000xf32>
    %reduce_max3A_37 = vector.multi_reduction <maximumf>, %max3A_36, %reduce_max3A [1] : vector<1000x64xf32> to vector<1000xf32>
    %broadcast_in_dim3A = vector.shape_cast %reduce_max3A_37 : vector<1000xf32> to vector<1000x1xf32>
    %sub3A = vector.broadcast %broadcast_in_dim3A : vector<1000x1xf32> to vector<1000x64xf32>
    %sub3A_38 = arith.subf %max3A_36, %sub3A : vector<1000x64xf32>
    %exp3A = math.exp %sub3A_38 : vector<1000x64xf32>
    %reduce_sum3A = arith.constant dense<0.000000e+00> : vector<1000xf32>
    %reduce_sum3A_39 = vector.multi_reduction <add>, %exp3A, %reduce_sum3A [1] : vector<1000x64xf32> to vector<1000xf32>
    %broadcast_in_dim3A_40 = vector.shape_cast %reduce_sum3A_39 : vector<1000xf32> to vector<1000x1xf32>
    %log3A = math.log %broadcast_in_dim3A_40 : vector<1000x1xf32>
    %sub3A_41 = vector.broadcast %log3A : vector<1000x1xf32> to vector<1000x64xf32>
    %sub3A_42 = arith.subf %sub3A_38, %sub3A_41 : vector<1000x64xf32>
    %swap3A = arith.constant 0 : index
    %swap3A_43 = arith.constant 0 : index
    %swap3A_44 = vector.load %arg7[%swap3A, %swap3A_43] : memref<1000x64xf32, #tpu.memory_space<vmem>>, vector<1000x64xf32>
    tpu.vector_store %arg7[%swap3A, %swap3A_43], %sub3A_42 {strides = array<i32>} : memref<1000x64xf32, #tpu.memory_space<vmem>>, vector<1000x64xf32>,
    return
  }
  func.func @transform_0(%arg0: i32) -> (i32, i32, i32) {
    %c0_i32 = arith.constant 0 : i32
    %c0_i32_0 = arith.constant 0 : i32
    %c0_i32_1 = arith.constant 0 : i32
    return %c0_i32, %arg0, %c0_i32_0 : i32, i32, i32
  }
  func.func @transform_1(%arg0: i32) -> (i32, i32) {
    %c0_i32 = arith.constant 0 : i32
    %c0_i32_0 = arith.constant 0 : i32
    return %arg0, %c0_i32 : i32, i32
  }
  func.func @transform_2(%arg0: i32) -> (i32, i32) {
    %c0_i32 = arith.constant 0 : i32
    %c0_i32_0 = arith.constant 0 : i32
    %c0_i32_1 = arith.constant 0 : i32
    return %c0_i32, %c0_i32_0 : i32, i32
  }
  func.func @transform_3(%arg0: i32) -> (i32, i32) {
    %c0_i32 = arith.constant 0 : i32
    %c0_i32_0 = arith.constant 0 : i32
    %c0_i32_1 = arith.constant 0 : i32
    return %c0_i32, %c0_i32_0 : i32, i32
  }
  func.func @transform_4(%arg0: i32) -> (i32, i32) {
    %c0_i32 = arith.constant 0 : i32
    %c0_i32_0 = arith.constant 0 : i32
    %c0_i32_1 = arith.constant 0 : i32
    return %c0_i32, %c0_i32_0 : i32, i32
  }
  func.func @transform_5(%arg0: i32) -> (i32, i32) {
    %c0_i32 = arith.constant 0 : i32
    %c0_i32_0 = arith.constant 0 : i32
    %c0_i32_1 = arith.constant 0 : i32
    return %c0_i32, %c0_i32_0 : i32, i32
  }
  func.func @transform_6(%arg0: i32) -> (i32, i32) {
    %c0_i32 = arith.constant 0 : i32
    %c0_i32_0 = arith.constant 0 : i32
    return %arg0, %c0_i32 : i32, i32
  }
}

</mosaic_0001>

<sc_bundles>
// kernel: kernel.4.cloned.1.call-start
scs
__scs_entry_jumppad:
0x0: {  	(pc) =	sbr.rel $0x88, $3  }
0x1: {  	(tag) =	ssettag $0x0;
	lr =	simm.s32 $0x1  }
0x2: {  	[smem:$0x3F9A] =	sst lr;
	_ =	strace $0xD0000000  }
0x3: {  	_ = 	snop  }
0x4: {  	_ = 	snop  }
0x5: {  	_ = 	snop  }
0x6: {  	_ = 	snop  }
0x7: {  	_ = 	snop  }
__scs_overlays_trampoline_lowered:
0x8: {  	[smem:$0x3FA9] =	sst s0  }
0x9: {  	[smem:$0x3FAA] =	sst s1  }
0xa: {  	[smem:$0x3FAB] =	sst s2  }
0xb: {  	[smem:$0x3FAC] =	sst s3  }
0xc: {  	[smem:$0x3FAD] =	sst s4  }
0xd: {  	[smem:$0x3FAE] =	sst s5  }
0xe: {  	[smem:$0x3FAF] =	sst s6  }
0xf: {  	[smem:$0x3FB0] =	sst s7  }
0x10: {  	[smem:$0x3FB1] =	sst s8  }
0x11: {  	[smem:$0x3FB2] =	sst s9;
	s0 =	simm.s32 @!p0 $0x0  }
0x12: {  	s1 =	sld [smem:$0x3F98];
	s0 =	simm.s32 @p0 $0x1  }
0x13: {  	[smem:$0x3FB3] =	sst s0;
	s0 =	simm.s32 @!p1 $0x0  }
0x14: {  	s2 =	sld [smem:$0x3F97];
	s0 =	simm.s32 @p1 $0x1  }
0x15: {  	[smem:$0x3FB4] =	sst s0;
	s0 =	simm.s32 @!p2 $0x0  }
0x16: {  	s3 =	sld [smem:$0x3FDB];
	s0 =	simm.s32 @p2 $0x1  }
0x17: {  	s4 =	simm.s32 $0x1BF5;
	[smem:$0x3FB6] =	sst s0  }
0x18: {  	s0 =	sld [smem:$0x3F99];
	_ =	swait.ge [sflag:s4], $0x0  }
0x19: {  	s7 =	sld [smem:$0x3F9A]  }
0x1a: {  	s8 =	sadd.s32 $0xFFFFE003, lr  }
0x1b: {  	s9 =	sadd.s32 $0xFFFFFEF7, lr;
	s5 =	simm.s32 $0xFFFFFFFF;
	p2 =	slt.u32 s8, $0xFFFFF086  }
0x1c: {  	p1 =	slt.u32 s9, $0xF7A;
	s5 =	simm.s32 @!p2 $0x0  }
0x1d: {  	s5 =	simm.s32 @p1 $0x1;
	p0 =	seq.s32 s7, s2  }
0x1e: {  	s7 =	smul.u32 @!p0 $0xF7A, s2;
	p2 =	seq.s32 @!p0 s5, $0x0  }
0x1f: {  	s9 =	smul.u32 $0xF7A, s1;
	s8 =	simm.s32 @!p0 $0x1BF5;
	p2 =	por !p2, p0  }
0x20: {  	[sflag:s8] =	ssyncset.s32 @!p0 $0xFFFFF086;
	s6 =	sadd.s32 @!p0 s3, s7;
	s7 =	simm.s32 @!p0 $0x108  }
0x21: {  	s3 =	sadd.s32 s3, s9;
	s6 =	sadd.s32 @!p0 $0x88, s6;
	s7 =	simm.s32 @p2 $0x1082  }
0x22: {  	[simem:s7], [sflag:s8] =	dma.local @!p0 [hbm:s6], $0xF7A  }
0x23: {  	s9 =	sor.u32 $0xD0000000, s2;
	s6 =	simm.s32 $0x108;
	_ =	swait.ge @!p0 [sflag:s8], $0x0  }
0x24: {  	s3 =	sadd.s32 $0x88, s3;
	s6 =	simm.s32 @!p1 $0x1082;
	[sflag:s4] =	ssyncset.s32 $0xFFFFF086  }
0x25: {  	[simem:s6], [sflag:s4] =	dma.local [hbm:s3], $0xF7A  }
0x26: {  	[smem:$0x3F9A] =	sst s1;
	(tag) =	ssettag s2;
	_ =	strace s9  }
0x27: {  	s1 =	sld [smem:$0x3FAA]  }
0x28: {  	s2 =	sld [smem:$0x3FAB]  }
0x29: {  	s4 =	sld [smem:$0x3FAD]  }
0x2a: {  	p0 =	seq.s32 s5, $0x0;
	s5 =	sld [smem:$0x3FAE]  }
0x2b: {  	s6 =	sld [smem:$0x3FAF]  }
0x2c: {  	s7 =	sld [smem:$0x3FB0]  }
0x2d: {  	s3 =	simm.s32 $0x108;
	s8 =	sld [smem:$0x3FB1]  }
0x2e: {  	s3 =	simm.s32 @!p0 $0x1082;
	s9 =	sld [smem:$0x3FB2]  }
0x2f: {  	lr =	sadd.s32 s0, s3;
	s0 =	sld [smem:$0x3FA9]  }
0x30: {  	s3 =	sld [smem:$0x3FAC]  }
0x31: {  	[smem:$0x3FB5] =	sst s10  }
0x32: {  	s10 =	sld [smem:$0x3FB3];
	_ =	sdelay $0x3  }
0x33: {  	p0 =	seq.s32 s10, $0x1;
	s10 =	sld [smem:$0x3FB5];
	_ =	sdelay $0x3  }
0x34: {  	[smem:$0x3FB5] =	sst s10  }
0x35: {  	s10 =	sld [smem:$0x3FB4];
	_ =	sdelay $0x3  }
0x36: {  	p1 =	seq.s32 s10, $0x1;
	s10 =	sld [smem:$0x3FB5];
	_ =	sdelay $0x3  }
0x37: {  	[smem:$0x3FB5] =	sst s10  }
0x38: {  	s10 =	sld [smem:$0x3FB6]  }
0x39: {  	_ = 	snop;
	(pc) =	sbr.ind lr, $3  }
0x3a: {  	_ = 	snop  }
0x3b: {  	_ = 	snop  }
0x3c: {  	p2 =	seq.s32 s10, $0x1;
	s10 =	sld [smem:$0x3FB5]  }
0x3d: {  	_ =	shalt  }
0x3e: {  	_ =	shalt  }
0x3f: {  	_ =	shalt  }
0x40: {  	_ =	shalt  }
0x41: {  	_ =	shalt  }
0x42: {  	_ =	shalt  }
0x43: {  	_ =	shalt  }
0x44: {  	_ =	shalt  }
0x45: {  	_ =	shalt  }
0x46: {  	_ =	shalt  }
0x47: {  	_ =	shalt  }
0x48: {  	_ =	shalt  }
0x49: {  	_ =	shalt  }
0x4a: {  	_ =	shalt  }
0x4b: {  	_ =	shalt  }
0x4c: {  	_ =	shalt  }
0x4d: {  	_ =	shalt  }
0x4e: {  	_ =	shalt  }
0x4f: {  	_ =	shalt  }
0x50: {  	_ =	shalt  }
0x51: {  	_ =	shalt  }
0x52: {  	_ =	shalt  }
0x53: {  	_ =	shalt  }
0x54: {  	_ =	shalt  }
0x55: {  	_ =	shalt  }
0x56: {  	_ =	shalt  }
0x57: {  	_ =	shalt  }
0x58: {  	_ =	shalt  }
0x59: {  	_ =	shalt  }
0x5a: {  	_ =	shalt  }
0x5b: {  	_ =	shalt  }
0x5c: {  	_ =	shalt  }
0x5d: {  	_ =	shalt  }
0x5e: {  	_ =	shalt  }
0x5f: {  	_ =	shalt  }
0x60: {  	_ =	shalt  }
0x61: {  	_ =	shalt  }
0x62: {  	_ =	shalt  }
0x63: {  	_ =	shalt  }
0x64: {  	_ =	shalt  }
0x65: {  	_ =	shalt  }
0x66: {  	_ =	shalt  }
0x67: {  	_ =	shalt  }
0x68: {  	_ =	shalt  }
0x69: {  	_ =	shalt  }
0x6a: {  	_ =	shalt  }
0x6b: {  	_ =	shalt  }
0x6c: {  	_ =	shalt  }
0x6d: {  	_ =	shalt  }
0x6e: {  	_ =	shalt  }
0x6f: {  	_ =	shalt  }
0x70: {  	_ =	shalt  }
0x71: {  	_ =	shalt  }
0x72: {  	_ =	shalt  }
0x73: {  	_ =	shalt  }
0x74: {  	_ =	shalt  }
0x75: {  	_ =	shalt  }
0x76: {  	_ =	shalt  }
0x77: {  	_ =	shalt  }
0x78: {  	_ =	shalt  }
0x79: {  	_ =	shalt  }
0x7a: {  	_ =	shalt  }
0x7b: {  	_ =	shalt  }
0x7c: {  	_ =	shalt  }
0x7d: {  	_ =	shalt  }
0x7e: {  	_ =	shalt  }
0x7f: {  	_ =	shalt  }
0x80: {  	_ =	shalt  }
0x81: {  	_ =	shalt  }
0x82: {  	_ =	shalt  }
0x83: {  	_ =	shalt  }
0x84: {  	_ =	shalt  }
0x85: {  	_ =	shalt  }
0x86: {  	_ =	shalt  }
0x87: {  	_ =	shalt  }
.Lfunc_end0:
.L_simem_size_0:
called_computation_lowered:
.L_overlay_start_0:
0x88: {  	s2 =	sld [smem:$0x3FD9]  }
0x89: {  	s3 =	sld [smem:$0x3FFE];
	_ =	sdelay $0x1  }
0x8a: {  	s1 =	srdreg.scid  }
0x8b: {  	s0 =	sand.u32 $0x1, s1  }
0x8c: {  	s17 =	sshll.u32 s0, $0xA;
	s2 =	sadd.s32 s3, s2  }
0x8d: {  	s2 =	sadd.s32 s2, s17  }
0x8e: {  	[smem:$0x3FC1] =	sst s2  }
0x8f: {  	_ = 	snop  }
0x90: {  	s2 =	sld [smem:$0x3FC8]  }
0x91: {  	s18 =	sld [smem:$0x3FC7]  }
0x92: {  	s4 =	sld [smem:$0x3FD0];
	(tm) =	ssettm $0x1  }
0x93: {  	s5 =	sld [smem:$0x3FFB];
	_ =	sdelay $0x3  }
0x94: {  	_ =	strace s5  }
0x95: {  	s5 =	sld [smem:$0x3FFC];
	_ =	sdelay $0x3  }
0x96: {  	_ =	strace s5  }
0x97: {  	s5 =	sld [smem:$0x3FFD];
	_ =	sdelay $0x3  }
0x98: {  	_ =	strace s5  }
0x99: {  	_ =	strace $0x8FFFFFFF  }
0x9a: {  	s19 =	sld [smem:$0x3FDB];
	_ =	sdelay $0x1  }
0x9b: {  	s6 =	simm.s32 $_scs_section_size  }
0x9c: {  	s7 =	simm.s32 $_size__tile_overlayer_lowered;
	s8 =	simm.s32 $_tile_overlayer_lowered  }
0x9d: {  	s22 =	simm.s32 $0x1BFF;
	s21 =	sshll.u32 s8, $0x1;
	s5 =	sadd.s32 s6, s19  }
0x9e: {  	s9 =	simm.s32 $0x0;
	s20 =	sshll.u32 s7, $0x1;
	s7 =	sadd.s32 s21, s5  }
0x9f: {  	[timem:s9], [sflag:s22] =	dma.local [hbm:s7], s20  }
0xa0: {  	_ =	swait.ge [sflag:s22], s20  }
0xa1: {  	s6 =	ssub.s32 $0x0, s20;
	[sflag:s22] =	ssyncset.done $0x0  }
0xa2: {  	[sflag:s22] =	ssyncadd.s32 s6;
	_ =	sdelay $0x1  }
0xa3: {  	s23 =	simm.s32 $0x1B8B  }
0xa4: {  	_ =	swait.ge [sflag:s23], $0x1  }
0xa5: {  	[sflag:s23] =	ssyncset.done $0x0  }
0xa6: {  	s25 =	simm.s32 $0x1B8E;
	s24 =	sld [smem:$0x3FFE];
	[sflag:s23] =	ssyncadd.s32 $0xFFFFFFFF  }
0xa7: {  	s26 =	simm.s32 $execute0_lowered;
	[smem:$0x3FD2] =	sst s25  }
0xa8: {  	s7 =	sshll.u32 s26, $0x1;
	_ =	strace $0x80000046;
	[dreg:$0x1] =	wrdreg $0xFFFFFFFF  }
0xa9: {  	s28 =	simm.s32 $_size_execute0_lowered;
	s5 =	sadd.s32 s5, s7;
	[dreg:$0x0] =	wrdreg $0x0  }
0xaa: {  	s7 =	sshll.u32 s28, $0x1;
	[dreg:$0x2] =	wrdreg s5  }
0xab: {  	[dreg:$0x3] =	wrdreg s7  }
0xac: {  	[dreg:$0x4] =	wrdreg $0xC0  }
0xad: {  	_ =	task [dreg:s9], $0x5FFFF  }
0xae: {  	[dreg:$0x1] =	wrdreg $0xFFFFFFFF  }
0xaf: {  	[dreg:$0x0] =	wrdreg $0x60  }
0xb0: {  	[dreg:$0x2] =	wrdreg s18  }
0xb1: {  	[dreg:$0x3] =	wrdreg s2  }
0xb2: {  	[dreg:$0x4] =	wrdreg s24  }
0xb3: {  	[dreg:$0x5] =	wrdreg s4  }
0xb4: {  	[dreg:$0x6] =	wrdreg $0xB3000  }
0xb5: {  	[dreg:$0x7] =	wrdreg $0x9  }
0xb6: {  	_ =	task.clear_ibuf [dreg:s9], $0x8FFFF;
	_ =	strace $0x90000046  }
0xb7: {  	s29 =	simm.s32 $0x9;
	_ =	strace $0x80000048  }
0xb8: {  	_ =	swait.ge [sflag:s29], $0x1  }
0xb9: {  	[sflag:s29] =	ssyncadd.s32 $0xFFFFFFFF  }
0xba: {  	_ =	strace $0x90000048  }
0xbb: {  	_ =	sfence  }
0xbc: {  	s30 =	sld [smem:$0x0];
	_ =	sdelay $0x2  }
0xbd: {  	s31 =	sshll.u32 s1, $0xD;
	s1 =	sshrl.u32 s1, $0x2  }
0xbe: {  	s3 =	sand.u32 $0x4000, s31;
	s1 =	sadd.s32 s1, s30  }
0xbf: {  	s0 =	sor.u32 s3, s0;
	s1 =	sshll.u32 s1, $0x11  }
0xc0: {  	s0 =	sor.u32 s1, s0  }
0xc1: {  	s0 =	sadd.s32 $0x8F2B, s0  }
0xc2: {  	[sflag:s0] =	ssyncadd.remote.s32 $0x1  }
0xc3: {  	_ =	sfence.sel $0xFFFF  }
0xc4: {  	[dreg:$0x0] =	wrdreg $0xFFFFFFFF;
	(pc) =	sbr.abs _section_cstart, $3  }
0xc5: {  	[dreg:$0x1] =	wrdreg $0xFFFFFFFF  }
0xc6: {  	_ =	task.clear_ibuf [dreg:s9], $0x2FFFF;
	_ =	strace $0x9FFFFFFF  }
0xc7: {  	(tm) =	ssettm $0x7FFFFFFF  }
tec
execute0_lowered:
.L_overlay_start_1:
0x0: {  	(tag) =	ssettag $0x1  }
0x1: {  	s0 =	rddreg [dreg:$0x0]  }
0x2: {  	s1 =	rddreg [dreg:$0x1]  }
0x3: {  	s2 =	rddreg [dreg:$0x2]  }
0x4: {  	s3 =	srdreg.scid;
	s5 =	rddreg [dreg:$0x4]  }
0x5: {  	s10 =	stileid.u32;
	s6 =	simm.s32 $0x0;
	s29 =	simm.s32 $0xA  }
0x6: {  	s30 =	simm.s32 $0xA880;
	s13 =	simm.s32 $0x3;
	s3 =	sand.u32 $0x1, s3  }
0x7: {  	[smem:$0x7FF] =	sst s6;
	s8 =	smul.u32 $0x4E000, s10;
	s9 =	sadd.s32 $0x1200, s2  }
0x8: {  	s2 =	sadd.s32 $0x1800, s2;
	s18 =	sadd.s32 $0x124800, s5;
	s21 =	smul.u32 $0x13800, s10  }
0x9: {  	p0 =	seq.s32 s10, $0xF;
	_ =	strace $0x80000047;
	[dreg:$0x6] =	wrdreg s9  }
0xa: {  	s4 =	sshll.u32 s3, $0x4;
	s15 =	ssub.s32 $0x2, s3;
	[dreg:$0x8] =	wrdreg s18  }
0xb: {  	s3 =	smul.u32 $0x138800, s3;
	s4 =	sor.u32 s10, s4;
	s16 =	sshrl.u32 s15, $0x1  }
0xc: {  	s8 =	sshrl.u32 s8, $0x2;
	s10 =	simm.s32 $0x2;
	s7 =	smul.u32 $0x2710, s4  }
0xd: {  	s4 =	ssub.s32 s15, s16;
	s8 =	sadd.s32 s8, s5;
	s16 =	simm.s32 $0x8  }
0xe: {  	[dreg:$0x7] =	wrdreg s8;
	s31 =	smax.u32 s4, $0x1;
	s4 =	simm.s32 $0x1  }
0xf: {  	s17 =	sshrl.u32 s7, $0x3;
	s22 =	sadd.s32 $0x100, s7;
	[dreg:$0x14] =	wrdreg s31  }
0x10: {  	s11 =	sadd.s32 $0xFFFFFFFF, s7;
	s23 =	sadd.s32 $0x140, s7;
	[dreg:$0xd] =	wrdreg s22  }
0x11: {  	s24 =	sadd.s32 $0x180, s7;
	s25 =	sadd.s32 $0x1C0, s7;
	[dreg:$0xe] =	wrdreg s23  }
0x12: {  	s15 =	sadd.s32 $0x2600, s7;
	s28 =	sadd.s32 $0x2710, s7;
	[dreg:$0xf] =	wrdreg s24  }
0x13: {  	s19 =	sadd.s32 s1, s17;
	[dreg:$0x10] =	wrdreg s25;
	s24 =	sadd.s32 $0x2640, s7  }
0x14: {  	s25 =	sadd.s32 $0x26C0, s7;
	s22 =	simm.s32 $0x4;
	s23 =	simm.s32 $0x8780  }
0x15: {  	v0 =	vmov s11;
	s11 =	simm.s32 $0x6;
	s9 =	sadd.s32 $0x8, s19;
	[dreg:$0x9] =	wrdreg s19  }
0x16: {  	v1 =	vmov s15;
	s15 =	simm.s32 $0x7;
	s20 =	sadd.s32 $0x10, s19;
	[dreg:$0xa] =	wrdreg s9  }
0x17: {  	s8 =	sadd.s32 $0x18, s19;
	s19 =	sadd.s32 $0x2700, s7;
	[dreg:$0xb] =	wrdreg s20  }
0x18: {  	[dreg:$0xc] =	wrdreg s8;
	s8 =	sadd.s32 s21, s3;
	s3 =	sshrl.u32 s3, $0x3  }
.Ltmp0:
0x19: {  	s26 =	sshrl.u32 s19, $0x3;
	s8 =	sshrl.u32 s8, $0x3;
	(pc) =	sbr.rel .LBB2_1-.Ltmp0, $4  }
0x1a: {  	v7 =	vimm.s32 $0x1FFF;
	s20 =	simm.s32 $0xA980;
	s21 =	simm.s32 $0x5;
	s8 =	sadd.s32 s2, s8  }
0x1b: {  	v8 =	vlaneseq.u32;
	v9 =	vimm.s32 $0x2000;
	v10 =	vimm.s32 $0x0;
	s2 =	sadd.s32 s2, s3;
	s3 =	sadd.s32 s1, s26;
	[dreg:$0x11] =	wrdreg s8  }
0x1c: {  	v11 =	vadd.s32 $0x1, v8;
	v6 =	vmov s28;
	v2 =	vmov s24;
	s26 =	sadd.s32 $0x2680, s7;
	[dreg:$0x12] =	wrdreg s3;
	s2 =	sadd.s32 $0x24900, s2  }
0x1d: {  	v4 =	vmov s25;
	v5 =	vmov s19;
	s9 =	simm.s32 $0x0;
	s8 =	simm.s32 $0x40;
	v3 =	vmov s26;
	[dreg:$0x13] =	wrdreg s2  }
.LBB2_30:
0x1e: {  	v12 =	vld [tilespmem:$0xB280];
	_ =	sdelay $0x4  }
0x1f: {  	v12 =	vxor.u32 $0x80000000, v12  }
0x20: {  	(xrf0) =	vmax.scan.msk.u32 $0xffff, v12;
	_ =	sdelay $0x5  }
0x21: {  	v12, _, _ =	vpop (xrf0)  }
0x22: {  	v12 =	vxor.u32 $0x80000000, v12  }
0x23: {  	vm0 =	vgt.s32 v12, s2  }
0x24: {  	v12 =	vnsel vm0, s2, v12  }
0x25: {  	v12 =	vadd.s32 $0xFFFFFFFF, v12  }
0x26: {  	vm15 =	vgt.s32 v12, $0x0  }
0x27: {  	v12 =	vnsel vm15, $0x0, v12  }
0x28: {  	v12 =	vmin.u32 v12, $0x270F  }
0x29: {  	[tilespmem:$0xB280] =	vst v12  }
0x2a: {  	[spmem:s5] =	stream.indirect.scatter.add.f32 [tilespmem:s14], [sflag:$0xA], $0x80, s17, s12, $0xb8;
	[tilespmem:$0x1EB80] =	vst v63  }
0x2b: {  	_ =	swait.ge [sflag:s29], $0x800  }
0x2c: {  	[sflag:s29] =	ssyncset.done $0x0  }
0x2d: {  	[sflag:s29] =	ssyncadd.s32 $0xFFFFF800  }
0x2e: {  	[bflag:$0x0] =	sbarrier.arrive $0xFFFF  }
0x2f: {  	s3 =	rddreg [dreg:$0x13]  }
0x30: {  	s2 =	simm.s32 @p0 $0x1FCA;
	s9 =	rddreg [dreg:$0x18]  }
0x31: {  	[hbm:s3], [sflag:s2] =	dma.local @p0 [spmem:s9], $0x2800  }
0x32: {  	s2 =	simm.s32 @p0 $0xA  }
0x33: {  	_ =	swait.ge @p0 [sflag:s2], $0x2800  }
0x34: {  	[sflag:s2] =	ssyncset.done @p0 $0x0;
	s3 =	rddreg [dreg:$0x11]  }
0x35: {  	[sflag:s2] =	ssyncadd.s32 @p0 $0xFFFFD800;
	s2 =	rddreg [dreg:$0x16]  }
0x36: {  	s9 =	rddreg [dreg:$0x17];
	s2 =	sor.u32 @!p0 $0x1C0A, s2  }
0x37: {  	[hbm:s3], [sflag:s2] =	dma.local @!p0 [spmem:s9], $0x2700  }
0x38: {  	s2 =	simm.s32 @!p0 $0xA  }
0x39: {  	_ =	swait.ge @!p0 [sflag:s2], $0x2700  }
0x3a: {  	s18 =	rddreg [dreg:$0x15]  }
0x3b: {  	s31 =	rddreg [dreg:$0x14];
	s9 =	sadd.s32 $0x1, s18  }
0x3c: {  	p1 =	sne.s32 s9, s31  }
.Ltmp1:
0x3d: {  	_ = 	snop;
	(pc) =	sbr.rel @!p1 .LBB2_31-.Ltmp1, $3  }
0x3e: {  	_ =	sdelay $0x1  }
0x3f: {  	[sflag:s2] =	ssyncset.done @!p0 $0x0  }
0x40: {  	[sflag:s2] =	ssyncadd.s32 @!p0 $0xFFFFD900  }
.LBB2_1:
0x41: {  	[dreg:$0x15] =	wrdreg s9  }
0x42: {  	s2 =	rddreg [dreg:$0x8]  }
0x43: {  	s3 =	rddreg [dreg:$0x3];
	s9 =	sshrl.u32 @p0 s2, $0x3  }
0x44: {  	s2 =	simm.s32 @p0 $0x1FC9;
	[dreg:$0x18] =	wrdreg s9  }
0x45: {  	[spmem:s9], [sflag:s2] =	dma.local @p0 [hbm:s3], $0x2800  }
0x46: {  	s2 =	stileid.u32  }
0x47: {  	s2 =	sshll.u32 @!p0 s2, $0x6;
	s9 =	rddreg [dreg:$0x7]  }
0x48: {  	[dreg:$0x16] =	wrdreg s2;
	s9 =	sshrl.u32 @!p0 s9, $0x3  }
0x49: {  	s2 =	sor.u32 @!p0 $0x1C09, s2;
	[dreg:$0x17] =	wrdreg s9  }
0x4a: {  	[spmem:s9], [sflag:s2] =	dma.local @!p0 [hbm:s3], $0x2700  }
0x4b: {  	s2 =	rddreg [dreg:$0x6]  }
0x4c: {  	[tilespmem:s6], [sflag:$0xA] =	stream.linear.gather [hbm4b:s2+s6], $0x2780, $0x38;
	[tilespmem:$0x1EB80] =	vst v63  }
0x4d: {  	_ =	swait.ge [sflag:s29], $0x2780  }
0x4e: {  	[sflag:s29] =	ssyncset.done $0x0  }
0x4f: {  	[sflag:s29] =	ssyncadd.s32 $0xFFFFD880  }
0x50: {  	v12 =	vld.idx.msk [tilespmem:v7+s6+$0x0], $0xffff;
	_ =	sdelay $0x4  }
0x51: {  	vm0 =	vgt.s32 v12, v0  }
0x52: {  	v12 =	vsel vm0, $0x0, v9  }
0x53: {  	v13 =	vor.u32 $0xFFF, v12  }
0x54: {  	v14 =	vmin.u32 v13, $0x2710;
	_ =	sdelay $0x4  }
0x55: {  	v14 =	vld.idx.msk [tilespmem:v14+s6+$0x0], $0xffff;
	_ =	sdelay $0x4  }
0x56: {  	vm13 =	vlt.u32 v13, $0x2711;
	vm1 =	vle.s32 v14, v0  }
0x57: {  	v49 =	vor.u32 $0x1000, v12;
	vm0 =	vmand vm1, vm13  }
0x58: {  	v12 =	vsel vm0, v49, v12  }
0x59: {  	v13 =	vor.u32 $0x7FF, v12  }
0x5a: {  	v50 =	vmin.u32 v13, $0x2710;
	_ =	sdelay $0x4  }
0x5b: {  	v14 =	vld.idx.msk [tilespmem:v50+s6+$0x0], $0xffff;
	_ =	sdelay $0x4  }
0x5c: {  	vm14 =	vlt.u32 v13, $0x2711;
	vm15 =	vle.s32 v14, v0  }
0x5d: {  	v51 =	vor.u32 $0x800, v12;
	vm0 =	vmand vm15, vm14  }
0x5e: {  	v12 =	vsel vm0, v51, v12  }
0x5f: {  	v13 =	vor.u32 $0x3FF, v12  }
0x60: {  	v52 =	vmin.u32 v13, $0x2710;
	_ =	sdelay $0x4  }
0x61: {  	v14 =	vld.idx.msk [tilespmem:v52+s6+$0x0], $0xffff;
	_ =	sdelay $0x4  }
0x62: {  	vm4 =	vlt.u32 v13, $0x2711;
	vm5 =	vle.s32 v14, v0  }
0x63: {  	v53 =	vor.u32 $0x400, v12;
	vm0 =	vmand vm5, vm4  }
0x64: {  	v12 =	vsel vm0, v53, v12  }
0x65: {  	v13 =	vmin.u32 v12, $0x2511  }
0x66: {  	v13 =	vadd.s32 $0x1FF, v13;
	_ =	sdelay $0x4  }
0x67: {  	v13 =	vld.idx.msk [tilespmem:v13+s6+$0x0], $0xffff;
	_ =	sdelay $0x4  }
0x68: {  	vm0 =	vlt.u32 v12, $0x2512;
	vm6 =	vle.s32 v13, v0  }
0x69: {  	v54 =	vadd.s32 $0x200, v12;
	vm0 =	vmand vm6, vm0  }
0x6a: {  	v12 =	vsel vm0, v54, v12  }
0x6b: {  	v13 =	vmin.u32 v12, $0x2611  }
0x6c: {  	v13 =	vadd.s32 $0xFF, v13;
	_ =	sdelay $0x4  }
0x6d: {  	v13 =	vld.idx.msk [tilespmem:v13+s6+$0x0], $0xffff;
	_ =	sdelay $0x4  }
0x6e: {  	vm0 =	vlt.u32 v12, $0x2612;
	vm7 =	vle.s32 v13, v0  }
0x6f: {  	v55 =	vadd.s32 $0x100, v12;
	vm0 =	vmand vm7, vm0  }
0x70: {  	v12 =	vsel vm0, v55, v12  }
0x71: {  	v13 =	vmin.u32 v12, $0x2691  }
0x72: {  	v13 =	vadd.s32 $0x7F, v13;
	_ =	sdelay $0x4  }
0x73: {  	v13 =	vld.idx.msk [tilespmem:v13+s6+$0x0], $0xffff;
	_ =	sdelay $0x4  }
0x74: {  	vm0 =	vlt.u32 v12, $0x2692;
	vm8 =	vle.s32 v13, v0  }
0x75: {  	v56 =	vadd.s32 $0x80, v12;
	vm0 =	vmand vm8, vm0  }
0x76: {  	v12 =	vsel vm0, v56, v12  }
0x77: {  	v13 =	vmin.u32 v12, $0x26D1  }
0x78: {  	v13 =	vadd.s32 $0x3F, v13;
	_ =	sdelay $0x4  }
0x79: {  	v13 =	vld.idx.msk [tilespmem:v13+s6+$0x0], $0xffff;
	_ =	sdelay $0x4  }
0x7a: {  	vm0 =	vlt.u32 v12, $0x26D2;
	vm9 =	vle.s32 v13, v0  }
0x7b: {  	v57 =	vadd.s32 $0x40, v12;
	vm0 =	vmand vm9, vm0  }
0x7c: {  	v12 =	vsel vm0, v57, v12  }
0x7d: {  	v13 =	vmin.u32 v12, $0x26F1  }
0x7e: {  	v13 =	vadd.s32 $0x1F, v13;
	_ =	sdelay $0x4  }
0x7f: {  	v13 =	vld.idx.msk [tilespmem:v13+s6+$0x0], $0xffff;
	_ =	sdelay $0x4  }
0x80: {  	vm0 =	vlt.u32 v12, $0x26F2;
	vm10 =	vle.s32 v13, v0  }
0x81: {  	v58 =	vadd.s32 $0x20, v12;
	vm0 =	vmand vm10, vm0  }
0x82: {  	v12 =	vsel vm0, v58, v12  }
0x83: {  	v13 =	vmin.u32 v12, $0x2701  }
0x84: {  	v13 =	vadd.s32 $0xF, v13;
	_ =	sdelay $0x4  }
0x85: {  	v13 =	vld.idx.msk [tilespmem:v13+s6+$0x0], $0xffff;
	_ =	sdelay $0x4  }
0x86: {  	vm0 =	vlt.u32 v12, $0x2702;
	vm11 =	vle.s32 v13, v0  }
0x87: {  	v59 =	vadd.s32 $0x10, v12;
	vm0 =	vmand vm11, vm0  }
0x88: {  	v12 =	vsel vm0, v59, v12  }
0x89: {  	v13 =	vmin.u32 v12, $0x2709  }
0x8a: {  	v13 =	vadd.s32 $0x7, v13;
	_ =	sdelay $0x4  }
0x8b: {  	v13 =	vld.idx.msk [tilespmem:v13+s6+$0x0], $0xffff;
	_ =	sdelay $0x4  }
0x8c: {  	vm0 =	vlt.u32 v12, $0x270A;
	vm12 =	vle.s32 v13, v0  }
0x8d: {  	v60 =	vadd.s32 $0x8, v12;
	vm0 =	vmand vm12, vm0  }
0x8e: {  	v12 =	vsel vm0, v60, v12  }
0x8f: {  	v13 =	vmin.u32 v12, $0x270D  }
0x90: {  	v13 =	vadd.s32 $0x3, v13;
	_ =	sdelay $0x4  }
0x91: {  	v13 =	vld.idx.msk [tilespmem:v13+s6+$0x0], $0xffff;
	_ =	sdelay $0x4  }
0x92: {  	vm0 =	vlt.u32 v12, $0x270E;
	vm13 =	vle.s32 v13, v0  }
0x93: {  	v61 =	vadd.s32 $0x4, v12;
	vm0 =	vmand vm13, vm0  }
0x94: {  	v12 =	vsel vm0, v61, v12  }
0x95: {  	v13 =	vmin.u32 v12, $0x270F  }
0x96: {  	v13 =	vadd.s32 $0x1, v13;
	_ =	sdelay $0x4  }
0x97: {  	v13 =	vld.idx.msk [tilespmem:v13+s6+$0x0], $0xffff;
	_ =	sdelay $0x4  }
0x98: {  	vm0 =	vlt.u32 v12, $0x2710;
	vm14 =	vle.s32 v13, v0  }
0x99: {  	v62 =	vadd.s32 $0x2, v12;
	vm0 =	vmand vm14, vm0  }
0x9a: {  	v12 =	vsel vm0, v62, v12  }
0x9b: {  	v13 =	vmin.u32 v12, $0x2710;
	_ =	sdelay $0x4  }
0x9c: {  	v13 =	vld.idx.msk [tilespmem:v13+s6+$0x0], $0xffff;
	_ =	sdelay $0x4  }
0x9d: {  	vm0 =	vlt.u32 v12, $0x2711;
	vm15 =	vle.s32 v13, v0  }
0x9e: {  	vm0 =	vmand vm15, vm0  }
0x9f: {  	v63 =	vsel vm0, $0x1, v10  }
0xa0: {  	v12 =	vadd.s32 v63, v12  }
0xa1: {  	v12 =	vxor.u32 $0x80000000, v12  }
0xa2: {  	(xrf0) =	vmax.scan.msk.u32 $0xffff, v12;
	_ =	sdelay $0x5  }
0xa3: {  	v12, _, _ =	vpop (xrf0)  }
0xa4: {  	(v2sf) =	vpush v12, $0xF;
	_ =	sdelay $0x6  }
0xa5: {  	s9 =	simm.s32 $0xA780;
	s12 =	rddreg [dreg:$0x9]  }
0xa6: {  	[tilespmem:s9], [sflag:$0x1] =	stream.linear.gather [hbm4b:s12+s6], $0x40, $0x38;
	[tilespmem:$0x1EB80] =	vst v63  }
0xa7: {  	s17 =	simm.s32 $0xA800;
	s14 =	rddreg [dreg:$0xa]  }
0xa8: {  	[tilespmem:s17], [sflag:$0x2] =	stream.linear.gather [hbm4b:s14+s6], $0x40, $0x38;
	[tilespmem:$0x1EB80] =	vst v63  }
0xa9: {  	s18 =	rddreg [dreg:$0xb]  }
0xaa: {  	[tilespmem:s30], [sflag:$0x3] =	stream.linear.gather [hbm4b:s18+s6], $0x40, $0x38;
	[tilespmem:$0x1EB80] =	vst v63  }
0xab: {  	s31 =	rddreg [dreg:$0xc];
	s12 =	simm.s32 $0xA900  }
0xac: {  	[tilespmem:s12], [sflag:$0x4] =	stream.linear.gather [hbm4b:s31+s6], $0x40, $0x38;
	[tilespmem:$0x1EB80] =	vst v63  }
0xad: {  	s2 =	spop (v2sf)  }
0xae: {  	_ =	swait.ge [sflag:s4], $0x40  }
0xaf: {  	[sflag:s4] =	ssyncset.done $0x0  }
0xb0: {  	s14 =	simm.s32 $0x2780;
	[sflag:s4] =	ssyncadd.s32 $0xFFFFFFC0  }
0xb1: {  	[tilespmem:s14], [sflag:$0x5] =	stream.indirect.gather [hbm4b:s0+s8], $0x80, s9, s8, $0xb8;
	[tilespmem:$0x1EB80] =	vst v63  }
0xb2: {  	_ =	swait.ge [sflag:s10], $0x40  }
0xb3: {  	[sflag:s10] =	ssyncset.done $0x0  }
0xb4: {  	s18 =	simm.s32 $0x4780;
	[sflag:s10] =	ssyncadd.s32 $0xFFFFFFC0  }
0xb5: {  	[tilespmem:s18], [sflag:$0x6] =	stream.indirect.gather [hbm4b:s0+s8], $0x80, s17, s8, $0xb8;
	[tilespmem:$0x1EB80] =	vst v63  }
0xb6: {  	_ =	swait.ge [sflag:s13], $0x40  }
0xb7: {  	[sflag:s13] =	ssyncset.done $0x0  }
0xb8: {  	s3 =	simm.s32 @p0 $0x9;
	s31 =	simm.s32 $0x6780;
	[sflag:s13] =	ssyncadd.s32 $0xFFFFFFC0  }
0xb9: {  	[tilespmem:s31], [sflag:$0x7] =	stream.indirect.gather [hbm4b:s0+s8], $0x80, s30, s8, $0xb8;
	[tilespmem:$0x1EB80] =	vst v63  }
0xba: {  	_ =	swait.ge @p0 [sflag:s3], $0x2800  }
0xbb: {  	[sflag:s3] =	ssyncset.done @p0 $0x0  }
0xbc: {  	[sflag:s3] =	ssyncadd.s32 @p0 $0xFFFFD800;
	s3 =	simm.s32 @!p0 $0x9  }
.Ltmp2:
0xbd: {  	_ =	swait.ge @!p0 [sflag:s3], $0x2700;
	(pc) =	sbr.rel .LBB2_2-.Ltmp2, $4  }
0xbe: {  	[sflag:s3] =	ssyncset.done @!p0 $0x0  }
0xbf: {  	[sflag:s3] =	ssyncadd.s32 @!p0 $0xFFFFD900  }
0xc0: {  	s12 =	simm.s32 $0xA780;
	[bflag:$0x0] =	sbarrier.arrive $0xFFFF  }
0xc1: {  	s2 =	sxor.u32 $0x80000000, s2;
	s14 =	simm.s32 $0xA800;
	s18 =	simm.s32 $0x0  }
.LBB2_14:
0xc2: {  	v12 =	vld [tilespmem:$0xA980];
	_ =	sdelay $0x4  }
0xc3: {  	v12 =	vxor.u32 $0x80000000, v12  }
0xc4: {  	(xrf0) =	vmax.scan.msk.u32 $0xffff, v12;
	_ =	sdelay $0x1  }
0xc5: {  	v50 =	vld [tilespmem:$0xA990]  }
0xc6: {  	v13 =	vld [tilespmem:$0xA9A0]  }
0xc7: {  	v14 =	vld [tilespmem:$0xA9B0];
	_ =	sdelay $0x1  }
0xc8: {  	v15, _, _ =	vpop (xrf0)  }
0xc9: {  	v12 =	vxor.u32 $0x80000000, v50;
	v15 =	vxor.u32 $0x80000000, v15  }
0xca: {  	v51 =	vxor.u32 $0x80000000, v13;
	(xrf0) =	vmax.scan.msk.u32 $0xffff, v12;
	vm0 =	vgt.s32 v15, s31  }
0xcb: {  	v52 =	vxor.u32 $0x80000000, v14;
	(xrf0) =	vmax.scan.msk.u32 $0xffff, v51;
	v53 =	vnsel vm0, s31, v15  }
0xcc: {  	(xrf0) =	vmax.scan.msk.u32 $0xffff, v52;
	v54 =	vxor.u32 $0x80000000, v53  }
0xcd: {  	(xrf0) =	vmax.scan.msk.u32 $0xffff, v54;
	_ =	sdelay $0x2  }
0xce: {  	v55, _, _ =	vpop (xrf0)  }
0xcf: {  	v56, _, _ =	vpop (xrf0)  }
0xd0: {  	v57, _, _ =	vpop (xrf0)  }
0xd1: {  	v16, _, _ =	vpop (xrf0)  }
0xd2: {  	(v2sf) =	vpush v16, $0xF;
	_ =	sdelay $0xe  }
0xd3: {  	s3 =	spop (v2sf)  }
0xd4: {  	v12 =	vxor.u32 $0x80000000, v55;
	s3 =	sxor.u32 $0x80000000, s3  }
0xd5: {  	vm9 =	vgt.s32 v12, s3  }
0xd6: {  	v12 =	vnsel vm9, s3, v12  }
0xd7: {  	v58 =	vxor.u32 $0x80000000, v12  }
0xd8: {  	(xrf0) =	vmax.scan.msk.u32 $0xffff, v58;
	_ =	sdelay $0x5  }
0xd9: {  	v16, _, _ =	vpop (xrf0)  }
0xda: {  	(v2sf) =	vpush v16, $0xF;
	_ =	sdelay $0xe  }
0xdb: {  	s9 =	spop (v2sf)  }
0xdc: {  	v14 =	vxor.u32 $0x80000000, v56;
	s3 =	sxor.u32 $0x80000000, s9  }
0xdd: {  	vm10 =	vgt.s32 v14, s3  }
0xde: {  	v14 =	vnsel vm10, s3, v14  }
0xdf: {  	v59 =	vxor.u32 $0x80000000, v14  }
0xe0: {  	(xrf0) =	vmax.scan.msk.u32 $0xffff, v59;
	_ =	sdelay $0x5  }
0xe1: {  	v16, _, _ =	vpop (xrf0)  }
0xe2: {  	(v2sf) =	vpush v16, $0xF;
	_ =	sdelay $0xd  }
0xe3: {  	v13 =	vadd.s32 $0xFFFFFFFF, v53  }
0xe4: {  	vm11 =	vgt.s32 v13, $0x0;
	s31 =	spop (v2sf)  }
0xe5: {  	v13 =	vnsel vm11, $0x0, v13;
	v15 =	vxor.u32 $0x80000000, v57;
	s3 =	sxor.u32 $0x80000000, s31  }
0xe6: {  	v13 =	vmin.u32 v13, $0x270F;
	v12 =	vadd.s32 $0xFFFFFFFF, v12;
	vm12 =	vgt.s32 v15, s3  }
0xe7: {  	vm13 =	vgt.s32 v12, $0x0;
	v14 =	vadd.s32 $0xFFFFFFFF, v14;
	v15 =	vnsel vm12, s3, v15  }
0xe8: {  	v12 =	vnsel vm13, $0x0, v12;
	vm14 =	vgt.s32 v14, $0x0;
	v15 =	vadd.s32 $0xFFFFFFFF, v15  }
0xe9: {  	[tilespmem:$0xA980] =	vst v13;
	v12 =	vmin.u32 v12, $0x270F;
	v60 =	vnsel vm14, $0x0, v14;
	vm15 =	vgt.s32 v15, $0x0  }
0xea: {  	[tilespmem:$0xA990] =	vst v12;
	v61 =	vmin.u32 v60, $0x270F;
	v62 =	vnsel vm15, $0x0, v15  }
0xeb: {  	[tilespmem:$0xA9A0] =	vst v61;
	v63 =	vmin.u32 v62, $0x270F  }
0xec: {  	[tilespmem:$0xA9B0] =	vst v63  }
0xed: {  	_ =	swait.ge [sflag:s16], $0x2000  }
0xee: {  	[sflag:s16] =	ssyncset.done $0x0  }
0xef: {  	[sflag:s16] =	ssyncadd.s32 $0xFFFFE000  }
0xf0: {  	[spmem:s5] =	stream.indirect.scatter.add.f32 [tilespmem:s23], [sflag:$0xA], $0x80, s20, s8, $0xb8;
	[tilespmem:$0x1EB80] =	vst v63  }
0xf1: {  	_ =	swait.ge [sflag:s29], $0x2000  }
0xf2: {  	s9 =	rddreg [dreg:$0x10]  }
0xf3: {  	s18 =	sadd.s32 $0x1, s18;
	s3 =	sadd.s32 s17, s9  }
0xf4: {  	p1 =	sne.s32 s18, $0x26;
	[sflag:s29] =	ssyncset.done $0x0;
	s3 =	sshrl.u32 s3, $0x3  }
0xf5: {  	[sflag:s29] =	ssyncadd.s32 $0xFFFFE000;
	s9 =	simm.s32 $0xA900;
	s3 =	sadd.s32 s1, s3  }
0xf6: {  	[tilespmem:s9], [sflag:$0x4] =	stream.linear.gather [hbm4b:s3+s6], $0x40, $0x38;
	[tilespmem:$0x1EB80] =	vst v63  }
.Ltmp3:
0xf7: {  	_ = 	snop;
	(pc) =	sbr.rel @!p1 .LBB2_15-.Ltmp3, $4  }
0xf8: {  	_ =	swait.ge [sflag:s13], $0x40  }
0xf9: {  	[sflag:s13] =	ssyncset.done $0x0  }
0xfa: {  	s31 =	simm.s32 $0x6780;
	[sflag:s13] =	ssyncadd.s32 $0xFFFFFFC0  }
0xfb: {  	[tilespmem:s31], [sflag:$0x7] =	stream.indirect.gather [hbm4b:s0+s8], $0x80, s30, s8, $0xb8;
	[tilespmem:$0x1EB80] =	vst v63  }
.LBB2_2:
0xfc: {  	s17 =	sshll.u32 s18, $0x8;
	[tilespmem:$0xA980] =	vst v10  }
0xfd: {  	[tilespmem:$0xA990] =	vst v10;
	s3 =	sadd.s32 s7, s17  }
0xfe: {  	[tilespmem:$0xA9A0] =	vst v10;
	s30 =	sadd.s32 $0x40, s3  }
0xff: {  	[tilespmem:$0xA9B0] =	vst v10;
	s31 =	smov.u32 s2;
	v13 =	vmov s3;
	v12 =	vmov s30  }
.LBB2_3:
0x100: {  	p1 =	slt.s32 s31, $0x2710;
	s3 =	smov.u32 s31  }
0x101: {  	s3 =	simm.s32 @!p1 $0x2710  }
0x102: {  	v14 =	vmov s3;
	_ =	sdelay $0x4  }
0x103: {  	v14 =	vld.idx.msk [tilespmem:v14+s6+$0x0], $0xffff;
	_ =	sdelay $0x4  }
0x104: {  	v14 =	vxor.u32 $0x80000000, v14  }
0x105: {  	(xrf0) =	vmax.scan.msk.u32 $0xffff, v14;
	_ =	sdelay $0x5  }
0x106: {  	v14, _, _ =	vpop (xrf0)  }
0x107: {  	(v2sf) =	vpush v14, $0xF;
	_ =	sdelay $0xe  }
0x108: {  	s9 =	spop (v2sf)  }
0x109: {  	p1 =	sgt.s32 s31, $0x2710;
	s3 =	sxor.u32 $0x80000000, s9  }
0x10a: {  	p2 =	sge.s32 @!p1 s3, s30  }
0x10b: {  	p1 =	por p1, p2  }
.Ltmp4:
0x10c: {  	_ = 	snop;
	(pc) =	sbr.rel @p1 .LBB2_5-.Ltmp4, $1  }
0x10d: {  	_ =	sdelay $0x3  }
0x10e: {  	v14 =	vadd.s32 s31, v8  }
0x10f: {  	vm0 =	vlt.s32 v14, $0x2717  }
0x110: {  	v15 =	vnsel vm0, $0x2717, v14;
	_ =	sdelay $0x4  }
0x111: {  	v15 =	vld.idx.msk [tilespmem:v15+s6+$0x0], $0xffff;
	_ =	sdelay $0x4  }
0x112: {  	vm13 =	vlt.s32 v14, $0x2711;
	vm1 =	vlt.s32 v15, v12  }
0x113: {  	vm0 =	vmand vm13, vm1  }
0x114: {  	v14 =	vmpcnt.ones.xlane vm0;
	_ =	sdelay $0x1  }
0x115: {  	v14 =	vxor.u32 $0x80000000, v14  }
0x116: {  	(xrf0) =	vmax.scan.msk.u32 $0xffff, v14;
	_ =	sdelay $0x4  }
0x117: {  	v14 =	vadd.s32 s31, v11  }
0x118: {  	vm14 =	vlt.s32 v14, $0x2717;
	v16, _, _ =	vpop (xrf0)  }
0x119: {  	v17 =	vnsel vm14, $0x2717, v14;
	(v2sf) =	vpush v16, $0xF;
	_ =	sdelay $0x4  }
0x11a: {  	v63 =	vld.idx.msk [tilespmem:v17+s6+$0x0], $0xffff;
	_ =	sdelay $0x4  }
0x11b: {  	vm15 =	vne.s32 v15, v63  }
0x11c: {  	vm0 =	vmand vm0, vm15  }
0x11d: {  	v15 =	vsub.s32 v15, v13  }
.Ltmp5:
0x11e: {  	_ = 	snop;
	(pc) =	sbr.rel .LBB2_3-.Ltmp5, $4  }
0x11f: {  	_ = 	snop  }
0x120: {  	s3 =	spop (v2sf)  }
0x121: {  	s3 =	sadd.s32 s3, s31  }
0x122: {  	[tilespmem:v15+s20+$0x0] =	vst.idx.msk vm0, v14;
	s31 =	sadd.s32 $0x80000000, s3  }
.LBB2_5:
0x123: {  	v12 =	vld [tilespmem:$0xA980];
	_ =	sdelay $0x4  }
0x124: {  	v12 =	vxor.u32 $0x80000000, v12  }
0x125: {  	(xrf0) =	vmax.scan.msk.u32 $0xffff, v12;
	_ =	sdelay $0x1  }
0x126: {  	v12 =	vld [tilespmem:$0xA990]  }
0x127: {  	v13 =	vld [tilespmem:$0xA9A0]  }
0x128: {  	v14 =	vld [tilespmem:$0xA9B0];
	_ =	sdelay $0x1  }
0x129: {  	v15, _, _ =	vpop (xrf0)  }
0x12a: {  	v12 =	vxor.u32 $0x80000000, v12;
	v15 =	vxor.u32 $0x80000000, v15  }
0x12b: {  	(xrf0) =	vmax.scan.msk.u32 $0xffff, v12;
	v12 =	vxor.u32 $0x80000000, v13;
	vm0 =	vgt.s32 v15, s2  }
0x12c: {  	(xrf0) =	vmax.scan.msk.u32 $0xffff, v12;
	v12 =	vxor.u32 $0x80000000, v14;
	v13 =	vnsel vm0, s2, v15  }
0x12d: {  	(xrf0) =	vmax.scan.msk.u32 $0xffff, v12;
	v12 =	vxor.u32 $0x80000000, v13  }
0x12e: {  	(xrf0) =	vmax.scan.msk.u32 $0xffff, v12;
	_ =	sdelay $0x2  }
0x12f: {  	v12, _, _ =	vpop (xrf0)  }
0x130: {  	v14, _, _ =	vpop (xrf0)  }
0x131: {  	v15, _, _ =	vpop (xrf0)  }
0x132: {  	v16, _, _ =	vpop (xrf0)  }
0x133: {  	(v2sf) =	vpush v16, $0xF;
	_ =	sdelay $0xe  }
0x134: {  	s3 =	spop (v2sf)  }
0x135: {  	v12 =	vxor.u32 $0x80000000, v12;
	s2 =	sxor.u32 $0x80000000, s3  }
0x136: {  	vm9 =	vgt.s32 v12, s2  }
0x137: {  	v12 =	vnsel vm9, s2, v12  }
0x138: {  	v62 =	vxor.u32 $0x80000000, v12  }
0x139: {  	(xrf0) =	vmax.scan.msk.u32 $0xffff, v62;
	_ =	sdelay $0x5  }
0x13a: {  	v16, _, _ =	vpop (xrf0)  }
0x13b: {  	(v2sf) =	vpush v16, $0xF;
	_ =	sdelay $0xe  }
0x13c: {  	s9 =	spop (v2sf)  }
0x13d: {  	v14 =	vxor.u32 $0x80000000, v14;
	s2 =	sxor.u32 $0x80000000, s9  }
0x13e: {  	vm10 =	vgt.s32 v14, s2  }
0x13f: {  	v14 =	vnsel vm10, s2, v14  }
0x140: {  	v63 =	vxor.u32 $0x80000000, v14  }
0x141: {  	(xrf0) =	vmax.scan.msk.u32 $0xffff, v63;
	_ =	sdelay $0x5  }
0x142: {  	v16, _, _ =	vpop (xrf0)  }
0x143: {  	(v2sf) =	vpush v16, $0xF;
	_ =	sdelay $0xd  }
0x144: {  	v13 =	vadd.s32 $0xFFFFFFFF, v13  }
0x145: {  	vm11 =	vgt.s32 v13, $0x0;
	s30 =	spop (v2sf)  }
0x146: {  	v13 =	vnsel vm11, $0x0, v13;
	v15 =	vxor.u32 $0x80000000, v15;
	s2 =	sxor.u32 $0x80000000, s30  }
0x147: {  	v13 =	vmin.u32 v13, $0x270F;
	v12 =	vadd.s32 $0xFFFFFFFF, v12;
	vm12 =	vgt.s32 v15, s2  }
0x148: {  	vm13 =	vgt.s32 v12, $0x0;
	v14 =	vadd.s32 $0xFFFFFFFF, v14;
	v15 =	vnsel vm12, s2, v15  }
0x149: {  	v12 =	vnsel vm13, $0x0, v12;
	vm14 =	vgt.s32 v14, $0x0;
	v15 =	vadd.s32 $0xFFFFFFFF, v15  }
0x14a: {  	[tilespmem:$0xA980] =	vst v13;
	v12 =	vmin.u32 v12, $0x270F;
	v13 =	vnsel vm14, $0x0, v14;
	vm15 =	vgt.s32 v15, $0x0  }
0x14b: {  	[tilespmem:$0xA990] =	vst v12;
	v12 =	vmin.u32 v13, $0x270F;
	v13 =	vnsel vm15, $0x0, v15  }
0x14c: {  	[tilespmem:$0xA9A0] =	vst v12;
	v12 =	vmin.u32 v13, $0x270F  }
0x14d: {  	[tilespmem:$0xA9B0] =	vst v12  }
0x14e: {  	_ =	swait.ge [sflag:s21], $0x2000  }
0x14f: {  	[sflag:s21] =	ssyncset.done $0x0  }
0x150: {  	s3 =	simm.s32 $0x2780;
	[sflag:s21] =	ssyncadd.s32 $0xFFFFE000  }
0x151: {  	[spmem:s5] =	stream.indirect.scatter.add.f32 [tilespmem:s3], [sflag:$0xA], $0x80, s20, s8, $0xb8;
	[tilespmem:$0x1EB80] =	vst v63  }
0x152: {  	_ =	swait.ge [sflag:s29], $0x2000  }
0x153: {  	s9 =	rddreg [dreg:$0xd]  }
0x154: {  	s2 =	sadd.s32 s17, s9  }
0x155: {  	[sflag:s29] =	ssyncset.done $0x0;
	s2 =	sshrl.u32 s2, $0x3  }
0x156: {  	[sflag:s29] =	ssyncadd.s32 $0xFFFFE000;
	s2 =	sadd.s32 s1, s2  }
0x157: {  	[tilespmem:s12], [sflag:$0x1] =	stream.linear.gather [hbm4b:s2+s6], $0x40, $0x38;
	[tilespmem:$0x1EB80] =	vst v63  }
0x158: {  	_ =	swait.ge [sflag:s22], $0x40  }
0x159: {  	[sflag:s22] =	ssyncset.done $0x0  }
0x15a: {  	s30 =	simm.s32 $0xA900;
	[sflag:s22] =	ssyncadd.s32 $0xFFFFFFC0  }
0x15b: {  	[tilespmem:s23], [sflag:$0x8] =	stream.indirect.gather [hbm4b:s0+s8], $0x80, s30, s8, $0xb8;
	[tilespmem:$0x1EB80] =	vst v63  }
0x15c: {  	[tilespmem:$0xA980] =	vst v10  }
0x15d: {  	s2 =	sadd.s32 s17, s7;
	[tilespmem:$0xA990] =	vst v10  }
0x15e: {  	s3 =	sadd.s32 $0x80, s2;
	s30 =	sadd.s32 $0x40, s2;
	[tilespmem:$0xA9A0] =	vst v10  }
0x15f: {  	s9 =	smov.u32 s31;
	v12 =	vmov s3;
	[tilespmem:$0xA9B0] =	vst v10;
	v13 =	vmov s30  }
.LBB2_6:
0x160: {  	p1 =	slt.s32 s9, $0x2710;
	s30 =	smov.u32 s9  }
0x161: {  	s30 =	simm.s32 @!p1 $0x2710  }
0x162: {  	v14 =	vmov s30;
	_ =	sdelay $0x4  }
0x163: {  	v14 =	vld.idx.msk [tilespmem:v14+s6+$0x0], $0xffff;
	_ =	sdelay $0x4  }
0x164: {  	v14 =	vxor.u32 $0x80000000, v14  }
0x165: {  	(xrf0) =	vmax.scan.msk.u32 $0xffff, v14;
	_ =	sdelay $0x5  }
0x166: {  	v14, _, _ =	vpop (xrf0)  }
0x167: {  	(v2sf) =	vpush v14, $0xF;
	_ =	sdelay $0xe  }
0x168: {  	s30 =	spop (v2sf)  }
0x169: {  	p1 =	sgt.s32 s9, $0x2710;
	s30 =	sxor.u32 $0x80000000, s30  }
0x16a: {  	p2 =	sge.s32 @!p1 s30, s3  }
0x16b: {  	p1 =	por p1, p2  }
.Ltmp6:
0x16c: {  	_ = 	snop;
	(pc) =	sbr.rel @p1 .LBB2_8-.Ltmp6, $1  }
0x16d: {  	_ =	sdelay $0x3  }
0x16e: {  	v14 =	vadd.s32 s9, v8  }
0x16f: {  	vm0 =	vlt.s32 v14, $0x2717  }
0x170: {  	v15 =	vnsel vm0, $0x2717, v14;
	_ =	sdelay $0x4  }
0x171: {  	v15 =	vld.idx.msk [tilespmem:v15+s6+$0x0], $0xffff;
	_ =	sdelay $0x4  }
0x172: {  	vm13 =	vlt.s32 v14, $0x2711;
	vm1 =	vlt.s32 v15, v12  }
0x173: {  	vm0 =	vmand vm13, vm1  }
0x174: {  	v14 =	vmpcnt.ones.xlane vm0;
	_ =	sdelay $0x1  }
0x175: {  	v14 =	vxor.u32 $0x80000000, v14  }
0x176: {  	(xrf0) =	vmax.scan.msk.u32 $0xffff, v14;
	_ =	sdelay $0x4  }
0x177: {  	v14 =	vadd.s32 s9, v11  }
0x178: {  	vm14 =	vlt.s32 v14, $0x2717;
	v16, _, _ =	vpop (xrf0)  }
0x179: {  	v17 =	vnsel vm14, $0x2717, v14;
	(v2sf) =	vpush v16, $0xF;
	_ =	sdelay $0x4  }
0x17a: {  	v63 =	vld.idx.msk [tilespmem:v17+s6+$0x0], $0xffff;
	_ =	sdelay $0x4  }
0x17b: {  	vm15 =	vne.s32 v15, v63  }
0x17c: {  	vm0 =	vmand vm0, vm15  }
0x17d: {  	v15 =	vsub.s32 v15, v13  }
.Ltmp7:
0x17e: {  	_ = 	snop;
	(pc) =	sbr.rel .LBB2_6-.Ltmp7, $4  }
0x17f: {  	_ = 	snop  }
0x180: {  	s30 =	spop (v2sf)  }
0x181: {  	s30 =	sadd.s32 s30, s9  }
0x182: {  	[tilespmem:v15+s20+$0x0] =	vst.idx.msk vm0, v14;
	s9 =	sadd.s32 $0x80000000, s30  }
.LBB2_8:
0x183: {  	v13 =	vld [tilespmem:$0xA980];
	_ =	sdelay $0x4  }
0x184: {  	v13 =	vxor.u32 $0x80000000, v13  }
0x185: {  	(xrf0) =	vmax.scan.msk.u32 $0xffff, v13;
	_ =	sdelay $0x1  }
0x186: {  	v13 =	vld [tilespmem:$0xA990]  }
0x187: {  	v14 =	vld [tilespmem:$0xA9A0]  }
0x188: {  	v15 =	vld [tilespmem:$0xA9B0];
	_ =	sdelay $0x1  }
0x189: {  	v16, _, _ =	vpop (xrf0)  }
0x18a: {  	v13 =	vxor.u32 $0x80000000, v13;
	v16 =	vxor.u32 $0x80000000, v16  }
0x18b: {  	(xrf0) =	vmax.scan.msk.u32 $0xffff, v13;
	v13 =	vxor.u32 $0x80000000, v14;
	vm0 =	vgt.s32 v16, s31  }
0x18c: {  	(xrf0) =	vmax.scan.msk.u32 $0xffff, v13;
	v13 =	vxor.u32 $0x80000000, v15;
	v14 =	vnsel vm0, s31, v16  }
0x18d: {  	(xrf0) =	vmax.scan.msk.u32 $0xffff, v13;
	v13 =	vxor.u32 $0x80000000, v14  }
0x18e: {  	(xrf0) =	vmax.scan.msk.u32 $0xffff, v13;
	_ =	sdelay $0x2  }
0x18f: {  	v13, _, _ =	vpop (xrf0)  }
0x190: {  	v15, _, _ =	vpop (xrf0)  }
0x191: {  	v61, _, _ =	vpop (xrf0)  }
0x192: {  	v17, _, _ =	vpop (xrf0)  }
0x193: {  	(v2sf) =	vpush v17, $0xF;
	_ =	sdelay $0xe  }
0x194: {  	s3 =	spop (v2sf)  }
0x195: {  	v13 =	vxor.u32 $0x80000000, v13;
	s3 =	sxor.u32 $0x80000000, s3  }
0x196: {  	vm9 =	vgt.s32 v13, s3  }
0x197: {  	v13 =	vnsel vm9, s3, v13  }
0x198: {  	v62 =	vxor.u32 $0x80000000, v13  }
0x199: {  	(xrf0) =	vmax.scan.msk.u32 $0xffff, v62;
	_ =	sdelay $0x5  }
0x19a: {  	v17, _, _ =	vpop (xrf0)  }
0x19b: {  	(v2sf) =	vpush v17, $0xF;
	_ =	sdelay $0xe  }
0x19c: {  	s30 =	spop (v2sf)  }
0x19d: {  	v15 =	vxor.u32 $0x80000000, v15;
	s3 =	sxor.u32 $0x80000000, s30  }
0x19e: {  	vm10 =	vgt.s32 v15, s3  }
0x19f: {  	v15 =	vnsel vm10, s3, v15  }
0x1a0: {  	v63 =	vxor.u32 $0x80000000, v15  }
0x1a1: {  	(xrf0) =	vmax.scan.msk.u32 $0xffff, v63;
	_ =	sdelay $0x5  }
0x1a2: {  	v17, _, _ =	vpop (xrf0)  }
0x1a3: {  	(v2sf) =	vpush v17, $0xF;
	_ =	sdelay $0xd  }
0x1a4: {  	v14 =	vadd.s32 $0xFFFFFFFF, v14  }
0x1a5: {  	vm11 =	vgt.s32 v14, $0x0;
	s30 =	spop (v2sf)  }
0x1a6: {  	v14 =	vnsel vm11, $0x0, v14;
	v16 =	vxor.u32 $0x80000000, v61;
	s3 =	sxor.u32 $0x80000000, s30  }
0x1a7: {  	v14 =	vmin.u32 v14, $0x270F;
	v13 =	vadd.s32 $0xFFFFFFFF, v13;
	vm12 =	vgt.s32 v16, s3  }
0x1a8: {  	vm13 =	vgt.s32 v13, $0x0;
	v15 =	vadd.s32 $0xFFFFFFFF, v15;
	v16 =	vnsel vm12, s3, v16  }
0x1a9: {  	v13 =	vnsel vm13, $0x0, v13;
	vm14 =	vgt.s32 v15, $0x0;
	v16 =	vadd.s32 $0xFFFFFFFF, v16  }
0x1aa: {  	[tilespmem:$0xA980] =	vst v14;
	v13 =	vmin.u32 v13, $0x270F;
	v14 =	vnsel vm14, $0x0, v15;
	vm15 =	vgt.s32 v16, $0x0  }
0x1ab: {  	[tilespmem:$0xA990] =	vst v13;
	v13 =	vmin.u32 v14, $0x270F;
	v14 =	vnsel vm15, $0x0, v16  }
0x1ac: {  	[tilespmem:$0xA9A0] =	vst v13;
	v13 =	vmin.u32 v14, $0x270F  }
0x1ad: {  	[tilespmem:$0xA9B0] =	vst v13  }
0x1ae: {  	_ =	swait.ge [sflag:s11], $0x2000  }
0x1af: {  	[sflag:s11] =	ssyncset.done $0x0  }
0x1b0: {  	s30 =	simm.s32 $0x4780;
	[sflag:s11] =	ssyncadd.s32 $0xFFFFE000  }
0x1b1: {  	[spmem:s5] =	stream.indirect.scatter.add.f32 [tilespmem:s30], [sflag:$0xA], $0x80, s20, s8, $0xb8;
	[tilespmem:$0x1EB80] =	vst v63  }
0x1b2: {  	_ =	swait.ge [sflag:s29], $0x2000  }
0x1b3: {  	s30 =	rddreg [dreg:$0xe]  }
0x1b4: {  	s3 =	sadd.s32 s17, s30  }
0x1b5: {  	[sflag:s29] =	ssyncset.done $0x0;
	s3 =	sshrl.u32 s3, $0x3  }
0x1b6: {  	[sflag:s29] =	ssyncadd.s32 $0xFFFFE000;
	s3 =	sadd.s32 s1, s3  }
0x1b7: {  	[tilespmem:s14], [sflag:$0x2] =	stream.linear.gather [hbm4b:s3+s6], $0x40, $0x38;
	[tilespmem:$0x1EB80] =	vst v63  }
0x1b8: {  	_ =	swait.ge [sflag:s4], $0x40  }
0x1b9: {  	[sflag:s4] =	ssyncset.done $0x0  }
0x1ba: {  	s30 =	simm.s32 $0x2780;
	[sflag:s4] =	ssyncadd.s32 $0xFFFFFFC0  }
0x1bb: {  	[tilespmem:s30], [sflag:$0x5] =	stream.indirect.gather [hbm4b:s0+s8], $0x80, s12, s8, $0xb8;
	[tilespmem:$0x1EB80] =	vst v63  }
0x1bc: {  	[tilespmem:$0xA980] =	vst v10  }
0x1bd: {  	[tilespmem:$0xA990] =	vst v10  }
0x1be: {  	s3 =	sadd.s32 $0xC0, s2;
	[tilespmem:$0xA9A0] =	vst v10  }
0x1bf: {  	s31 =	smov.u32 s9;
	v13 =	vmov s3;
	[tilespmem:$0xA9B0] =	vst v10  }
.LBB2_9:
0x1c0: {  	p1 =	slt.s32 s31, $0x2710;
	s30 =	smov.u32 s31  }
0x1c1: {  	s30 =	simm.s32 @!p1 $0x2710  }
0x1c2: {  	v14 =	vmov s30;
	_ =	sdelay $0x4  }
0x1c3: {  	v14 =	vld.idx.msk [tilespmem:v14+s6+$0x0], $0xffff;
	_ =	sdelay $0x4  }
0x1c4: {  	v14 =	vxor.u32 $0x80000000, v14  }
0x1c5: {  	(xrf0) =	vmax.scan.msk.u32 $0xffff, v14;
	_ =	sdelay $0x5  }
0x1c6: {  	v14, _, _ =	vpop (xrf0)  }
0x1c7: {  	(v2sf) =	vpush v14, $0xF;
	_ =	sdelay $0xe  }
0x1c8: {  	s30 =	spop (v2sf)  }
0x1c9: {  	p1 =	sgt.s32 s31, $0x2710;
	s30 =	sxor.u32 $0x80000000, s30  }
0x1ca: {  	p2 =	sge.s32 @!p1 s30, s3  }
0x1cb: {  	p1 =	por p1, p2  }
.Ltmp8:
0x1cc: {  	_ = 	snop;
	(pc) =	sbr.rel @p1 .LBB2_11-.Ltmp8, $1  }
0x1cd: {  	_ =	sdelay $0x3  }
0x1ce: {  	v14 =	vadd.s32 s31, v8  }
0x1cf: {  	vm0 =	vlt.s32 v14, $0x2717  }
0x1d0: {  	v15 =	vnsel vm0, $0x2717, v14;
	_ =	sdelay $0x4  }
0x1d1: {  	v15 =	vld.idx.msk [tilespmem:v15+s6+$0x0], $0xffff;
	_ =	sdelay $0x4  }
0x1d2: {  	vm13 =	vlt.s32 v14, $0x2711;
	vm1 =	vlt.s32 v15, v13  }
0x1d3: {  	vm0 =	vmand vm13, vm1  }
0x1d4: {  	v14 =	vmpcnt.ones.xlane vm0;
	_ =	sdelay $0x1  }
0x1d5: {  	v14 =	vxor.u32 $0x80000000, v14  }
0x1d6: {  	(xrf0) =	vmax.scan.msk.u32 $0xffff, v14;
	_ =	sdelay $0x4  }
0x1d7: {  	v14 =	vadd.s32 s31, v11  }
0x1d8: {  	vm14 =	vlt.s32 v14, $0x2717;
	v16, _, _ =	vpop (xrf0)  }
0x1d9: {  	v17 =	vnsel vm14, $0x2717, v14;
	(v2sf) =	vpush v16, $0xF;
	_ =	sdelay $0x4  }
0x1da: {  	v63 =	vld.idx.msk [tilespmem:v17+s6+$0x0], $0xffff;
	_ =	sdelay $0x4  }
0x1db: {  	vm15 =	vne.s32 v15, v63  }
0x1dc: {  	vm0 =	vmand vm0, vm15  }
0x1dd: {  	v15 =	vsub.s32 v15, v12  }
.Ltmp9:
0x1de: {  	_ = 	snop;
	(pc) =	sbr.rel .LBB2_9-.Ltmp9, $4  }
0x1df: {  	_ = 	snop  }
0x1e0: {  	s30 =	spop (v2sf)  }
0x1e1: {  	s30 =	sadd.s32 s30, s31  }
0x1e2: {  	[tilespmem:v15+s20+$0x0] =	vst.idx.msk vm0, v14;
	s31 =	sadd.s32 $0x80000000, s30  }
.LBB2_11:
0x1e3: {  	v12 =	vld [tilespmem:$0xA980];
	_ =	sdelay $0x4  }
0x1e4: {  	v12 =	vxor.u32 $0x80000000, v12  }
0x1e5: {  	(xrf0) =	vmax.scan.msk.u32 $0xffff, v12;
	_ =	sdelay $0x1  }
0x1e6: {  	v12 =	vld [tilespmem:$0xA990]  }
0x1e7: {  	v14 =	vld [tilespmem:$0xA9A0]  }
0x1e8: {  	v15 =	vld [tilespmem:$0xA9B0];
	_ =	sdelay $0x1  }
0x1e9: {  	v16, _, _ =	vpop (xrf0)  }
0x1ea: {  	v12 =	vxor.u32 $0x80000000, v12;
	v16 =	vxor.u32 $0x80000000, v16  }
0x1eb: {  	(xrf0) =	vmax.scan.msk.u32 $0xffff, v12;
	v12 =	vxor.u32 $0x80000000, v14;
	vm0 =	vgt.s32 v16, s9  }
0x1ec: {  	(xrf0) =	vmax.scan.msk.u32 $0xffff, v12;
	v12 =	vxor.u32 $0x80000000, v15;
	v14 =	vnsel vm0, s9, v16  }
0x1ed: {  	(xrf0) =	vmax.scan.msk.u32 $0xffff, v12;
	v12 =	vxor.u32 $0x80000000, v14  }
0x1ee: {  	(xrf0) =	vmax.scan.msk.u32 $0xffff, v12;
	_ =	sdelay $0x2  }
0x1ef: {  	v12, _, _ =	vpop (xrf0)  }
0x1f0: {  	v15, _, _ =	vpop (xrf0)  }
0x1f1: {  	v61, _, _ =	vpop (xrf0)  }
0x1f2: {  	v17, _, _ =	vpop (xrf0)  }
0x1f3: {  	(v2sf) =	vpush v17, $0xF;
	_ =	sdelay $0xe  }
0x1f4: {  	s3 =	spop (v2sf)  }
0x1f5: {  	v12 =	vxor.u32 $0x80000000, v12;
	s3 =	sxor.u32 $0x80000000, s3  }
0x1f6: {  	vm9 =	vgt.s32 v12, s3  }
0x1f7: {  	v12 =	vnsel vm9, s3, v12  }
0x1f8: {  	v62 =	vxor.u32 $0x80000000, v12  }
0x1f9: {  	(xrf0) =	vmax.scan.msk.u32 $0xffff, v62;
	_ =	sdelay $0x5  }
0x1fa: {  	v17, _, _ =	vpop (xrf0)  }
0x1fb: {  	(v2sf) =	vpush v17, $0xF;
	_ =	sdelay $0xe  }
0x1fc: {  	s9 =	spop (v2sf)  }
0x1fd: {  	v15 =	vxor.u32 $0x80000000, v15;
	s3 =	sxor.u32 $0x80000000, s9  }
0x1fe: {  	vm10 =	vgt.s32 v15, s3  }
0x1ff: {  	v15 =	vnsel vm10, s3, v15  }
0x200: {  	v63 =	vxor.u32 $0x80000000, v15  }
0x201: {  	(xrf0) =	vmax.scan.msk.u32 $0xffff, v63;
	_ =	sdelay $0x5  }
0x202: {  	v17, _, _ =	vpop (xrf0)  }
0x203: {  	(v2sf) =	vpush v17, $0xF;
	_ =	sdelay $0xd  }
0x204: {  	v14 =	vadd.s32 $0xFFFFFFFF, v14  }
0x205: {  	vm11 =	vgt.s32 v14, $0x0;
	s9 =	spop (v2sf)  }
0x206: {  	v14 =	vnsel vm11, $0x0, v14;
	v16 =	vxor.u32 $0x80000000, v61;
	s3 =	sxor.u32 $0x80000000, s9  }
0x207: {  	v14 =	vmin.u32 v14, $0x270F;
	v12 =	vadd.s32 $0xFFFFFFFF, v12;
	vm12 =	vgt.s32 v16, s3  }
0x208: {  	vm13 =	vgt.s32 v12, $0x0;
	v15 =	vadd.s32 $0xFFFFFFFF, v15;
	v16 =	vnsel vm12, s3, v16  }
0x209: {  	v12 =	vnsel vm13, $0x0, v12;
	vm14 =	vgt.s32 v15, $0x0;
	v16 =	vadd.s32 $0xFFFFFFFF, v16  }
0x20a: {  	[tilespmem:$0xA980] =	vst v14;
	v12 =	vmin.u32 v12, $0x270F;
	v14 =	vnsel vm14, $0x0, v15;
	vm15 =	vgt.s32 v16, $0x0  }
0x20b: {  	[tilespmem:$0xA990] =	vst v12;
	v12 =	vmin.u32 v14, $0x270F;
	v14 =	vnsel vm15, $0x0, v16  }
0x20c: {  	[tilespmem:$0xA9A0] =	vst v12;
	v12 =	vmin.u32 v14, $0x270F  }
0x20d: {  	[tilespmem:$0xA9B0] =	vst v12  }
0x20e: {  	_ =	swait.ge [sflag:s15], $0x2000  }
0x20f: {  	[sflag:s15] =	ssyncset.done $0x0  }
0x210: {  	s9 =	simm.s32 $0x6780;
	[sflag:s15] =	ssyncadd.s32 $0xFFFFE000  }
0x211: {  	[spmem:s5] =	stream.indirect.scatter.add.f32 [tilespmem:s9], [sflag:$0xA], $0x80, s20, s8, $0xb8;
	[tilespmem:$0x1EB80] =	vst v63  }
0x212: {  	_ =	swait.ge [sflag:s29], $0x2000  }
0x213: {  	s9 =	rddreg [dreg:$0xf]  }
0x214: {  	s3 =	sadd.s32 s17, s9  }
0x215: {  	[sflag:s29] =	ssyncset.done $0x0;
	s3 =	sshrl.u32 s3, $0x3  }
0x216: {  	s30 =	simm.s32 $0xA880;
	[sflag:s29] =	ssyncadd.s32 $0xFFFFE000;
	s3 =	sadd.s32 s1, s3  }
0x217: {  	[tilespmem:s30], [sflag:$0x3] =	stream.linear.gather [hbm4b:s3+s6], $0x40, $0x38;
	[tilespmem:$0x1EB80] =	vst v63  }
0x218: {  	_ =	swait.ge [sflag:s10], $0x40  }
0x219: {  	[sflag:s10] =	ssyncset.done $0x0  }
0x21a: {  	s9 =	simm.s32 $0x4780;
	[sflag:s10] =	ssyncadd.s32 $0xFFFFFFC0  }
0x21b: {  	[tilespmem:s9], [sflag:$0x6] =	stream.indirect.gather [hbm4b:s0+s8], $0x80, s14, s8, $0xb8;
	[tilespmem:$0x1EB80] =	vst v63  }
0x21c: {  	[tilespmem:$0xA980] =	vst v10  }
0x21d: {  	[tilespmem:$0xA990] =	vst v10  }
0x21e: {  	s3 =	sadd.s32 $0x100, s2;
	[tilespmem:$0xA9A0] =	vst v10  }
0x21f: {  	s2 =	smov.u32 s31;
	v12 =	vmov s3;
	[tilespmem:$0xA9B0] =	vst v10  }
.LBB2_12:
0x220: {  	p1 =	slt.s32 s2, $0x2710;
	s9 =	smov.u32 s2  }
0x221: {  	s9 =	simm.s32 @!p1 $0x2710  }
0x222: {  	v14 =	vmov s9;
	_ =	sdelay $0x4  }
0x223: {  	v14 =	vld.idx.msk [tilespmem:v14+s6+$0x0], $0xffff;
	_ =	sdelay $0x4  }
0x224: {  	v14 =	vxor.u32 $0x80000000, v14  }
0x225: {  	(xrf0) =	vmax.scan.msk.u32 $0xffff, v14;
	_ =	sdelay $0x5  }
0x226: {  	v14, _, _ =	vpop (xrf0)  }
0x227: {  	(v2sf) =	vpush v14, $0xF;
	_ =	sdelay $0xe  }
0x228: {  	s9 =	spop (v2sf)  }
0x229: {  	p1 =	sgt.s32 s2, $0x2710;
	s9 =	sxor.u32 $0x80000000, s9  }
0x22a: {  	p2 =	sge.s32 @!p1 s9, s3  }
0x22b: {  	p1 =	por p1, p2  }
.Ltmp10:
0x22c: {  	_ = 	snop;
	(pc) =	sbr.rel @p1 .LBB2_14-.Ltmp10, $1  }
0x22d: {  	_ =	sdelay $0x3  }
0x22e: {  	v14 =	vadd.s32 s2, v8  }
0x22f: {  	vm0 =	vlt.s32 v14, $0x2717  }
0x230: {  	v15 =	vnsel vm0, $0x2717, v14;
	_ =	sdelay $0x4  }
0x231: {  	v15 =	vld.idx.msk [tilespmem:v15+s6+$0x0], $0xffff;
	_ =	sdelay $0x4  }
0x232: {  	vm13 =	vlt.s32 v14, $0x2711;
	vm1 =	vlt.s32 v15, v12  }
0x233: {  	vm0 =	vmand vm13, vm1  }
0x234: {  	v14 =	vmpcnt.ones.xlane vm0;
	_ =	sdelay $0x1  }
0x235: {  	v14 =	vxor.u32 $0x80000000, v14  }
0x236: {  	(xrf0) =	vmax.scan.msk.u32 $0xffff, v14;
	_ =	sdelay $0x4  }
0x237: {  	v14 =	vadd.s32 s2, v11  }
0x238: {  	vm14 =	vlt.s32 v14, $0x2717;
	v16, _, _ =	vpop (xrf0)  }
0x239: {  	v17 =	vnsel vm14, $0x2717, v14;
	(v2sf) =	vpush v16, $0xF;
	_ =	sdelay $0x4  }
0x23a: {  	v63 =	vld.idx.msk [tilespmem:v17+s6+$0x0], $0xffff;
	_ =	sdelay $0x4  }
0x23b: {  	vm15 =	vne.s32 v15, v63  }
0x23c: {  	vm0 =	vmand vm0, vm15  }
0x23d: {  	v15 =	vsub.s32 v15, v13  }
.Ltmp11:
0x23e: {  	_ = 	snop;
	(pc) =	sbr.rel .LBB2_12-.Ltmp11, $4  }
0x23f: {  	_ = 	snop  }
0x240: {  	s9 =	spop (v2sf)  }
0x241: {  	s9 =	sadd.s32 s9, s2  }
0x242: {  	[tilespmem:v15+s20+$0x0] =	vst.idx.msk vm0, v14;
	s2 =	sadd.s32 $0x80000000, s9  }
.LBB2_15:
0x243: {  	[tilespmem:$0xA980] =	vst v10  }
0x244: {  	[tilespmem:$0xA990] =	vst v10  }
0x245: {  	[tilespmem:$0xA9A0] =	vst v10  }
0x246: {  	[tilespmem:$0xA9B0] =	vst v10;
	s17 =	smov.u32 s2;
	s12 =	simm.s32 $0x10;
	s14 =	simm.s32 $0xAA00  }
.LBB2_16:
0x247: {  	p1 =	slt.s32 s17, $0x2710;
	s3 =	smov.u32 s17  }
0x248: {  	s3 =	simm.s32 @!p1 $0x2710  }
0x249: {  	v12 =	vmov s3;
	_ =	sdelay $0x4  }
0x24a: {  	v12 =	vld.idx.msk [tilespmem:v12+s6+$0x0], $0xffff;
	_ =	sdelay $0x4  }
0x24b: {  	v12 =	vxor.u32 $0x80000000, v12  }
0x24c: {  	(xrf0) =	vmax.scan.msk.u32 $0xffff, v12;
	_ =	sdelay $0x5  }
0x24d: {  	v12, _, _ =	vpop (xrf0)  }
0x24e: {  	(v2sf) =	vpush v12, $0xF;
	_ =	sdelay $0xe  }
0x24f: {  	s31 =	spop (v2sf)  }
0x250: {  	p1 =	sgt.s32 s17, $0x2710;
	s3 =	sxor.u32 $0x80000000, s31  }
0x251: {  	p2 =	sge.s32 @!p1 s3, s24  }
0x252: {  	p1 =	por p1, p2  }
.Ltmp12:
0x253: {  	_ = 	snop;
	(pc) =	sbr.rel @p1 .LBB2_18-.Ltmp12, $1  }
0x254: {  	_ =	sdelay $0x3  }
0x255: {  	v12 =	vadd.s32 s17, v8  }
0x256: {  	vm0 =	vlt.s32 v12, $0x2717  }
0x257: {  	v13 =	vnsel vm0, $0x2717, v12;
	_ =	sdelay $0x4  }
0x258: {  	v13 =	vld.idx.msk [tilespmem:v13+s6+$0x0], $0xffff;
	_ =	sdelay $0x4  }
0x259: {  	vm13 =	vlt.s32 v12, $0x2711;
	vm1 =	vlt.s32 v13, v2  }
0x25a: {  	vm0 =	vmand vm13, vm1  }
0x25b: {  	v61 =	vmpcnt.ones.xlane vm0;
	_ =	sdelay $0x1  }
0x25c: {  	v12 =	vxor.u32 $0x80000000, v61  }
0x25d: {  	(xrf0) =	vmax.scan.msk.u32 $0xffff, v12;
	_ =	sdelay $0x4  }
0x25e: {  	v62 =	vadd.s32 s17, v11  }
0x25f: {  	vm14 =	vlt.s32 v62, $0x2717;
	v14, _, _ =	vpop (xrf0)  }
0x260: {  	v15 =	vnsel vm14, $0x2717, v62;
	(v2sf) =	vpush v14, $0xF;
	_ =	sdelay $0x4  }
0x261: {  	v63 =	vld.idx.msk [tilespmem:v15+s6+$0x0], $0xffff;
	_ =	sdelay $0x4  }
0x262: {  	vm15 =	vne.s32 v13, v63  }
0x263: {  	vm0 =	vmand vm0, vm15  }
0x264: {  	v13 =	vsub.s32 v13, v1  }
.Ltmp13:
0x265: {  	_ = 	snop;
	(pc) =	sbr.rel .LBB2_16-.Ltmp13, $4  }
0x266: {  	_ = 	snop  }
0x267: {  	s3 =	spop (v2sf)  }
0x268: {  	s3 =	sadd.s32 s3, s17  }
0x269: {  	[tilespmem:v13+s20+$0x0] =	vst.idx.msk vm0, v62;
	s17 =	sadd.s32 $0x80000000, s3  }
.LBB2_18:
0x26a: {  	v12 =	vld [tilespmem:$0xA980];
	_ =	sdelay $0x4  }
0x26b: {  	v12 =	vxor.u32 $0x80000000, v12  }
0x26c: {  	(xrf0) =	vmax.scan.msk.u32 $0xffff, v12;
	_ =	sdelay $0x1  }
0x26d: {  	v50 =	vld [tilespmem:$0xA990]  }
0x26e: {  	v13 =	vld [tilespmem:$0xA9A0]  }
0x26f: {  	v14 =	vld [tilespmem:$0xA9B0];
	_ =	sdelay $0x1  }
0x270: {  	v15, _, _ =	vpop (xrf0)  }
0x271: {  	v12 =	vxor.u32 $0x80000000, v50;
	v15 =	vxor.u32 $0x80000000, v15  }
0x272: {  	v51 =	vxor.u32 $0x80000000, v13;
	(xrf0) =	vmax.scan.msk.u32 $0xffff, v12;
	vm0 =	vgt.s32 v15, s2  }
0x273: {  	v52 =	vxor.u32 $0x80000000, v14;
	(xrf0) =	vmax.scan.msk.u32 $0xffff, v51;
	v53 =	vnsel vm0, s2, v15  }
0x274: {  	(xrf0) =	vmax.scan.msk.u32 $0xffff, v52;
	v54 =	vxor.u32 $0x80000000, v53  }
0x275: {  	(xrf0) =	vmax.scan.msk.u32 $0xffff, v54;
	_ =	sdelay $0x2  }
0x276: {  	v55, _, _ =	vpop (xrf0)  }
0x277: {  	v56, _, _ =	vpop (xrf0)  }
0x278: {  	v57, _, _ =	vpop (xrf0)  }
0x279: {  	v16, _, _ =	vpop (xrf0)  }
0x27a: {  	(v2sf) =	vpush v16, $0xF;
	_ =	sdelay $0xe  }
0x27b: {  	s31 =	spop (v2sf)  }
0x27c: {  	v12 =	vxor.u32 $0x80000000, v55;
	s2 =	sxor.u32 $0x80000000, s31  }
0x27d: {  	vm9 =	vgt.s32 v12, s2  }
0x27e: {  	v12 =	vnsel vm9, s2, v12  }
0x27f: {  	v58 =	vxor.u32 $0x80000000, v12  }
0x280: {  	(xrf0) =	vmax.scan.msk.u32 $0xffff, v58;
	_ =	sdelay $0x5  }
0x281: {  	v16, _, _ =	vpop (xrf0)  }
0x282: {  	(v2sf) =	vpush v16, $0xF;
	_ =	sdelay $0xe  }
0x283: {  	s3 =	spop (v2sf)  }
0x284: {  	v14 =	vxor.u32 $0x80000000, v56;
	s2 =	sxor.u32 $0x80000000, s3  }
0x285: {  	vm10 =	vgt.s32 v14, s2  }
0x286: {  	v14 =	vnsel vm10, s2, v14  }
0x287: {  	v59 =	vxor.u32 $0x80000000, v14  }
0x288: {  	(xrf0) =	vmax.scan.msk.u32 $0xffff, v59;
	_ =	sdelay $0x5  }
0x289: {  	v16, _, _ =	vpop (xrf0)  }
0x28a: {  	(v2sf) =	vpush v16, $0xF;
	_ =	sdelay $0xd  }
0x28b: {  	v13 =	vadd.s32 $0xFFFFFFFF, v53  }
0x28c: {  	vm11 =	vgt.s32 v13, $0x0;
	s9 =	spop (v2sf)  }
0x28d: {  	v13 =	vnsel vm11, $0x0, v13;
	v15 =	vxor.u32 $0x80000000, v57;
	s2 =	sxor.u32 $0x80000000, s9  }
0x28e: {  	v13 =	vmin.u32 v13, $0x270F;
	v12 =	vadd.s32 $0xFFFFFFFF, v12;
	vm12 =	vgt.s32 v15, s2  }
0x28f: {  	vm13 =	vgt.s32 v12, $0x0;
	v14 =	vadd.s32 $0xFFFFFFFF, v14;
	v15 =	vnsel vm12, s2, v15  }
0x290: {  	v12 =	vnsel vm13, $0x0, v12;
	vm14 =	vgt.s32 v14, $0x0;
	v15 =	vadd.s32 $0xFFFFFFFF, v15  }
0x291: {  	[tilespmem:$0xA980] =	vst v13;
	v12 =	vmin.u32 v12, $0x270F;
	v60 =	vnsel vm14, $0x0, v14;
	vm15 =	vgt.s32 v15, $0x0  }
0x292: {  	[tilespmem:$0xA990] =	vst v12;
	v61 =	vmin.u32 v60, $0x270F;
	v62 =	vnsel vm15, $0x0, v15  }
0x293: {  	[tilespmem:$0xA9A0] =	vst v61;
	v63 =	vmin.u32 v62, $0x270F  }
0x294: {  	[tilespmem:$0xA9B0] =	vst v63  }
0x295: {  	_ =	swait.ge [sflag:s21], $0x2000  }
0x296: {  	[sflag:s21] =	ssyncset.done $0x0  }
0x297: {  	s18 =	simm.s32 $0x2780;
	[sflag:s21] =	ssyncadd.s32 $0xFFFFE000  }
0x298: {  	[spmem:s5] =	stream.indirect.scatter.add.f32 [tilespmem:s18], [sflag:$0xA], $0x80, s20, s8, $0xb8;
	[tilespmem:$0x1EB80] =	vst v63  }
0x299: {  	_ =	swait.ge [sflag:s29], $0x2000  }
0x29a: {  	[sflag:s29] =	ssyncset.done $0x0  }
0x29b: {  	[sflag:s29] =	ssyncadd.s32 $0xFFFFE000  }
0x29c: {  	_ =	swait.ge [sflag:s22], $0x40  }
0x29d: {  	[sflag:s22] =	ssyncset.done $0x0  }
0x29e: {  	s31 =	simm.s32 $0xA900;
	[sflag:s22] =	ssyncadd.s32 $0xFFFFFFC0  }
0x29f: {  	[tilespmem:s23], [sflag:$0x8] =	stream.indirect.gather [hbm4b:s0+s8], $0x80, s31, s8, $0xb8;
	[tilespmem:$0x1EB80] =	vst v63  }
0x2a0: {  	[tilespmem:$0xA980] =	vst v10  }
0x2a1: {  	[tilespmem:$0xA990] =	vst v10  }
0x2a2: {  	[tilespmem:$0xA9A0] =	vst v10  }
0x2a3: {  	s2 =	smov.u32 s17;
	[tilespmem:$0xA9B0] =	vst v10  }
.LBB2_19:
0x2a4: {  	p1 =	slt.s32 s2, $0x2710;
	s3 =	smov.u32 s2  }
0x2a5: {  	s3 =	simm.s32 @!p1 $0x2710  }
0x2a6: {  	v12 =	vmov s3;
	_ =	sdelay $0x4  }
0x2a7: {  	v12 =	vld.idx.msk [tilespmem:v12+s6+$0x0], $0xffff;
	_ =	sdelay $0x4  }
0x2a8: {  	v12 =	vxor.u32 $0x80000000, v12  }
0x2a9: {  	(xrf0) =	vmax.scan.msk.u32 $0xffff, v12;
	_ =	sdelay $0x5  }
0x2aa: {  	v12, _, _ =	vpop (xrf0)  }
0x2ab: {  	(v2sf) =	vpush v12, $0xF;
	_ =	sdelay $0xe  }
0x2ac: {  	s31 =	spop (v2sf)  }
0x2ad: {  	p1 =	sgt.s32 s2, $0x2710;
	s3 =	sxor.u32 $0x80000000, s31  }
0x2ae: {  	p2 =	sge.s32 @!p1 s3, s26  }
0x2af: {  	p1 =	por p1, p2  }
.Ltmp14:
0x2b0: {  	_ = 	snop;
	(pc) =	sbr.rel @p1 .LBB2_21-.Ltmp14, $1  }
0x2b1: {  	_ =	sdelay $0x3  }
0x2b2: {  	v12 =	vadd.s32 s2, v8  }
0x2b3: {  	vm0 =	vlt.s32 v12, $0x2717  }
0x2b4: {  	v13 =	vnsel vm0, $0x2717, v12;
	_ =	sdelay $0x4  }
0x2b5: {  	v13 =	vld.idx.msk [tilespmem:v13+s6+$0x0], $0xffff;
	_ =	sdelay $0x4  }
0x2b6: {  	vm13 =	vlt.s32 v12, $0x2711;
	vm1 =	vlt.s32 v13, v3  }
0x2b7: {  	vm0 =	vmand vm13, vm1  }
0x2b8: {  	v61 =	vmpcnt.ones.xlane vm0;
	_ =	sdelay $0x1  }
0x2b9: {  	v12 =	vxor.u32 $0x80000000, v61  }
0x2ba: {  	(xrf0) =	vmax.scan.msk.u32 $0xffff, v12;
	_ =	sdelay $0x4  }
0x2bb: {  	v62 =	vadd.s32 s2, v11  }
0x2bc: {  	vm14 =	vlt.s32 v62, $0x2717;
	v14, _, _ =	vpop (xrf0)  }
0x2bd: {  	v15 =	vnsel vm14, $0x2717, v62;
	(v2sf) =	vpush v14, $0xF;
	_ =	sdelay $0x4  }
0x2be: {  	v63 =	vld.idx.msk [tilespmem:v15+s6+$0x0], $0xffff;
	_ =	sdelay $0x4  }
0x2bf: {  	vm15 =	vne.s32 v13, v63  }
0x2c0: {  	vm0 =	vmand vm0, vm15  }
0x2c1: {  	v13 =	vsub.s32 v13, v2  }
.Ltmp15:
0x2c2: {  	_ = 	snop;
	(pc) =	sbr.rel .LBB2_19-.Ltmp15, $4  }
0x2c3: {  	_ = 	snop  }
0x2c4: {  	s3 =	spop (v2sf)  }
0x2c5: {  	s31 =	sadd.s32 s3, s2  }
0x2c6: {  	[tilespmem:v13+s20+$0x0] =	vst.idx.msk vm0, v62;
	s2 =	sadd.s32 $0x80000000, s31  }
.LBB2_21:
0x2c7: {  	v12 =	vld [tilespmem:$0xA980];
	_ =	sdelay $0x4  }
0x2c8: {  	v12 =	vxor.u32 $0x80000000, v12  }
0x2c9: {  	(xrf0) =	vmax.scan.msk.u32 $0xffff, v12;
	_ =	sdelay $0x1  }
0x2ca: {  	v50 =	vld [tilespmem:$0xA990]  }
0x2cb: {  	v13 =	vld [tilespmem:$0xA9A0]  }
0x2cc: {  	v14 =	vld [tilespmem:$0xA9B0];
	_ =	sdelay $0x1  }
0x2cd: {  	v15, _, _ =	vpop (xrf0)  }
0x2ce: {  	v12 =	vxor.u32 $0x80000000, v50;
	v15 =	vxor.u32 $0x80000000, v15  }
0x2cf: {  	v51 =	vxor.u32 $0x80000000, v13;
	(xrf0) =	vmax.scan.msk.u32 $0xffff, v12;
	vm0 =	vgt.s32 v15, s17  }
0x2d0: {  	v52 =	vxor.u32 $0x80000000, v14;
	(xrf0) =	vmax.scan.msk.u32 $0xffff, v51;
	v53 =	vnsel vm0, s17, v15  }
0x2d1: {  	(xrf0) =	vmax.scan.msk.u32 $0xffff, v52;
	v54 =	vxor.u32 $0x80000000, v53  }
0x2d2: {  	(xrf0) =	vmax.scan.msk.u32 $0xffff, v54;
	_ =	sdelay $0x2  }
0x2d3: {  	v55, _, _ =	vpop (xrf0)  }
0x2d4: {  	v56, _, _ =	vpop (xrf0)  }
0x2d5: {  	v57, _, _ =	vpop (xrf0)  }
0x2d6: {  	v16, _, _ =	vpop (xrf0)  }
0x2d7: {  	(v2sf) =	vpush v16, $0xF;
	_ =	sdelay $0xe  }
0x2d8: {  	s3 =	spop (v2sf)  }
0x2d9: {  	v12 =	vxor.u32 $0x80000000, v55;
	s3 =	sxor.u32 $0x80000000, s3  }
0x2da: {  	vm9 =	vgt.s32 v12, s3  }
0x2db: {  	v12 =	vnsel vm9, s3, v12  }
0x2dc: {  	v58 =	vxor.u32 $0x80000000, v12  }
0x2dd: {  	(xrf0) =	vmax.scan.msk.u32 $0xffff, v58;
	_ =	sdelay $0x5  }
0x2de: {  	v16, _, _ =	vpop (xrf0)  }
0x2df: {  	(v2sf) =	vpush v16, $0xF;
	_ =	sdelay $0xe  }
0x2e0: {  	s17 =	spop (v2sf)  }
0x2e1: {  	v14 =	vxor.u32 $0x80000000, v56;
	s3 =	sxor.u32 $0x80000000, s17  }
0x2e2: {  	vm10 =	vgt.s32 v14, s3  }
0x2e3: {  	v14 =	vnsel vm10, s3, v14  }
0x2e4: {  	v59 =	vxor.u32 $0x80000000, v14  }
0x2e5: {  	(xrf0) =	vmax.scan.msk.u32 $0xffff, v59;
	_ =	sdelay $0x5  }
0x2e6: {  	v16, _, _ =	vpop (xrf0)  }
0x2e7: {  	(v2sf) =	vpush v16, $0xF;
	_ =	sdelay $0xd  }
0x2e8: {  	v13 =	vadd.s32 $0xFFFFFFFF, v53  }
0x2e9: {  	vm11 =	vgt.s32 v13, $0x0;
	s18 =	spop (v2sf)  }
0x2ea: {  	v13 =	vnsel vm11, $0x0, v13;
	v15 =	vxor.u32 $0x80000000, v57;
	s3 =	sxor.u32 $0x80000000, s18  }
0x2eb: {  	v13 =	vmin.u32 v13, $0x270F;
	v12 =	vadd.s32 $0xFFFFFFFF, v12;
	vm12 =	vgt.s32 v15, s3  }
0x2ec: {  	vm13 =	vgt.s32 v12, $0x0;
	v14 =	vadd.s32 $0xFFFFFFFF, v14;
	v15 =	vnsel vm12, s3, v15  }
0x2ed: {  	v12 =	vnsel vm13, $0x0, v12;
	vm14 =	vgt.s32 v14, $0x0;
	v15 =	vadd.s32 $0xFFFFFFFF, v15  }
0x2ee: {  	[tilespmem:$0xA980] =	vst v13;
	v12 =	vmin.u32 v12, $0x270F;
	v60 =	vnsel vm14, $0x0, v14;
	vm15 =	vgt.s32 v15, $0x0  }
0x2ef: {  	[tilespmem:$0xA990] =	vst v12;
	v61 =	vmin.u32 v60, $0x270F;
	v62 =	vnsel vm15, $0x0, v15  }
0x2f0: {  	[tilespmem:$0xA9A0] =	vst v61;
	v63 =	vmin.u32 v62, $0x270F  }
0x2f1: {  	[tilespmem:$0xA9B0] =	vst v63  }
0x2f2: {  	_ =	swait.ge [sflag:s11], $0x2000  }
0x2f3: {  	[sflag:s11] =	ssyncset.done $0x0  }
0x2f4: {  	s31 =	simm.s32 $0x4780;
	[sflag:s11] =	ssyncadd.s32 $0xFFFFE000  }
0x2f5: {  	[spmem:s5] =	stream.indirect.scatter.add.f32 [tilespmem:s31], [sflag:$0xA], $0x80, s20, s8, $0xb8;
	[tilespmem:$0x1EB80] =	vst v63  }
0x2f6: {  	_ =	swait.ge [sflag:s29], $0x2000  }
0x2f7: {  	[sflag:s29] =	ssyncset.done $0x0  }
0x2f8: {  	[sflag:s29] =	ssyncadd.s32 $0xFFFFE000  }
0x2f9: {  	[tilespmem:$0xA980] =	vst v10  }
0x2fa: {  	[tilespmem:$0xA990] =	vst v10  }
0x2fb: {  	[tilespmem:$0xA9A0] =	vst v10  }
0x2fc: {  	s17 =	smov.u32 s2;
	[tilespmem:$0xA9B0] =	vst v10  }
.LBB2_22:
0x2fd: {  	p1 =	slt.s32 s17, $0x2710;
	s3 =	smov.u32 s17  }
0x2fe: {  	s3 =	simm.s32 @!p1 $0x2710  }
0x2ff: {  	v12 =	vmov s3;
	_ =	sdelay $0x4  }
0x300: {  	v12 =	vld.idx.msk [tilespmem:v12+s6+$0x0], $0xffff;
	_ =	sdelay $0x4  }
0x301: {  	v12 =	vxor.u32 $0x80000000, v12  }
0x302: {  	(xrf0) =	vmax.scan.msk.u32 $0xffff, v12;
	_ =	sdelay $0x5  }
0x303: {  	v12, _, _ =	vpop (xrf0)  }
0x304: {  	(v2sf) =	vpush v12, $0xF;
	_ =	sdelay $0xe  }
0x305: {  	s31 =	spop (v2sf)  }
0x306: {  	p1 =	sgt.s32 s17, $0x2710;
	s3 =	sxor.u32 $0x80000000, s31  }
0x307: {  	p2 =	sge.s32 @!p1 s3, s25  }
0x308: {  	p1 =	por p1, p2  }
.Ltmp16:
0x309: {  	_ = 	snop;
	(pc) =	sbr.rel @p1 .LBB2_24-.Ltmp16, $1  }
0x30a: {  	_ =	sdelay $0x3  }
0x30b: {  	v12 =	vadd.s32 s17, v8  }
0x30c: {  	vm0 =	vlt.s32 v12, $0x2717  }
0x30d: {  	v13 =	vnsel vm0, $0x2717, v12;
	_ =	sdelay $0x4  }
0x30e: {  	v13 =	vld.idx.msk [tilespmem:v13+s6+$0x0], $0xffff;
	_ =	sdelay $0x4  }
0x30f: {  	vm13 =	vlt.s32 v12, $0x2711;
	vm1 =	vlt.s32 v13, v4  }
0x310: {  	vm0 =	vmand vm13, vm1  }
0x311: {  	v61 =	vmpcnt.ones.xlane vm0;
	_ =	sdelay $0x1  }
0x312: {  	v12 =	vxor.u32 $0x80000000, v61  }
0x313: {  	(xrf0) =	vmax.scan.msk.u32 $0xffff, v12;
	_ =	sdelay $0x4  }
0x314: {  	v62 =	vadd.s32 s17, v11  }
0x315: {  	vm14 =	vlt.s32 v62, $0x2717;
	v14, _, _ =	vpop (xrf0)  }
0x316: {  	v15 =	vnsel vm14, $0x2717, v62;
	(v2sf) =	vpush v14, $0xF;
	_ =	sdelay $0x4  }
0x317: {  	v63 =	vld.idx.msk [tilespmem:v15+s6+$0x0], $0xffff;
	_ =	sdelay $0x4  }
0x318: {  	vm15 =	vne.s32 v13, v63  }
0x319: {  	vm0 =	vmand vm0, vm15  }
0x31a: {  	v13 =	vsub.s32 v13, v3  }
.Ltmp17:
0x31b: {  	_ = 	snop;
	(pc) =	sbr.rel .LBB2_22-.Ltmp17, $4  }
0x31c: {  	_ = 	snop  }
0x31d: {  	s3 =	spop (v2sf)  }
0x31e: {  	s3 =	sadd.s32 s3, s17  }
0x31f: {  	[tilespmem:v13+s20+$0x0] =	vst.idx.msk vm0, v62;
	s17 =	sadd.s32 $0x80000000, s3  }
.LBB2_24:
0x320: {  	v12 =	vld [tilespmem:$0xA980];
	_ =	sdelay $0x4  }
0x321: {  	v12 =	vxor.u32 $0x80000000, v12  }
0x322: {  	(xrf0) =	vmax.scan.msk.u32 $0xffff, v12;
	_ =	sdelay $0x1  }
0x323: {  	v50 =	vld [tilespmem:$0xA990]  }
0x324: {  	v13 =	vld [tilespmem:$0xA9A0]  }
0x325: {  	v14 =	vld [tilespmem:$0xA9B0];
	_ =	sdelay $0x1  }
0x326: {  	v15, _, _ =	vpop (xrf0)  }
0x327: {  	v12 =	vxor.u32 $0x80000000, v50;
	v15 =	vxor.u32 $0x80000000, v15  }
0x328: {  	v51 =	vxor.u32 $0x80000000, v13;
	(xrf0) =	vmax.scan.msk.u32 $0xffff, v12;
	vm0 =	vgt.s32 v15, s2  }
0x329: {  	v52 =	vxor.u32 $0x80000000, v14;
	(xrf0) =	vmax.scan.msk.u32 $0xffff, v51;
	v53 =	vnsel vm0, s2, v15  }
0x32a: {  	(xrf0) =	vmax.scan.msk.u32 $0xffff, v52;
	v54 =	vxor.u32 $0x80000000, v53  }
0x32b: {  	(xrf0) =	vmax.scan.msk.u32 $0xffff, v54;
	_ =	sdelay $0x2  }
0x32c: {  	v55, _, _ =	vpop (xrf0)  }
0x32d: {  	v56, _, _ =	vpop (xrf0)  }
0x32e: {  	v57, _, _ =	vpop (xrf0)  }
0x32f: {  	v16, _, _ =	vpop (xrf0)  }
0x330: {  	(v2sf) =	vpush v16, $0xF;
	_ =	sdelay $0xe  }
0x331: {  	s3 =	spop (v2sf)  }
0x332: {  	v12 =	vxor.u32 $0x80000000, v55;
	s2 =	sxor.u32 $0x80000000, s3  }
0x333: {  	vm9 =	vgt.s32 v12, s2  }
0x334: {  	v12 =	vnsel vm9, s2, v12  }
0x335: {  	v58 =	vxor.u32 $0x80000000, v12  }
0x336: {  	(xrf0) =	vmax.scan.msk.u32 $0xffff, v58;
	_ =	sdelay $0x5  }
0x337: {  	v16, _, _ =	vpop (xrf0)  }
0x338: {  	(v2sf) =	vpush v16, $0xF;
	_ =	sdelay $0xe  }
0x339: {  	s9 =	spop (v2sf)  }
0x33a: {  	v14 =	vxor.u32 $0x80000000, v56;
	s2 =	sxor.u32 $0x80000000, s9  }
0x33b: {  	vm10 =	vgt.s32 v14, s2  }
0x33c: {  	v14 =	vnsel vm10, s2, v14  }
0x33d: {  	v59 =	vxor.u32 $0x80000000, v14  }
0x33e: {  	(xrf0) =	vmax.scan.msk.u32 $0xffff, v59;
	_ =	sdelay $0x5  }
0x33f: {  	v16, _, _ =	vpop (xrf0)  }
0x340: {  	(v2sf) =	vpush v16, $0xF;
	_ =	sdelay $0xd  }
0x341: {  	v13 =	vadd.s32 $0xFFFFFFFF, v53  }
0x342: {  	vm11 =	vgt.s32 v13, $0x0;
	s18 =	spop (v2sf)  }
0x343: {  	v13 =	vnsel vm11, $0x0, v13;
	v15 =	vxor.u32 $0x80000000, v57;
	s2 =	sxor.u32 $0x80000000, s18  }
0x344: {  	v13 =	vmin.u32 v13, $0x270F;
	v12 =	vadd.s32 $0xFFFFFFFF, v12;
	vm12 =	vgt.s32 v15, s2  }
0x345: {  	vm13 =	vgt.s32 v12, $0x0;
	v14 =	vadd.s32 $0xFFFFFFFF, v14;
	v15 =	vnsel vm12, s2, v15  }
0x346: {  	v12 =	vnsel vm13, $0x0, v12;
	vm14 =	vgt.s32 v14, $0x0;
	v15 =	vadd.s32 $0xFFFFFFFF, v15  }
0x347: {  	[tilespmem:$0xA980] =	vst v13;
	v12 =	vmin.u32 v12, $0x270F;
	v60 =	vnsel vm14, $0x0, v14;
	vm15 =	vgt.s32 v15, $0x0  }
0x348: {  	[tilespmem:$0xA990] =	vst v12;
	v61 =	vmin.u32 v60, $0x270F;
	v62 =	vnsel vm15, $0x0, v15  }
0x349: {  	[tilespmem:$0xA9A0] =	vst v61;
	v63 =	vmin.u32 v62, $0x270F  }
0x34a: {  	[tilespmem:$0xA9B0] =	vst v63  }
0x34b: {  	_ =	swait.ge [sflag:s15], $0x2000  }
0x34c: {  	[sflag:s15] =	ssyncset.done $0x0  }
0x34d: {  	s31 =	simm.s32 $0x6780;
	[sflag:s15] =	ssyncadd.s32 $0xFFFFE000  }
0x34e: {  	[spmem:s5] =	stream.indirect.scatter.add.f32 [tilespmem:s31], [sflag:$0xA], $0x80, s20, s8, $0xb8;
	[tilespmem:$0x1EB80] =	vst v63  }
0x34f: {  	_ =	swait.ge [sflag:s29], $0x2000  }
0x350: {  	[sflag:s29] =	ssyncset.done $0x0  }
0x351: {  	[sflag:s29] =	ssyncadd.s32 $0xFFFFE000  }
0x352: {  	[tilespmem:$0xA980] =	vst v10  }
0x353: {  	[tilespmem:$0xA990] =	vst v10  }
0x354: {  	[tilespmem:$0xA9A0] =	vst v10  }
0x355: {  	s2 =	smov.u32 s17;
	[tilespmem:$0xA9B0] =	vst v10  }
.LBB2_25:
0x356: {  	p1 =	slt.s32 s2, $0x2710;
	s3 =	smov.u32 s2  }
0x357: {  	s3 =	simm.s32 @!p1 $0x2710  }
0x358: {  	v12 =	vmov s3;
	_ =	sdelay $0x4  }
0x359: {  	v12 =	vld.idx.msk [tilespmem:v12+s6+$0x0], $0xffff;
	_ =	sdelay $0x4  }
0x35a: {  	v12 =	vxor.u32 $0x80000000, v12  }
0x35b: {  	(xrf0) =	vmax.scan.msk.u32 $0xffff, v12;
	_ =	sdelay $0x5  }
0x35c: {  	v12, _, _ =	vpop (xrf0)  }
0x35d: {  	(v2sf) =	vpush v12, $0xF;
	_ =	sdelay $0xe  }
0x35e: {  	s31 =	spop (v2sf)  }
0x35f: {  	p1 =	sgt.s32 s2, $0x2710;
	s3 =	sxor.u32 $0x80000000, s31  }
0x360: {  	p2 =	sge.s32 @!p1 s3, s19  }
0x361: {  	p1 =	por p1, p2  }
.Ltmp18:
0x362: {  	_ = 	snop;
	(pc) =	sbr.rel @p1 .LBB2_27-.Ltmp18, $1  }
0x363: {  	_ =	sdelay $0x3  }
0x364: {  	v12 =	vadd.s32 s2, v8  }
0x365: {  	vm0 =	vlt.s32 v12, $0x2717  }
0x366: {  	v13 =	vnsel vm0, $0x2717, v12;
	_ =	sdelay $0x4  }
0x367: {  	v13 =	vld.idx.msk [tilespmem:v13+s6+$0x0], $0xffff;
	_ =	sdelay $0x4  }
0x368: {  	vm13 =	vlt.s32 v12, $0x2711;
	vm1 =	vlt.s32 v13, v5  }
0x369: {  	vm0 =	vmand vm13, vm1  }
0x36a: {  	v61 =	vmpcnt.ones.xlane vm0;
	_ =	sdelay $0x1  }
0x36b: {  	v12 =	vxor.u32 $0x80000000, v61  }
0x36c: {  	(xrf0) =	vmax.scan.msk.u32 $0xffff, v12;
	_ =	sdelay $0x4  }
0x36d: {  	v62 =	vadd.s32 s2, v11  }
0x36e: {  	vm14 =	vlt.s32 v62, $0x2717;
	v14, _, _ =	vpop (xrf0)  }
0x36f: {  	v15 =	vnsel vm14, $0x2717, v62;
	(v2sf) =	vpush v14, $0xF;
	_ =	sdelay $0x4  }
0x370: {  	v63 =	vld.idx.msk [tilespmem:v15+s6+$0x0], $0xffff;
	_ =	sdelay $0x4  }
0x371: {  	vm15 =	vne.s32 v13, v63  }
0x372: {  	vm0 =	vmand vm0, vm15  }
0x373: {  	v13 =	vsub.s32 v13, v4  }
.Ltmp19:
0x374: {  	_ = 	snop;
	(pc) =	sbr.rel .LBB2_25-.Ltmp19, $4  }
0x375: {  	_ = 	snop  }
0x376: {  	s3 =	spop (v2sf)  }
0x377: {  	s31 =	sadd.s32 s3, s2  }
0x378: {  	[tilespmem:v13+s20+$0x0] =	vst.idx.msk vm0, v62;
	s2 =	sadd.s32 $0x80000000, s31  }
.LBB2_27:
0x379: {  	v12 =	vld [tilespmem:$0xA980];
	_ =	sdelay $0x4  }
0x37a: {  	v12 =	vxor.u32 $0x80000000, v12  }
0x37b: {  	(xrf0) =	vmax.scan.msk.u32 $0xffff, v12;
	_ =	sdelay $0x1  }
0x37c: {  	v50 =	vld [tilespmem:$0xA990]  }
0x37d: {  	v13 =	vld [tilespmem:$0xA9A0]  }
0x37e: {  	v14 =	vld [tilespmem:$0xA9B0];
	_ =	sdelay $0x1  }
0x37f: {  	v15, _, _ =	vpop (xrf0)  }
0x380: {  	v12 =	vxor.u32 $0x80000000, v50;
	v15 =	vxor.u32 $0x80000000, v15  }
0x381: {  	v51 =	vxor.u32 $0x80000000, v13;
	(xrf0) =	vmax.scan.msk.u32 $0xffff, v12;
	vm0 =	vgt.s32 v15, s17  }
0x382: {  	v52 =	vxor.u32 $0x80000000, v14;
	(xrf0) =	vmax.scan.msk.u32 $0xffff, v51;
	v53 =	vnsel vm0, s17, v15  }
0x383: {  	(xrf0) =	vmax.scan.msk.u32 $0xffff, v52;
	v54 =	vxor.u32 $0x80000000, v53  }
0x384: {  	(xrf0) =	vmax.scan.msk.u32 $0xffff, v54;
	_ =	sdelay $0x2  }
0x385: {  	v55, _, _ =	vpop (xrf0)  }
0x386: {  	v56, _, _ =	vpop (xrf0)  }
0x387: {  	v57, _, _ =	vpop (xrf0)  }
0x388: {  	v16, _, _ =	vpop (xrf0)  }
0x389: {  	(v2sf) =	vpush v16, $0xF;
	_ =	sdelay $0xe  }
0x38a: {  	s3 =	spop (v2sf)  }
0x38b: {  	v12 =	vxor.u32 $0x80000000, v55;
	s3 =	sxor.u32 $0x80000000, s3  }
0x38c: {  	vm9 =	vgt.s32 v12, s3  }
0x38d: {  	v12 =	vnsel vm9, s3, v12  }
0x38e: {  	v58 =	vxor.u32 $0x80000000, v12  }
0x38f: {  	(xrf0) =	vmax.scan.msk.u32 $0xffff, v58;
	_ =	sdelay $0x5  }
0x390: {  	v16, _, _ =	vpop (xrf0)  }
0x391: {  	(v2sf) =	vpush v16, $0xF;
	_ =	sdelay $0xe  }
0x392: {  	s9 =	spop (v2sf)  }
0x393: {  	v14 =	vxor.u32 $0x80000000, v56;
	s3 =	sxor.u32 $0x80000000, s9  }
0x394: {  	vm10 =	vgt.s32 v14, s3  }
0x395: {  	v14 =	vnsel vm10, s3, v14  }
0x396: {  	v59 =	vxor.u32 $0x80000000, v14  }
0x397: {  	(xrf0) =	vmax.scan.msk.u32 $0xffff, v59;
	_ =	sdelay $0x5  }
0x398: {  	v16, _, _ =	vpop (xrf0)  }
0x399: {  	(v2sf) =	vpush v16, $0xF;
	_ =	sdelay $0xd  }
0x39a: {  	v13 =	vadd.s32 $0xFFFFFFFF, v53  }
0x39b: {  	vm11 =	vgt.s32 v13, $0x0;
	s17 =	spop (v2sf)  }
0x39c: {  	v13 =	vnsel vm11, $0x0, v13;
	v15 =	vxor.u32 $0x80000000, v57;
	s3 =	sxor.u32 $0x80000000, s17  }
0x39d: {  	v13 =	vmin.u32 v13, $0x270F;
	v12 =	vadd.s32 $0xFFFFFFFF, v12;
	vm12 =	vgt.s32 v15, s3  }
0x39e: {  	vm13 =	vgt.s32 v12, $0x0;
	v14 =	vadd.s32 $0xFFFFFFFF, v14;
	v15 =	vnsel vm12, s3, v15  }
0x39f: {  	v12 =	vnsel vm13, $0x0, v12;
	vm14 =	vgt.s32 v14, $0x0;
	v15 =	vadd.s32 $0xFFFFFFFF, v15  }
0x3a0: {  	[tilespmem:$0xA980] =	vst v13;
	v12 =	vmin.u32 v12, $0x270F;
	v60 =	vnsel vm14, $0x0, v14;
	vm15 =	vgt.s32 v15, $0x0  }
0x3a1: {  	[tilespmem:$0xA990] =	vst v12;
	v61 =	vmin.u32 v60, $0x270F;
	v62 =	vnsel vm15, $0x0, v15  }
0x3a2: {  	[tilespmem:$0xA9A0] =	vst v61;
	v63 =	vmin.u32 v62, $0x270F  }
0x3a3: {  	[tilespmem:$0xA9B0] =	vst v63  }
0x3a4: {  	_ =	swait.ge [sflag:s16], $0x2000  }
0x3a5: {  	[sflag:s16] =	ssyncset.done $0x0  }
0x3a6: {  	[sflag:s16] =	ssyncadd.s32 $0xFFFFE000  }
0x3a7: {  	[spmem:s5] =	stream.indirect.scatter.add.f32 [tilespmem:s23], [sflag:$0xA], $0x80, s20, s8, $0xb8;
	[tilespmem:$0x1EB80] =	vst v63  }
0x3a8: {  	_ =	swait.ge [sflag:s29], $0x2000  }
0x3a9: {  	s31 =	simm.s32 $0x9;
	[sflag:s29] =	ssyncset.done $0x0  }
0x3aa: {  	s9 =	simm.s32 $0xB200;
	s18 =	rddreg [dreg:$0x12];
	[sflag:s29] =	ssyncadd.s32 $0xFFFFE000  }
0x3ab: {  	[tilespmem:s9], [sflag:$0x9] =	stream.linear.gather [hbm4b:s18+s6], $0x10, $0x38;
	[tilespmem:$0x1EB80] =	vst v63  }
0x3ac: {  	_ =	swait.ge [sflag:s31], $0x10  }
0x3ad: {  	[sflag:s31] =	ssyncset.done $0x0  }
0x3ae: {  	[sflag:s31] =	ssyncadd.s32 $0xFFFFFFF0  }
0x3af: {  	[tilespmem:s14], [sflag:$0x9] =	stream.indirect.gather [hbm4b:s0+s12], $0x80, s9, s12, $0xb8;
	[tilespmem:$0x1EB80] =	vst v63  }
0x3b0: {  	_ =	swait.ge [sflag:s31], $0x800  }
0x3b1: {  	[sflag:s31] =	ssyncset.done $0x0  }
0x3b2: {  	[sflag:s31] =	ssyncadd.s32 $0xFFFFF800  }
0x3b3: {  	s17 =	simm.s32 $0xB280;
	s3 =	smov.u32 s2;
	[tilespmem:$0xB280] =	vst v10  }
.LBB2_28:
0x3b4: {  	p1 =	slt.s32 s3, $0x2710;
	s9 =	smov.u32 s3  }
0x3b5: {  	s9 =	simm.s32 @!p1 $0x2710  }
0x3b6: {  	v12 =	vmov s9;
	_ =	sdelay $0x4  }
0x3b7: {  	v12 =	vld.idx.msk [tilespmem:v12+s6+$0x0], $0xffff;
	_ =	sdelay $0x4  }
0x3b8: {  	v12 =	vxor.u32 $0x80000000, v12  }
0x3b9: {  	(xrf0) =	vmax.scan.msk.u32 $0xffff, v12;
	_ =	sdelay $0x5  }
0x3ba: {  	v12, _, _ =	vpop (xrf0)  }
0x3bb: {  	(v2sf) =	vpush v12, $0xF;
	_ =	sdelay $0xe  }
0x3bc: {  	s31 =	spop (v2sf)  }
0x3bd: {  	p1 =	sgt.s32 s3, $0x2710;
	s9 =	sxor.u32 $0x80000000, s31  }
0x3be: {  	p2 =	sge.s32 @!p1 s9, s28  }
0x3bf: {  	p1 =	por p1, p2  }
.Ltmp20:
0x3c0: {  	_ = 	snop;
	(pc) =	sbr.rel @p1 .LBB2_30-.Ltmp20, $1  }
0x3c1: {  	_ =	sdelay $0x3  }
0x3c2: {  	v12 =	vadd.s32 s3, v8  }
0x3c3: {  	vm0 =	vlt.s32 v12, $0x2717  }
0x3c4: {  	v13 =	vnsel vm0, $0x2717, v12;
	_ =	sdelay $0x4  }
0x3c5: {  	v13 =	vld.idx.msk [tilespmem:v13+s6+$0x0], $0xffff;
	_ =	sdelay $0x4  }
0x3c6: {  	vm13 =	vlt.s32 v12, $0x2711;
	vm1 =	vlt.s32 v13, v6  }
0x3c7: {  	vm0 =	vmand vm13, vm1  }
0x3c8: {  	v61 =	vmpcnt.ones.xlane vm0;
	_ =	sdelay $0x1  }
0x3c9: {  	v12 =	vxor.u32 $0x80000000, v61  }
0x3ca: {  	(xrf0) =	vmax.scan.msk.u32 $0xffff, v12;
	_ =	sdelay $0x4  }
0x3cb: {  	v62 =	vadd.s32 s3, v11  }
0x3cc: {  	vm14 =	vlt.s32 v62, $0x2717;
	v14, _, _ =	vpop (xrf0)  }
0x3cd: {  	v15 =	vnsel vm14, $0x2717, v62;
	(v2sf) =	vpush v14, $0xF;
	_ =	sdelay $0x4  }
0x3ce: {  	v63 =	vld.idx.msk [tilespmem:v15+s6+$0x0], $0xffff;
	_ =	sdelay $0x4  }
0x3cf: {  	vm15 =	vne.s32 v13, v63  }
0x3d0: {  	vm0 =	vmand vm0, vm15  }
0x3d1: {  	v13 =	vsub.s32 v13, v5  }
.Ltmp21:
0x3d2: {  	_ = 	snop;
	(pc) =	sbr.rel .LBB2_28-.Ltmp21, $4  }
0x3d3: {  	_ = 	snop  }
0x3d4: {  	s9 =	spop (v2sf)  }
0x3d5: {  	s31 =	sadd.s32 s9, s3  }
0x3d6: {  	[tilespmem:v13+s17+$0x0] =	vst.idx.msk vm0, v62;
	s3 =	sadd.s32 $0x80000000, s31  }
.LBB2_31:
0x3d7: {  	_ =	sfence.sel $0x180000  }
0x3d8: {  	[bflag:$0x0] =	sbarrier.arrive $0xFFFF  }
0x3d9: {  	_ =	strace $0x90000047  }
0x3da: {  	s0 =	stileid.u32;
	[bflag:$0x2] =	sbarrier.arrive $0xFFFF  }
0x3db: {  	p0 =	sne.s32 s0, $0x0;
	s0 =	rddreg [dreg:$0x5]  }
0x3dc: {  	s0 =	sadd.s32 @!p0 $0x100000, s0  }
0x3dd: {  	[sflag:s0] =	ssyncadd.tile.s32 @!p0 $0x1;
	_ =	shalt  }
.Lfunc_end2:
_tile_overlayer_lowered:
.L_overlay_start_2:
0x3de: {  	(tag) =	ssettag $0x2  }
0x3df: {  	s0 =	rddreg [dreg:$0x0];
	s2 =	stileid.u32  }
0x3e0: {  	s1 =	rddreg [dreg:$0x1];
	p0 =	sne.s32 s2, $0x0  }
0x3e1: {  	s3 =	rddreg [dreg:$0x2];
	[bflag:$0x3] =	sbarrier.arrive $0xFFFF;
	s2 =	simm.s32 @!p0 $0x1C0A  }
0x3e2: {  	[timem:s3], [sflag:s2] =	dma.local @!p0 [hbm:s0], s1  }
0x3e3: {  	s0 =	simm.s32 @!p0 $0xA  }
0x3e4: {  	_ =	swait.ge @!p0 [sflag:s0], s1  }
0x3e5: {  	s1 =	ssub.s32 @!p0 $0x0, s1;
	[sflag:s0] =	ssyncset.done @!p0 $0x0  }
0x3e6: {  	[sflag:s0] =	ssyncadd.s32 @!p0 s1  }
0x3e7: {  	[bflag:$0x3] =	sbarrier.arrive $0xFFFF  }
0x3e8: {  	_ =	shalt  }

</sc_bundles>
